<compile_context>
chip_gen: v7x
topology: tpu7x:2x2x1
jax: 0.10.2.dev20260603
libtpu: 0.0.44.dev20260713+nightly
codegen_flags: <defaults>
</compile_context>

<pallas_src>
import functools

import jax
import jax.numpy as jnp
from jax import lax
from jax.experimental import pallas as pl
from jax.experimental.pallas import tpu as pltpu
from jax.experimental.pallas import tpu_sc as plsc

N = 100000
E = 1600000
IN_DIM = 2
OUT_DIM = 214

NPAD = 100352
NB128 = NPAD // 128
TRASH = NPAD - 1

NC = 2
NSUB = 16
NW = NC * NSUB
GSZ = 2048
NB = 5
G_A = 35
G_B = 15
EPAD = NSUB * (G_A + G_B) * GSZ
NSLICE = NPAD // NSUB

RB = 512
GRID = NPAD // RB

@functools.cache
def _mesh():
    return plsc.VectorSubcoreMesh(core_axis_name="c", subcore_axis_name="s",
                                  num_cores=NC, num_subcores=NSUB)



def _deg_body(dst_hbm, zeros_hbm, out_hbm, *scr):
    idxs = scr[0:NB]
    ones_v, shared_deg, ssem = scr[NB:]
    c = lax.axis_index("c")
    t = lax.axis_index("s")
    gc = jnp.where(c == 0, G_A, G_B)
    base = (c * NSUB * G_A + t * gc) * GSZ

    def fill(i, carry):
        ones_v[pl.ds(i * 16, 16)] = jnp.ones((16,), jnp.float32)
        return carry

    lax.fori_loop(0, GSZ // 16, fill, 0)

    @pl.when(t == 0)
    def _():
        pltpu.sync_copy(zeros_hbm, shared_deg)

    plsc.subcore_barrier()

    def body(i, carry):
        g0 = i * NB
        sd = []
        for j in range(NB):
            pltpu.sync_copy(dst_hbm.at[pl.ds(base + (g0 + j) * GSZ, GSZ)],
                            idxs[j])
            sd.append(pltpu.async_copy(ones_v, shared_deg.at[idxs[j]], ssem,
                                       add=True))
        for d in sd:
            d.wait()
        return carry

    lax.fori_loop(0, gc // NB, body, 0)
    plsc.subcore_barrier()
    pltpu.sync_copy(shared_deg.at[pl.ds(t * NSLICE, NSLICE)],
                    out_hbm.at[pl.ds(c * NPAD + t * NSLICE, NSLICE)])


@functools.cache
def _deg_call():
    return pl.kernel(
        _deg_body,
        out_type=jax.ShapeDtypeStruct((NC * NPAD,), jnp.float32),
        mesh=_mesh(),
        scratch_types=(
            [pltpu.VMEM((GSZ,), jnp.int32)] * NB
            + [pltpu.VMEM((GSZ,), jnp.float32),
               pltpu.VMEM_SHARED((NPAD,), jnp.float32),
               pltpu.SemaphoreType.DMA]
        ),
    )



def _sct_body(src_hbm, dst_hbm, y0_hbm, y1_hbm, out0_hbm, out1_hbm, *scr):
    sidxs = scr[0:NB]
    didxs = scr[NB:2 * NB]
    vals0 = scr[2 * NB:3 * NB]
    vals1 = scr[3 * NB:4 * NB]
    gsems = scr[4 * NB:5 * NB]
    sh_y0, sh_y1, sh_s0, sh_s1, ssa, ssb = scr[5 * NB:]
    c = lax.axis_index("c")
    t = lax.axis_index("s")
    gc = jnp.where(c == 0, G_A, G_B)
    base = (c * NSUB * G_A + t * gc) * GSZ
    lo = t * NSLICE

    zb = vals0[0]

    def zfill(k, carry):
        zb[pl.ds(k * 16, 16)] = jnp.zeros((16,), jnp.float32)
        return carry

    lax.fori_loop(0, GSZ // 16, zfill, 0)
    for shs in (sh_s0, sh_s1):
        def zslice(k, carry, shs=shs):
            pltpu.sync_copy(zb, shs.at[pl.ds(lo + k * GSZ, GSZ)])
            return carry

        lax.fori_loop(0, NSLICE // GSZ, zslice, 0)
        pltpu.sync_copy(zb.at[pl.ds(0, NSLICE % GSZ)],
                        shs.at[pl.ds(lo + (NSLICE // GSZ) * GSZ,
                                     NSLICE % GSZ)])
    pltpu.sync_copy(y0_hbm.at[pl.ds(lo, NSLICE)], sh_y0.at[pl.ds(lo, NSLICE)])
    pltpu.sync_copy(y1_hbm.at[pl.ds(lo, NSLICE)], sh_y1.at[pl.ds(lo, NSLICE)])
    plsc.subcore_barrier()

    def sat(g):
        return src_hbm.at[pl.ds(base + g * GSZ, GSZ)]

    def dat(g):
        return dst_hbm.at[pl.ds(base + g * GSZ, GSZ)]

    def body(i, carry):
        g0 = i * NB
        gd = []
        for j in range(NB):
            pltpu.sync_copy(sat(g0 + j), sidxs[j])
            pltpu.sync_copy(dat(g0 + j), didxs[j])
            gd.append((pltpu.async_copy(sh_y0.at[sidxs[j]], vals0[j],
                                        gsems[j]),
                       pltpu.async_copy(sh_y1.at[sidxs[j]], vals1[j],
                                        gsems[j])))
        sd = []
        for j in range(NB):
            gd[j][0].wait()
            gd[j][1].wait()
            sd.append((pltpu.async_copy(vals0[j], sh_s0.at[didxs[j]], ssa,
                                        add=True),
                       pltpu.async_copy(vals1[j], sh_s1.at[didxs[j]], ssb,
                                        add=True)))
        for j in range(NB):
            sd[j][0].wait()
            sd[j][1].wait()
        return carry

    lax.fori_loop(0, gc // NB, body, 0)
    plsc.subcore_barrier()
    pltpu.sync_copy(sh_s0.at[pl.ds(lo, NSLICE)],
                    out0_hbm.at[pl.ds(c * NPAD + lo, NSLICE)])
    pltpu.sync_copy(sh_s1.at[pl.ds(lo, NSLICE)],
                    out1_hbm.at[pl.ds(c * NPAD + lo, NSLICE)])


@functools.cache
def _sct_call():
    return pl.kernel(
        _sct_body,
        out_type=(
            jax.ShapeDtypeStruct((NC * NPAD,), jnp.float32),
            jax.ShapeDtypeStruct((NC * NPAD,), jnp.float32),
        ),
        mesh=_mesh(),
        scratch_types=(
            [pltpu.VMEM((GSZ,), jnp.int32)] * (2 * NB)
            + [pltpu.VMEM((GSZ,), jnp.float32)] * (2 * NB)
            + [pltpu.SemaphoreType.DMA] * NB
            + [pltpu.VMEM_SHARED((NPAD,), jnp.float32)] * 4
            + [pltpu.SemaphoreType.DMA] * 2
        ),
    )



def _prep_body(degp_ref, xT_ref, dinv_ref, yT_ref):
    deg = degp_ref[0] + degp_ref[1] + 1.0
    dinv = lax.rsqrt(deg)
    dinv_ref[...] = dinv
    yT_ref[0] = xT_ref[0] * dinv
    yT_ref[1] = xT_ref[1] * dinv


def _prep_call(degp3, xT3):
    return pl.pallas_call(
        _prep_body,
        out_shape=(
            jax.ShapeDtypeStruct((NB128, 128), jnp.float32),
            jax.ShapeDtypeStruct((IN_DIM, NB128, 128), jnp.float32),
        ),
    )(degp3, xT3)



D1R = 8
D1G = NB128 // D1R


def _d1_body(o00, o01, y0b, o10, o11, y1b, dv, WTr, bc, gc, betac,
             acc0_ref, acc1_ref, scale_ref, shift_ref, ssum, ssq):
    i = pl.program_id(0)

    @pl.when(i == 0)
    def _():
        ssum[...] = jnp.zeros_like(ssum)
        ssq[...] = jnp.zeros_like(ssq)

    acc0 = (o00[...] + o01[...] + y0b[...]) * dv[...]
    acc1 = (o10[...] + o11[...] + y1b[...]) * dv[...]
    acc0_ref[...] = acc0
    acc1_ref[...] = acc1
    w0 = WTr[:, 0:1]
    w1 = WTr[:, 1:2]
    lane = lax.broadcasted_iota(jnp.int32, (1, 128), 1)
    su = ssum[...]
    sq = ssq[...]
    for j in range(D1R):
        h1 = jnp.maximum(w0 * acc0[j:j + 1, :] + w1 * acc1[j:j + 1, :]
                         + bc[...], 0.0)
        node = (i * D1R + j) * 128 + lane
        h1 = jnp.where(node < N, h1, 0.0)
        su = su + h1
        sq = sq + h1 * h1
    ssum[...] = su
    ssq[...] = sq

    @pl.when(i == pl.num_programs(0) - 1)
    def _():
        mean = jnp.sum(su, axis=1, keepdims=True) * (1.0 / N)
        ex2 = jnp.sum(sq, axis=1, keepdims=True) * (1.0 / N)
        var = ex2 - mean * mean
        rstd = lax.rsqrt(var + 1e-5)
        scale_ref[...] = gc[...] * rstd
        shift_ref[...] = betac[...] - mean * gc[...] * rstd


def _d1_call(o00, o01, y0b, o10, o11, y1b, dinvb, WT, bc, gc, betac):
    blk = pl.BlockSpec((D1R, 128), lambda i: (i, 0))
    col = pl.BlockSpec((OUT_DIM, 1), lambda i: (0, 0))
    return pl.pallas_call(
        _d1_body,
        grid=(D1G,),
        in_specs=[blk, blk, blk, blk, blk, blk, blk,
                  pl.BlockSpec((OUT_DIM, IN_DIM), lambda i: (0, 0)),
                  col, col, col],
        out_specs=(blk, blk, col, col),
        out_shape=(
            jax.ShapeDtypeStruct((NB128, 128), jnp.float32),
            jax.ShapeDtypeStruct((NB128, 128), jnp.float32),
            jax.ShapeDtypeStruct((OUT_DIM, 1), jnp.float32),
            jax.ShapeDtypeStruct((OUT_DIM, 1), jnp.float32),
        ),
        scratch_shapes=[
            pltpu.VMEM((OUT_DIM, 128), jnp.float32),
            pltpu.VMEM((OUT_DIM, 128), jnp.float32),
        ],
    )(o00, o01, y0b, o10, o11, y1b, dinvb, WT, bc, gc, betac)



D2R = 8
D2G = NB128 // D2R


def _d2_body(acc0b, acc1b, WTr, bc, scale, shift, fcW_r, fcb_r,
             out1_ref, out2_ref):
    w0 = WTr[:, 0:1]
    w1 = WTr[:, 1:2]
    sc = scale[...]
    sh = shift[...]
    ones = jnp.ones((OUT_DIM, 1), jnp.float32)
    for j in range(D2R):
        h1 = jnp.maximum(w0 * acc0b[j:j + 1, :] + w1 * acc1b[j:j + 1, :]
                         + bc[...], 0.0)
        hbnT = h1 * sc + sh
        h2 = lax.dot_general(hbnT.astype(jnp.bfloat16), fcW_r[...],
                             (((0,), (0,)), ((), ())),
                             preferred_element_type=jnp.float32)
        h2 = h2 + fcb_r[...]
        s = lax.dot_general(jnp.exp(h2), ones,
                            (((1,), (0,)), ((), ())),
                            preferred_element_type=jnp.float32)
        lse = jnp.log(s)
        out1_ref[pl.ds(j * 128, 128), :] = h2 - lse
        out2_ref[pl.ds(j * 128, 128), :] = h2


def _d2_call(acc0, acc1, WT, bc, scale, shift, fcW, fcb2):
    blk = pl.BlockSpec((D2R, 128), lambda i: (i, 0))
    col = pl.BlockSpec((OUT_DIM, 1), lambda i: (0, 0))
    return pl.pallas_call(
        _d2_body,
        grid=(D2G,),
        in_specs=[blk, blk,
                  pl.BlockSpec((OUT_DIM, IN_DIM), lambda i: (0, 0)),
                  col, col, col,
                  pl.BlockSpec((OUT_DIM, OUT_DIM), lambda i: (0, 0)),
                  pl.BlockSpec((1, OUT_DIM), lambda i: (0, 0))],
        out_specs=(
            pl.BlockSpec((D2R * 128, OUT_DIM), lambda i: (i, 0)),
            pl.BlockSpec((D2R * 128, OUT_DIM), lambda i: (i, 0)),
        ),
        out_shape=(
            jax.ShapeDtypeStruct((N, OUT_DIM), jnp.float32),
            jax.ShapeDtypeStruct((N, OUT_DIM), jnp.float32),
        ),
    )(acc0, acc1, WT, bc, scale, shift, fcW, fcb2)



def kernel(x, edge_index, W, b, gamma, beta, fcW, fcb):
    ei = edge_index.astype(jnp.int32)
    padlen = EPAD - E
    pad = jnp.full((padlen,), TRASH, jnp.int32)
    src3 = jnp.concatenate([ei[0], pad])
    dst3 = jnp.concatenate([ei[1], pad])

    xpad = jnp.pad(x, ((0, NPAD - N), (0, 0)))
    xT3 = xpad.T.reshape(IN_DIM, NB128, 128)
    zeros_n = jnp.zeros((NPAD,), jnp.float32)

    degp = _deg_call()(dst3, zeros_n).reshape(NC, NB128, 128)
    dinvb, yT = _prep_call(degp, xT3)
    y0 = yT[0].reshape(NPAD)
    y1 = yT[1].reshape(NPAD)

    s0f, s1f = _sct_call()(src3, dst3, y0, y1)
    s0p = s0f.reshape(NC, NB128, 128)
    s1p = s1f.reshape(NC, NB128, 128)

    WT = W.T
    bc = b.reshape(OUT_DIM, 1)
    gc = gamma.reshape(OUT_DIM, 1)
    betac = beta.reshape(OUT_DIM, 1)
    fcb2 = fcb.reshape(1, OUT_DIM)
    acc0, acc1, scale, shift = _d1_call(
        s0p[0], s0p[1], yT[0], s1p[0], s1p[1], yT[1],
        dinvb, WT, bc, gc, betac)
    out1, out2 = _d2_call(acc0, acc1, WT, bc, scale, shift,
                          fcW.astype(jnp.bfloat16), fcb2)
    return out1, out2

# --- scband reference (transcript-rebuilt; emitter-appended) ---
"""Pipeline reference for scband-map-graph-net-16217796510182 (READ-ONLY COPY).

The authoritative reference and input builder live on the scoring server;
editing this copy changes nothing except your own understanding.
"""

import jax, jax.numpy as jnp
import numpy as np

N_NODES = 100000
N_EDGES = 1600000
IN_DIM = 2
OUT_DIM = 214  # dataset == 'icube'


def setup_inputs(seed: int = 0) -> dict:
    key = jax.random.key(seed)
    k_x, k_e, k_w, k_b, k_fw, k_fb = jax.random.split(key, 6)
    x = jax.random.normal(k_x, (N_NODES, IN_DIM), dtype=jnp.float32)
    edge_index = jax.random.randint(k_e, (2, N_EDGES), 0, N_NODES, dtype=jnp.int64)
    # GCNConv parameters
    W = jax.random.normal(k_w, (IN_DIM, OUT_DIM), dtype=jnp.float32) * 0.1
    b = jax.random.normal(k_b, (OUT_DIM,), dtype=jnp.float32) * 0.1
    # BatchNorm1d affine parameters
    gamma = jnp.ones((OUT_DIM,), dtype=jnp.float32)
    beta = jnp.zeros((OUT_DIM,), dtype=jnp.float32)
    # fc1 Linear parameters
    fcW = jax.random.normal(k_fw, (OUT_DIM, OUT_DIM), dtype=jnp.float32) * 0.05
    fcb = jax.random.normal(k_fb, (OUT_DIM,), dtype=jnp.float32) * 0.05
    return {"x": x, "edge_index": edge_index, "W": W, "b": b,
            "gamma": gamma, "beta": beta, "fcW": fcW, "fcb": fcb}


def _gcn_conv(x, edge_index, W, b):
    # GCNConv: D^{-1/2} (A + I) D^{-1/2} X W + b
    N = x.shape[0]
    loop = jnp.arange(N, dtype=edge_index.dtype)
    src = jnp.concatenate([edge_index[0], loop])
    dst = jnp.concatenate([edge_index[1], loop])
    h = x @ W  # [N, OUT_DIM]
    deg = jnp.zeros((N,), dtype=h.dtype).at[dst].add(1.0)
    dinv = 1.0 / jnp.sqrt(jnp.maximum(deg, 1.0))
    norm = dinv[src] * dinv[dst]  # [E+N]
    msg = h[src] * norm[:, None]  # gather (memory-bound)
    agg = jnp.zeros_like(h).at[dst].add(msg)  # scatter-add
    return agg + b


def reference(x, edge_index, W, b, gamma, beta, fcW, fcb):
    h = _gcn_conv(x, edge_index, W, b)
    h = jax.nn.relu(h)
    # BatchNorm1d with batch statistics (training-mode math; biased variance as torch)
    mean = jnp.mean(h, axis=0)
    var = jnp.mean((h - mean) ** 2, axis=0)
    h = (h - mean) / jnp.sqrt(var + 1e-5) * gamma + beta
    # dropout is identity in eval mode
    h = h @ fcW + fcb
    return jax.nn.log_softmax(h, axis=1), h

if __name__ == "__main__":
    import jax
    _d = setup_inputs()
    print(jax.jit(kernel)(*tuple(_d.values())))

</pallas_src>

<mosaic_0001>
#map = affine_map<(d0, d1) -> (0)>
module attributes {stable_mosaic.version = 14 : i64} {
  func.func @_sct_body(%arg0: i32, %arg1: i32, %arg2: memref<1638400xi32, #tpu.memory_space<hbm>>, %arg3: memref<1638400xi32, #tpu.memory_space<hbm>>, %arg4: memref<100352xf32, #tpu.memory_space<hbm>>, %arg5: memref<100352xf32, #tpu.memory_space<hbm>>, %arg6: memref<200704xf32, #tpu.memory_space<hbm>>, %arg7: memref<200704xf32, #tpu.memory_space<hbm>>, %arg8: memref<2048xi32, #tpu.memory_space<vmem>>, %arg9: memref<2048xi32, #tpu.memory_space<vmem>>, %arg10: memref<2048xi32, #tpu.memory_space<vmem>>, %arg11: memref<2048xi32, #tpu.memory_space<vmem>>, %arg12: memref<2048xi32, #tpu.memory_space<vmem>>, %arg13: memref<2048xi32, #tpu.memory_space<vmem>>, %arg14: memref<2048xi32, #tpu.memory_space<vmem>>, %arg15: memref<2048xi32, #tpu.memory_space<vmem>>, %arg16: memref<2048xi32, #tpu.memory_space<vmem>>, %arg17: memref<2048xi32, #tpu.memory_space<vmem>>, %arg18: memref<2048xf32, #tpu.memory_space<vmem>>, %arg19: memref<2048xf32, #tpu.memory_space<vmem>>, %arg20: memref<2048xf32, #tpu.memory_space<vmem>>, %arg21: memref<2048xf32, #tpu.memory_space<vmem>>, %arg22: memref<2048xf32, #tpu.memory_space<vmem>>, %arg23: memref<2048xf32, #tpu.memory_space<vmem>>, %arg24: memref<2048xf32, #tpu.memory_space<vmem>>, %arg25: memref<2048xf32, #tpu.memory_space<vmem>>, %arg26: memref<2048xf32, #tpu.memory_space<vmem>>, %arg27: memref<2048xf32, #tpu.memory_space<vmem>>, %arg28: memref<!tpu.dma_semaphore, #tpu.memory_space<semaphore_mem>>, %arg29: memref<!tpu.dma_semaphore, #tpu.memory_space<semaphore_mem>>, %arg30: memref<!tpu.dma_semaphore, #tpu.memory_space<semaphore_mem>>, %arg31: memref<!tpu.dma_semaphore, #tpu.memory_space<semaphore_mem>>, %arg32: memref<!tpu.dma_semaphore, #tpu.memory_space<semaphore_mem>>, %arg33: memref<100352xf32, #tpu.memory_space<vmem_shared>>, %arg34: memref<100352xf32, #tpu.memory_space<vmem_shared>>, %arg35: memref<100352xf32, #tpu.memory_space<vmem_shared>>, %arg36: memref<100352xf32, #tpu.memory_space<vmem_shared>>, %arg37: memref<!tpu.dma_semaphore, #tpu.memory_space<semaphore_mem>>, %arg38: memref<!tpu.dma_semaphore, #tpu.memory_space<semaphore_mem>>) attributes {dimension_semantics = [#tpu.dimension_semantics<core_parallel>, #tpu.dimension_semantics<subcore_parallel>], iteration_bounds = array<i64: 2, 16>, scalar_prefetch = 0 : i64, scratch_operands = 31 : i64, tpu.core_type = #tpu.core_type<sc_vector_subcore>, window_params = [{transform_indices = #map}, {transform_indices = #map}, {transform_indices = #map}, {transform_indices = #map}, {transform_indices = #map}, {transform_indices = #map}]} {
    %eq3A = arith.constant 0 : i32
    %eq3A_0 = arith.cmpi eq, %arg0, %eq3A : i32
    %jit3A = arith.constant 35 : i32
    %jit3A_1 = arith.constant 15 : i32
    %select_n3A = arith.select %eq3A_0, %jit3A, %jit3A_1 : i32
    %mul3A = arith.constant 16 : i32
    %mul3A_2 = arith.muli %arg0, %mul3A : i32
    %mul3A_3 = arith.constant 35 : i32
    %mul3A_4 = arith.muli %mul3A_2, %mul3A_3 : i32
    %mul3A_5 = arith.muli %arg1, %select_n3A : i32
    %add3A = arith.addi %mul3A_4, %mul3A_5 : i32
    %mul3A_6 = arith.constant 2048 : i32
    %mul3A_7 = arith.muli %add3A, %mul3A_6 : i32
    %mul3A_8 = arith.constant 6272 : i32
    %mul3A_9 = arith.muli %arg1, %mul3A_8 : i32
    %scan3A = arith.constant 0 : i32
    %scan3A_10 = arith.constant 0 : i32
    %scan3A_11 = arith.constant 128 : i32
    %scan3A_12 = arith.addi %scan3A_10, %scan3A_11 : i32
    %scan3A_13 = arith.constant 1 : i32
    scf.for %scan3A_65 = %scan3A_10 to %scan3A_12 step %scan3A_13  : i32 {
      %broadcast_in_dim3A = arith.constant 0.000000e+00 : f32
      %broadcast_in_dim3A_66 = vector.broadcast %broadcast_in_dim3A : f32 to vector<16xf32>
      %mul3A_67 = arith.constant 16 : i32
      %mul3A_68 = arith.muli %scan3A_65, %mul3A_67 : i32
      %swap3A = arith.index_cast %mul3A_68 : i32 to index
      %swap3A_69 = tpu.vector_load %arg18[%swap3A] {strides = array<i32>} : memref<2048xf32, #tpu.memory_space<vmem>>, vector<16xf32>,
      %swap3A_70 = vector.shape_cast %swap3A_69 : vector<16xf32> to vector<16xf32>
      %swap3A_71 = vector.shape_cast %broadcast_in_dim3A_66 : vector<16xf32> to vector<16xf32>
      tpu.vector_store %arg18[%swap3A], %swap3A_71 {strides = array<i32>} : memref<2048xf32, #tpu.memory_space<vmem>>, vector<16xf32>,
    }
    %scan3A_14 = arith.constant 128 : i32
    %scan3A_15 = arith.constant 0 : i32
    %scan3A_16 = arith.constant 0 : i32
    %scan3A_17 = arith.constant 3 : i32
    %scan3A_18 = arith.addi %scan3A_16, %scan3A_17 : i32
    %scan3A_19 = arith.constant 1 : i32
    scf.for %scan3A_65 = %scan3A_16 to %scan3A_18 step %scan3A_19  : i32 {
      %mul3A_66 = arith.constant 2048 : i32
      %mul3A_67 = arith.muli %scan3A_65, %mul3A_66 : i32
      %add3A_68 = arith.addi %mul3A_9, %mul3A_67 : i32
      "tpu.region"() ({
        %run_scoped3A = tpu.sem_alloc : memref<!tpu.dma_semaphore, #tpu.memory_space<semaphore_mem>>
        %dma_start3A = tpu.memref_slice %arg35[%add3A_68] : memref<100352xf32, #tpu.memory_space<vmem_shared>> -> memref<2048xf32, #tpu.memory_space<vmem_shared>>
        %dma_start3A_69 = tpu.memref_slice %arg35[%add3A_68] : memref<100352xf32, #tpu.memory_space<vmem_shared>> -> memref<2048xf32, #tpu.memory_space<vmem_shared>>
        tpu.enqueue_dma source(%arg18 : memref<2048xf32, #tpu.memory_space<vmem>>) target(%dma_start3A_69 : memref<2048xf32, #tpu.memory_space<vmem_shared>>) target_semaphore(%run_scoped3A : memref<!tpu.dma_semaphore, #tpu.memory_space<semaphore_mem>>)
        %dma_wait3A = tpu.memref_slice %arg35[%add3A_68] : memref<100352xf32, #tpu.memory_space<vmem_shared>> -> memref<2048xf32, #tpu.memory_space<vmem_shared>>
        %dma_wait3A_70 = tpu.memref_slice %arg35[%add3A_68] : memref<100352xf32, #tpu.memory_space<vmem_shared>> -> memref<2048xf32, #tpu.memory_space<vmem_shared>>
        tpu.wait_dma2 semaphore(%run_scoped3A : memref<!tpu.dma_semaphore, #tpu.memory_space<semaphore_mem>>) src(%arg18 : memref<2048xf32, #tpu.memory_space<vmem>>) dst(%dma_wait3A_70 : memref<2048xf32, #tpu.memory_space<vmem_shared>>)
        tpu.yield
      }) : () -> ()
    }
    %scan3A_20 = arith.constant 3 : i32
    %add3A_21 = arith.constant 6144 : i32
    %add3A_22 = arith.addi %mul3A_9, %add3A_21 : i32
    "tpu.region"() ({
      %run_scoped3A = tpu.sem_alloc : memref<!tpu.dma_semaphore, #tpu.memory_space<semaphore_mem>>
      %dma_start3A = arith.constant 0 : i32
      %dma_start3A_65 = tpu.memref_slice %arg18[%dma_start3A] : memref<2048xf32, #tpu.memory_space<vmem>> -> memref<128xf32, #tpu.memory_space<vmem>>
      %dma_start3A_66 = tpu.memref_slice %arg35[%add3A_22] : memref<100352xf32, #tpu.memory_space<vmem_shared>> -> memref<128xf32, #tpu.memory_space<vmem_shared>>
      %dma_start3A_67 = tpu.memref_slice %arg35[%add3A_22] : memref<100352xf32, #tpu.memory_space<vmem_shared>> -> memref<128xf32, #tpu.memory_space<vmem_shared>>
      %dma_start3A_68 = arith.constant 0 : i32
      %dma_start3A_69 = tpu.memref_slice %arg18[%dma_start3A_68] : memref<2048xf32, #tpu.memory_space<vmem>> -> memref<128xf32, #tpu.memory_space<vmem>>
      tpu.enqueue_dma source(%dma_start3A_69 : memref<128xf32, #tpu.memory_space<vmem>>) target(%dma_start3A_67 : memref<128xf32, #tpu.memory_space<vmem_shared>>) target_semaphore(%run_scoped3A : memref<!tpu.dma_semaphore, #tpu.memory_space<semaphore_mem>>)
      %dma_wait3A = arith.constant 0 : i32
      %dma_wait3A_70 = tpu.memref_slice %arg18[%dma_wait3A] : memref<2048xf32, #tpu.memory_space<vmem>> -> memref<128xf32, #tpu.memory_space<vmem>>
      %dma_wait3A_71 = tpu.memref_slice %arg35[%add3A_22] : memref<100352xf32, #tpu.memory_space<vmem_shared>> -> memref<128xf32, #tpu.memory_space<vmem_shared>>
      %dma_wait3A_72 = tpu.memref_slice %arg35[%add3A_22] : memref<100352xf32, #tpu.memory_space<vmem_shared>> -> memref<128xf32, #tpu.memory_space<vmem_shared>>
      %dma_wait3A_73 = arith.constant 0 : i32
      %dma_wait3A_74 = tpu.memref_slice %arg18[%dma_wait3A_73] : memref<2048xf32, #tpu.memory_space<vmem>> -> memref<128xf32, #tpu.memory_space<vmem>>
      tpu.wait_dma2 semaphore(%run_scoped3A : memref<!tpu.dma_semaphore, #tpu.memory_space<semaphore_mem>>) src(%dma_wait3A_74 : memref<128xf32, #tpu.memory_space<vmem>>) dst(%dma_wait3A_72 : memref<128xf32, #tpu.memory_space<vmem_shared>>)
      tpu.yield
    }) : () -> ()
    %scan3A_23 = arith.constant 0 : i32
    %scan3A_24 = arith.constant 0 : i32
    %scan3A_25 = arith.constant 3 : i32
    %scan3A_26 = arith.addi %scan3A_24, %scan3A_25 : i32
    %scan3A_27 = arith.constant 1 : i32
    scf.for %scan3A_65 = %scan3A_24 to %scan3A_26 step %scan3A_27  : i32 {
      %mul3A_66 = arith.constant 2048 : i32
      %mul3A_67 = arith.muli %scan3A_65, %mul3A_66 : i32
      %add3A_68 = arith.addi %mul3A_9, %mul3A_67 : i32
      "tpu.region"() ({
        %run_scoped3A = tpu.sem_alloc : memref<!tpu.dma_semaphore, #tpu.memory_space<semaphore_mem>>
        %dma_start3A = tpu.memref_slice %arg36[%add3A_68] : memref<100352xf32, #tpu.memory_space<vmem_shared>> -> memref<2048xf32, #tpu.memory_space<vmem_shared>>
        %dma_start3A_69 = tpu.memref_slice %arg36[%add3A_68] : memref<100352xf32, #tpu.memory_space<vmem_shared>> -> memref<2048xf32, #tpu.memory_space<vmem_shared>>
        tpu.enqueue_dma source(%arg18 : memref<2048xf32, #tpu.memory_space<vmem>>) target(%dma_start3A_69 : memref<2048xf32, #tpu.memory_space<vmem_shared>>) target_semaphore(%run_scoped3A : memref<!tpu.dma_semaphore, #tpu.memory_space<semaphore_mem>>)
        %dma_wait3A = tpu.memref_slice %arg36[%add3A_68] : memref<100352xf32, #tpu.memory_space<vmem_shared>> -> memref<2048xf32, #tpu.memory_space<vmem_shared>>
        %dma_wait3A_70 = tpu.memref_slice %arg36[%add3A_68] : memref<100352xf32, #tpu.memory_space<vmem_shared>> -> memref<2048xf32, #tpu.memory_space<vmem_shared>>
        tpu.wait_dma2 semaphore(%run_scoped3A : memref<!tpu.dma_semaphore, #tpu.memory_space<semaphore_mem>>) src(%arg18 : memref<2048xf32, #tpu.memory_space<vmem>>) dst(%dma_wait3A_70 : memref<2048xf32, #tpu.memory_space<vmem_shared>>)
        tpu.yield
      }) : () -> ()
    }
    %scan3A_28 = arith.constant 3 : i32
    %add3A_29 = arith.constant 6144 : i32
    %add3A_30 = arith.addi %mul3A_9, %add3A_29 : i32
    "tpu.region"() ({
      %run_scoped3A = tpu.sem_alloc : memref<!tpu.dma_semaphore, #tpu.memory_space<semaphore_mem>>
      %dma_start3A = arith.constant 0 : i32
      %dma_start3A_65 = tpu.memref_slice %arg18[%dma_start3A] : memref<2048xf32, #tpu.memory_space<vmem>> -> memref<128xf32, #tpu.memory_space<vmem>>
      %dma_start3A_66 = tpu.memref_slice %arg36[%add3A_30] : memref<100352xf32, #tpu.memory_space<vmem_shared>> -> memref<128xf32, #tpu.memory_space<vmem_shared>>
      %dma_start3A_67 = tpu.memref_slice %arg36[%add3A_30] : memref<100352xf32, #tpu.memory_space<vmem_shared>> -> memref<128xf32, #tpu.memory_space<vmem_shared>>
      %dma_start3A_68 = arith.constant 0 : i32
      %dma_start3A_69 = tpu.memref_slice %arg18[%dma_start3A_68] : memref<2048xf32, #tpu.memory_space<vmem>> -> memref<128xf32, #tpu.memory_space<vmem>>
      tpu.enqueue_dma source(%dma_start3A_69 : memref<128xf32, #tpu.memory_space<vmem>>) target(%dma_start3A_67 : memref<128xf32, #tpu.memory_space<vmem_shared>>) target_semaphore(%run_scoped3A : memref<!tpu.dma_semaphore, #tpu.memory_space<semaphore_mem>>)
      %dma_wait3A = arith.constant 0 : i32
      %dma_wait3A_70 = tpu.memref_slice %arg18[%dma_wait3A] : memref<2048xf32, #tpu.memory_space<vmem>> -> memref<128xf32, #tpu.memory_space<vmem>>
      %dma_wait3A_71 = tpu.memref_slice %arg36[%add3A_30] : memref<100352xf32, #tpu.memory_space<vmem_shared>> -> memref<128xf32, #tpu.memory_space<vmem_shared>>
      %dma_wait3A_72 = tpu.memref_slice %arg36[%add3A_30] : memref<100352xf32, #tpu.memory_space<vmem_shared>> -> memref<128xf32, #tpu.memory_space<vmem_shared>>
      %dma_wait3A_73 = arith.constant 0 : i32
      %dma_wait3A_74 = tpu.memref_slice %arg18[%dma_wait3A_73] : memref<2048xf32, #tpu.memory_space<vmem>> -> memref<128xf32, #tpu.memory_space<vmem>>
      tpu.wait_dma2 semaphore(%run_scoped3A : memref<!tpu.dma_semaphore, #tpu.memory_space<semaphore_mem>>) src(%dma_wait3A_74 : memref<128xf32, #tpu.memory_space<vmem>>) dst(%dma_wait3A_72 : memref<128xf32, #tpu.memory_space<vmem_shared>>)
      tpu.yield
    }) : () -> ()
    "tpu.region"() ({
      %run_scoped3A = tpu.sem_alloc : memref<!tpu.dma_semaphore, #tpu.memory_space<semaphore_mem>>
      %dma_start3A = tpu.memref_slice %arg33[%mul3A_9] : memref<100352xf32, #tpu.memory_space<vmem_shared>> -> memref<6272xf32, #tpu.memory_space<vmem_shared>>
      %dma_start3A_65 = tpu.memref_slice %arg4[%mul3A_9] : memref<100352xf32, #tpu.memory_space<hbm>> -> memref<6272xf32, #tpu.memory_space<hbm>>
      tpu.enqueue_dma source(%dma_start3A_65 : memref<6272xf32, #tpu.memory_space<hbm>>) target(%dma_start3A : memref<6272xf32, #tpu.memory_space<vmem_shared>>) target_semaphore(%run_scoped3A : memref<!tpu.dma_semaphore, #tpu.memory_space<semaphore_mem>>)
      %dma_wait3A = tpu.memref_slice %arg33[%mul3A_9] : memref<100352xf32, #tpu.memory_space<vmem_shared>> -> memref<6272xf32, #tpu.memory_space<vmem_shared>>
      %dma_wait3A_66 = tpu.memref_slice %arg4[%mul3A_9] : memref<100352xf32, #tpu.memory_space<hbm>> -> memref<6272xf32, #tpu.memory_space<hbm>>
      tpu.wait_dma2 semaphore(%run_scoped3A : memref<!tpu.dma_semaphore, #tpu.memory_space<semaphore_mem>>) src(%dma_wait3A_66 : memref<6272xf32, #tpu.memory_space<hbm>>) dst(%dma_wait3A : memref<6272xf32, #tpu.memory_space<vmem_shared>>)
      tpu.yield
    }) : () -> ()
    "tpu.region"() ({
      %run_scoped3A = tpu.sem_alloc : memref<!tpu.dma_semaphore, #tpu.memory_space<semaphore_mem>>
      %dma_start3A = tpu.memref_slice %arg34[%mul3A_9] : memref<100352xf32, #tpu.memory_space<vmem_shared>> -> memref<6272xf32, #tpu.memory_space<vmem_shared>>
      %dma_start3A_65 = tpu.memref_slice %arg5[%mul3A_9] : memref<100352xf32, #tpu.memory_space<hbm>> -> memref<6272xf32, #tpu.memory_space<hbm>>
      tpu.enqueue_dma source(%dma_start3A_65 : memref<6272xf32, #tpu.memory_space<hbm>>) target(%dma_start3A : memref<6272xf32, #tpu.memory_space<vmem_shared>>) target_semaphore(%run_scoped3A : memref<!tpu.dma_semaphore, #tpu.memory_space<semaphore_mem>>)
      %dma_wait3A = tpu.memref_slice %arg34[%mul3A_9] : memref<100352xf32, #tpu.memory_space<vmem_shared>> -> memref<6272xf32, #tpu.memory_space<vmem_shared>>
      %dma_wait3A_66 = tpu.memref_slice %arg5[%mul3A_9] : memref<100352xf32, #tpu.memory_space<hbm>> -> memref<6272xf32, #tpu.memory_space<hbm>>
      tpu.wait_dma2 semaphore(%run_scoped3A : memref<!tpu.dma_semaphore, #tpu.memory_space<semaphore_mem>>) src(%dma_wait3A_66 : memref<6272xf32, #tpu.memory_space<hbm>>) dst(%dma_wait3A : memref<6272xf32, #tpu.memory_space<vmem_shared>>)
      tpu.yield
    }) : () -> ()
    %barrier3A = arith.constant 0 : index
    tpu.barrier barrier_id(%barrier3A)
    %jit3A_31 = arith.constant 5 : i32
    %div3A = arith.divsi %select_n3A, %jit3A_31 : i32
    %sign3A = arith.constant 0 : i32
    %sign3A_32 = arith.cmpi sgt, %select_n3A, %sign3A : i32
    %sign3A_33 = arith.extui %sign3A_32 : i1 to i32
    %sign3A_34 = arith.constant 0 : i32
    %sign3A_35 = arith.cmpi slt, %select_n3A, %sign3A_34 : i32
    %sign3A_36 = arith.extui %sign3A_35 : i1 to i32
    %sign3A_37 = arith.subi %sign3A_33, %sign3A_36 : i32
    %sign3A_38 = arith.constant 0 : i32
    %sign3A_39 = arith.cmpi sgt, %jit3A_31, %sign3A_38 : i32
    %sign3A_40 = arith.extui %sign3A_39 : i1 to i32
    %sign3A_41 = arith.constant 0 : i32
    %sign3A_42 = arith.cmpi slt, %jit3A_31, %sign3A_41 : i32
    %sign3A_43 = arith.extui %sign3A_42 : i1 to i32
    %sign3A_44 = arith.subi %sign3A_40, %sign3A_43 : i32
    %ne3A = arith.cmpi ne, %sign3A_37, %sign3A_44 : i32
    %rem3A = arith.remsi %select_n3A, %jit3A_31 : i32
    %ne3A_45 = arith.constant 0 : i32
    %ne3A_46 = arith.cmpi ne, %rem3A, %ne3A_45 : i32
    %and3A = arith.andi %ne3A, %ne3A_46 : i1
    %sub3A = arith.constant 1 : i32
    %sub3A_47 = arith.subi %div3A, %sub3A : i32
    %select_n3A_48 = arith.select %and3A, %sub3A_47, %div3A : i32
    %while3A = arith.constant 0 : i32
    %while3A_49 = arith.constant 0 : i32
    %while3A_50 = arith.subi %select_n3A_48, %while3A_49 : i32
    %while3A_51 = arith.addi %while3A_49, %while3A_50 : i32
    %while3A_52 = arith.constant 1 : i32
    %while3A_53 = arith.divsi %while3A_50, %while3A_52 : i32
    %while3A_54 = arith.muli %while3A_53, %while3A_52 : i32
    %while3A_55 = arith.addi %while3A_49, %while3A_54 : i32
    %while3A_56 = arith.constant 1 : i32
    scf.for %while3A_65 = %while3A_49 to %while3A_55 step %while3A_56  : i32 {
      %mul3A_66 = arith.constant 5 : i32
      %mul3A_67 = arith.muli %while3A_65, %mul3A_66 : i32
      %add3A_68 = arith.constant 0 : i32
      %add3A_69 = arith.addi %mul3A_67, %add3A_68 : i32
      %mul3A_70 = arith.constant 2048 : i32
      %mul3A_71 = arith.muli %add3A_69, %mul3A_70 : i32
      %add3A_72 = arith.addi %mul3A_7, %mul3A_71 : i32
      "tpu.region"() ({
        %run_scoped3A = tpu.sem_alloc : memref<!tpu.dma_semaphore, #tpu.memory_space<semaphore_mem>>
        %dma_start3A_196 = tpu.memref_slice %arg2[%add3A_72] : memref<1638400xi32, #tpu.memory_space<hbm>> -> memref<2048xi32, #tpu.memory_space<hbm>>
        %dma_start3A_197 = tpu.memref_slice %arg2[%add3A_72] : memref<1638400xi32, #tpu.memory_space<hbm>> -> memref<2048xi32, #tpu.memory_space<hbm>>
        tpu.enqueue_dma source(%dma_start3A_197 : memref<2048xi32, #tpu.memory_space<hbm>>) target(%arg8 : memref<2048xi32, #tpu.memory_space<vmem>>) target_semaphore(%run_scoped3A : memref<!tpu.dma_semaphore, #tpu.memory_space<semaphore_mem>>)
        %dma_wait3A_198 = tpu.memref_slice %arg2[%add3A_72] : memref<1638400xi32, #tpu.memory_space<hbm>> -> memref<2048xi32, #tpu.memory_space<hbm>>
        %dma_wait3A_199 = tpu.memref_slice %arg2[%add3A_72] : memref<1638400xi32, #tpu.memory_space<hbm>> -> memref<2048xi32, #tpu.memory_space<hbm>>
        tpu.wait_dma2 semaphore(%run_scoped3A : memref<!tpu.dma_semaphore, #tpu.memory_space<semaphore_mem>>) src(%dma_wait3A_199 : memref<2048xi32, #tpu.memory_space<hbm>>) dst(%arg8 : memref<2048xi32, #tpu.memory_space<vmem>>)
        tpu.yield
      }) : () -> ()
      %add3A_73 = arith.constant 0 : i32
      %add3A_74 = arith.addi %mul3A_67, %add3A_73 : i32
      %mul3A_75 = arith.constant 2048 : i32
      %mul3A_76 = arith.muli %add3A_74, %mul3A_75 : i32
      %add3A_77 = arith.addi %mul3A_7, %mul3A_76 : i32
      "tpu.region"() ({
        %run_scoped3A = tpu.sem_alloc : memref<!tpu.dma_semaphore, #tpu.memory_space<semaphore_mem>>
        %dma_start3A_196 = tpu.memref_slice %arg3[%add3A_77] : memref<1638400xi32, #tpu.memory_space<hbm>> -> memref<2048xi32, #tpu.memory_space<hbm>>
        %dma_start3A_197 = tpu.memref_slice %arg3[%add3A_77] : memref<1638400xi32, #tpu.memory_space<hbm>> -> memref<2048xi32, #tpu.memory_space<hbm>>
        tpu.enqueue_dma source(%dma_start3A_197 : memref<2048xi32, #tpu.memory_space<hbm>>) target(%arg13 : memref<2048xi32, #tpu.memory_space<vmem>>) target_semaphore(%run_scoped3A : memref<!tpu.dma_semaphore, #tpu.memory_space<semaphore_mem>>)
        %dma_wait3A_198 = tpu.memref_slice %arg3[%add3A_77] : memref<1638400xi32, #tpu.memory_space<hbm>> -> memref<2048xi32, #tpu.memory_space<hbm>>
        %dma_wait3A_199 = tpu.memref_slice %arg3[%add3A_77] : memref<1638400xi32, #tpu.memory_space<hbm>> -> memref<2048xi32, #tpu.memory_space<hbm>>
        tpu.wait_dma2 semaphore(%run_scoped3A : memref<!tpu.dma_semaphore, #tpu.memory_space<semaphore_mem>>) src(%dma_wait3A_199 : memref<2048xi32, #tpu.memory_space<hbm>>) dst(%arg13 : memref<2048xi32, #tpu.memory_space<vmem>>)
        tpu.yield
      }) : () -> ()
      %dma_start3A = arith.constant 0 : i32
      %dma_start3A_78 = tpu.memref_slice %arg33[%dma_start3A] : memref<100352xf32, #tpu.memory_space<vmem_shared>> -> memref<100352xf32, #tpu.memory_space<vmem_shared>>
      tpu.enqueue_indirect_dma source(%dma_start3A_78 : memref<100352xf32, #tpu.memory_space<vmem_shared>>) target(%arg18 : memref<2048xf32, #tpu.memory_space<vmem>>) offsets(%arg8 : memref<2048xi32, #tpu.memory_space<vmem>>) semaphore(%arg28 : memref<!tpu.dma_semaphore, #tpu.memory_space<semaphore_mem>>)
      %dma_start3A_79 = arith.constant 0 : i32
      %dma_start3A_80 = tpu.memref_slice %arg34[%dma_start3A_79] : memref<100352xf32, #tpu.memory_space<vmem_shared>> -> memref<100352xf32, #tpu.memory_space<vmem_shared>>
      tpu.enqueue_indirect_dma source(%dma_start3A_80 : memref<100352xf32, #tpu.memory_space<vmem_shared>>) target(%arg23 : memref<2048xf32, #tpu.memory_space<vmem>>) offsets(%arg8 : memref<2048xi32, #tpu.memory_space<vmem>>) semaphore(%arg28 : memref<!tpu.dma_semaphore, #tpu.memory_space<semaphore_mem>>)
      %add3A_81 = arith.constant 1 : i32
      %add3A_82 = arith.addi %mul3A_67, %add3A_81 : i32
      %mul3A_83 = arith.constant 2048 : i32
      %mul3A_84 = arith.muli %add3A_82, %mul3A_83 : i32
      %add3A_85 = arith.addi %mul3A_7, %mul3A_84 : i32
      "tpu.region"() ({
        %run_scoped3A = tpu.sem_alloc : memref<!tpu.dma_semaphore, #tpu.memory_space<semaphore_mem>>
        %dma_start3A_196 = tpu.memref_slice %arg2[%add3A_85] : memref<1638400xi32, #tpu.memory_space<hbm>> -> memref<2048xi32, #tpu.memory_space<hbm>>
        %dma_start3A_197 = tpu.memref_slice %arg2[%add3A_85] : memref<1638400xi32, #tpu.memory_space<hbm>> -> memref<2048xi32, #tpu.memory_space<hbm>>
        tpu.enqueue_dma source(%dma_start3A_197 : memref<2048xi32, #tpu.memory_space<hbm>>) target(%arg9 : memref<2048xi32, #tpu.memory_space<vmem>>) target_semaphore(%run_scoped3A : memref<!tpu.dma_semaphore, #tpu.memory_space<semaphore_mem>>)
        %dma_wait3A_198 = tpu.memref_slice %arg2[%add3A_85] : memref<1638400xi32, #tpu.memory_space<hbm>> -> memref<2048xi32, #tpu.memory_space<hbm>>
        %dma_wait3A_199 = tpu.memref_slice %arg2[%add3A_85] : memref<1638400xi32, #tpu.memory_space<hbm>> -> memref<2048xi32, #tpu.memory_space<hbm>>
        tpu.wait_dma2 semaphore(%run_scoped3A : memref<!tpu.dma_semaphore, #tpu.memory_space<semaphore_mem>>) src(%dma_wait3A_199 : memref<2048xi32, #tpu.memory_space<hbm>>) dst(%arg9 : memref<2048xi32, #tpu.memory_space<vmem>>)
        tpu.yield
      }) : () -> ()
      %add3A_86 = arith.constant 1 : i32
      %add3A_87 = arith.addi %mul3A_67, %add3A_86 : i32
      %mul3A_88 = arith.constant 2048 : i32
      %mul3A_89 = arith.muli %add3A_87, %mul3A_88 : i32
      %add3A_90 = arith.addi %mul3A_7, %mul3A_89 : i32
      "tpu.region"() ({
        %run_scoped3A = tpu.sem_alloc : memref<!tpu.dma_semaphore, #tpu.memory_space<semaphore_mem>>
        %dma_start3A_196 = tpu.memref_slice %arg3[%add3A_90] : memref<1638400xi32, #tpu.memory_space<hbm>> -> memref<2048xi32, #tpu.memory_space<hbm>>
        %dma_start3A_197 = tpu.memref_slice %arg3[%add3A_90] : memref<1638400xi32, #tpu.memory_space<hbm>> -> memref<2048xi32, #tpu.memory_space<hbm>>
        tpu.enqueue_dma source(%dma_start3A_197 : memref<2048xi32, #tpu.memory_space<hbm>>) target(%arg14 : memref<2048xi32, #tpu.memory_space<vmem>>) target_semaphore(%run_scoped3A : memref<!tpu.dma_semaphore, #tpu.memory_space<semaphore_mem>>)
        %dma_wait3A_198 = tpu.memref_slice %arg3[%add3A_90] : memref<1638400xi32, #tpu.memory_space<hbm>> -> memref<2048xi32, #tpu.memory_space<hbm>>
        %dma_wait3A_199 = tpu.memref_slice %arg3[%add3A_90] : memref<1638400xi32, #tpu.memory_space<hbm>> -> memref<2048xi32, #tpu.memory_space<hbm>>
        tpu.wait_dma2 semaphore(%run_scoped3A : memref<!tpu.dma_semaphore, #tpu.memory_space<semaphore_mem>>) src(%dma_wait3A_199 : memref<2048xi32, #tpu.memory_space<hbm>>) dst(%arg14 : memref<2048xi32, #tpu.memory_space<vmem>>)
        tpu.yield
      }) : () -> ()
      %dma_start3A_91 = arith.constant 0 : i32
      %dma_start3A_92 = tpu.memref_slice %arg33[%dma_start3A_91] : memref<100352xf32, #tpu.memory_space<vmem_shared>> -> memref<100352xf32, #tpu.memory_space<vmem_shared>>
      tpu.enqueue_indirect_dma source(%dma_start3A_92 : memref<100352xf32, #tpu.memory_space<vmem_shared>>) target(%arg19 : memref<2048xf32, #tpu.memory_space<vmem>>) offsets(%arg9 : memref<2048xi32, #tpu.memory_space<vmem>>) semaphore(%arg29 : memref<!tpu.dma_semaphore, #tpu.memory_space<semaphore_mem>>)
      %dma_start3A_93 = arith.constant 0 : i32
      %dma_start3A_94 = tpu.memref_slice %arg34[%dma_start3A_93] : memref<100352xf32, #tpu.memory_space<vmem_shared>> -> memref<100352xf32, #tpu.memory_space<vmem_shared>>
      tpu.enqueue_indirect_dma source(%dma_start3A_94 : memref<100352xf32, #tpu.memory_space<vmem_shared>>) target(%arg24 : memref<2048xf32, #tpu.memory_space<vmem>>) offsets(%arg9 : memref<2048xi32, #tpu.memory_space<vmem>>) semaphore(%arg29 : memref<!tpu.dma_semaphore, #tpu.memory_space<semaphore_mem>>)
      %add3A_95 = arith.constant 2 : i32
      %add3A_96 = arith.addi %mul3A_67, %add3A_95 : i32
      %mul3A_97 = arith.constant 2048 : i32
      %mul3A_98 = arith.muli %add3A_96, %mul3A_97 : i32
      %add3A_99 = arith.addi %mul3A_7, %mul3A_98 : i32
      "tpu.region"() ({
        %run_scoped3A = tpu.sem_alloc : memref<!tpu.dma_semaphore, #tpu.memory_space<semaphore_mem>>
        %dma_start3A_196 = tpu.memref_slice %arg2[%add3A_99] : memref<1638400xi32, #tpu.memory_space<hbm>> -> memref<2048xi32, #tpu.memory_space<hbm>>
        %dma_start3A_197 = tpu.memref_slice %arg2[%add3A_99] : memref<1638400xi32, #tpu.memory_space<hbm>> -> memref<2048xi32, #tpu.memory_space<hbm>>
        tpu.enqueue_dma source(%dma_start3A_197 : memref<2048xi32, #tpu.memory_space<hbm>>) target(%arg10 : memref<2048xi32, #tpu.memory_space<vmem>>) target_semaphore(%run_scoped3A : memref<!tpu.dma_semaphore, #tpu.memory_space<semaphore_mem>>)
        %dma_wait3A_198 = tpu.memref_slice %arg2[%add3A_99] : memref<1638400xi32, #tpu.memory_space<hbm>> -> memref<2048xi32, #tpu.memory_space<hbm>>
        %dma_wait3A_199 = tpu.memref_slice %arg2[%add3A_99] : memref<1638400xi32, #tpu.memory_space<hbm>> -> memref<2048xi32, #tpu.memory_space<hbm>>
        tpu.wait_dma2 semaphore(%run_scoped3A : memref<!tpu.dma_semaphore, #tpu.memory_space<semaphore_mem>>) src(%dma_wait3A_199 : memref<2048xi32, #tpu.memory_space<hbm>>) dst(%arg10 : memref<2048xi32, #tpu.memory_space<vmem>>)
        tpu.yield
      }) : () -> ()
      %add3A_100 = arith.constant 2 : i32
      %add3A_101 = arith.addi %mul3A_67, %add3A_100 : i32
      %mul3A_102 = arith.constant 2048 : i32
      %mul3A_103 = arith.muli %add3A_101, %mul3A_102 : i32
      %add3A_104 = arith.addi %mul3A_7, %mul3A_103 : i32
      "tpu.region"() ({
        %run_scoped3A = tpu.sem_alloc : memref<!tpu.dma_semaphore, #tpu.memory_space<semaphore_mem>>
        %dma_start3A_196 = tpu.memref_slice %arg3[%add3A_104] : memref<1638400xi32, #tpu.memory_space<hbm>> -> memref<2048xi32, #tpu.memory_space<hbm>>
        %dma_start3A_197 = tpu.memref_slice %arg3[%add3A_104] : memref<1638400xi32, #tpu.memory_space<hbm>> -> memref<2048xi32, #tpu.memory_space<hbm>>
        tpu.enqueue_dma source(%dma_start3A_197 : memref<2048xi32, #tpu.memory_space<hbm>>) target(%arg15 : memref<2048xi32, #tpu.memory_space<vmem>>) target_semaphore(%run_scoped3A : memref<!tpu.dma_semaphore, #tpu.memory_space<semaphore_mem>>)
        %dma_wait3A_198 = tpu.memref_slice %arg3[%add3A_104] : memref<1638400xi32, #tpu.memory_space<hbm>> -> memref<2048xi32, #tpu.memory_space<hbm>>
        %dma_wait3A_199 = tpu.memref_slice %arg3[%add3A_104] : memref<1638400xi32, #tpu.memory_space<hbm>> -> memref<2048xi32, #tpu.memory_space<hbm>>
        tpu.wait_dma2 semaphore(%run_scoped3A : memref<!tpu.dma_semaphore, #tpu.memory_space<semaphore_mem>>) src(%dma_wait3A_199 : memref<2048xi32, #tpu.memory_space<hbm>>) dst(%arg15 : memref<2048xi32, #tpu.memory_space<vmem>>)
        tpu.yield
      }) : () -> ()
      %dma_start3A_105 = arith.constant 0 : i32
      %dma_start3A_106 = tpu.memref_slice %arg33[%dma_start3A_105] : memref<100352xf32, #tpu.memory_space<vmem_shared>> -> memref<100352xf32, #tpu.memory_space<vmem_shared>>
      tpu.enqueue_indirect_dma source(%dma_start3A_106 : memref<100352xf32, #tpu.memory_space<vmem_shared>>) target(%arg20 : memref<2048xf32, #tpu.memory_space<vmem>>) offsets(%arg10 : memref<2048xi32, #tpu.memory_space<vmem>>) semaphore(%arg30 : memref<!tpu.dma_semaphore, #tpu.memory_space<semaphore_mem>>)
      %dma_start3A_107 = arith.constant 0 : i32
      %dma_start3A_108 = tpu.memref_slice %arg34[%dma_start3A_107] : memref<100352xf32, #tpu.memory_space<vmem_shared>> -> memref<100352xf32, #tpu.memory_space<vmem_shared>>
      tpu.enqueue_indirect_dma source(%dma_start3A_108 : memref<100352xf32, #tpu.memory_space<vmem_shared>>) target(%arg25 : memref<2048xf32, #tpu.memory_space<vmem>>) offsets(%arg10 : memref<2048xi32, #tpu.memory_space<vmem>>) semaphore(%arg30 : memref<!tpu.dma_semaphore, #tpu.memory_space<semaphore_mem>>)
      %add3A_109 = arith.constant 3 : i32
      %add3A_110 = arith.addi %mul3A_67, %add3A_109 : i32
      %mul3A_111 = arith.constant 2048 : i32
      %mul3A_112 = arith.muli %add3A_110, %mul3A_111 : i32
      %add3A_113 = arith.addi %mul3A_7, %mul3A_112 : i32
      "tpu.region"() ({
        %run_scoped3A = tpu.sem_alloc : memref<!tpu.dma_semaphore, #tpu.memory_space<semaphore_mem>>
        %dma_start3A_196 = tpu.memref_slice %arg2[%add3A_113] : memref<1638400xi32, #tpu.memory_space<hbm>> -> memref<2048xi32, #tpu.memory_space<hbm>>
        %dma_start3A_197 = tpu.memref_slice %arg2[%add3A_113] : memref<1638400xi32, #tpu.memory_space<hbm>> -> memref<2048xi32, #tpu.memory_space<hbm>>
        tpu.enqueue_dma source(%dma_start3A_197 : memref<2048xi32, #tpu.memory_space<hbm>>) target(%arg11 : memref<2048xi32, #tpu.memory_space<vmem>>) target_semaphore(%run_scoped3A : memref<!tpu.dma_semaphore, #tpu.memory_space<semaphore_mem>>)
        %dma_wait3A_198 = tpu.memref_slice %arg2[%add3A_113] : memref<1638400xi32, #tpu.memory_space<hbm>> -> memref<2048xi32, #tpu.memory_space<hbm>>
        %dma_wait3A_199 = tpu.memref_slice %arg2[%add3A_113] : memref<1638400xi32, #tpu.memory_space<hbm>> -> memref<2048xi32, #tpu.memory_space<hbm>>
        tpu.wait_dma2 semaphore(%run_scoped3A : memref<!tpu.dma_semaphore, #tpu.memory_space<semaphore_mem>>) src(%dma_wait3A_199 : memref<2048xi32, #tpu.memory_space<hbm>>) dst(%arg11 : memref<2048xi32, #tpu.memory_space<vmem>>)
        tpu.yield
      }) : () -> ()
      %add3A_114 = arith.constant 3 : i32
      %add3A_115 = arith.addi %mul3A_67, %add3A_114 : i32
      %mul3A_116 = arith.constant 2048 : i32
      %mul3A_117 = arith.muli %add3A_115, %mul3A_116 : i32
      %add3A_118 = arith.addi %mul3A_7, %mul3A_117 : i32
      "tpu.region"() ({
        %run_scoped3A = tpu.sem_alloc : memref<!tpu.dma_semaphore, #tpu.memory_space<semaphore_mem>>
        %dma_start3A_196 = tpu.memref_slice %arg3[%add3A_118] : memref<1638400xi32, #tpu.memory_space<hbm>> -> memref<2048xi32, #tpu.memory_space<hbm>>
        %dma_start3A_197 = tpu.memref_slice %arg3[%add3A_118] : memref<1638400xi32, #tpu.memory_space<hbm>> -> memref<2048xi32, #tpu.memory_space<hbm>>
        tpu.enqueue_dma source(%dma_start3A_197 : memref<2048xi32, #tpu.memory_space<hbm>>) target(%arg16 : memref<2048xi32, #tpu.memory_space<vmem>>) target_semaphore(%run_scoped3A : memref<!tpu.dma_semaphore, #tpu.memory_space<semaphore_mem>>)
        %dma_wait3A_198 = tpu.memref_slice %arg3[%add3A_118] : memref<1638400xi32, #tpu.memory_space<hbm>> -> memref<2048xi32, #tpu.memory_space<hbm>>
        %dma_wait3A_199 = tpu.memref_slice %arg3[%add3A_118] : memref<1638400xi32, #tpu.memory_space<hbm>> -> memref<2048xi32, #tpu.memory_space<hbm>>
        tpu.wait_dma2 semaphore(%run_scoped3A : memref<!tpu.dma_semaphore, #tpu.memory_space<semaphore_mem>>) src(%dma_wait3A_199 : memref<2048xi32, #tpu.memory_space<hbm>>) dst(%arg16 : memref<2048xi32, #tpu.memory_space<vmem>>)
        tpu.yield
      }) : () -> ()
      %dma_start3A_119 = arith.constant 0 : i32
      %dma_start3A_120 = tpu.memref_slice %arg33[%dma_start3A_119] : memref<100352xf32, #tpu.memory_space<vmem_shared>> -> memref<100352xf32, #tpu.memory_space<vmem_shared>>
      tpu.enqueue_indirect_dma source(%dma_start3A_120 : memref<100352xf32, #tpu.memory_space<vmem_shared>>) target(%arg21 : memref<2048xf32, #tpu.memory_space<vmem>>) offsets(%arg11 : memref<2048xi32, #tpu.memory_space<vmem>>) semaphore(%arg31 : memref<!tpu.dma_semaphore, #tpu.memory_space<semaphore_mem>>)
      %dma_start3A_121 = arith.constant 0 : i32
      %dma_start3A_122 = tpu.memref_slice %arg34[%dma_start3A_121] : memref<100352xf32, #tpu.memory_space<vmem_shared>> -> memref<100352xf32, #tpu.memory_space<vmem_shared>>
      tpu.enqueue_indirect_dma source(%dma_start3A_122 : memref<100352xf32, #tpu.memory_space<vmem_shared>>) target(%arg26 : memref<2048xf32, #tpu.memory_space<vmem>>) offsets(%arg11 : memref<2048xi32, #tpu.memory_space<vmem>>) semaphore(%arg31 : memref<!tpu.dma_semaphore, #tpu.memory_space<semaphore_mem>>)
      %add3A_123 = arith.constant 4 : i32
      %add3A_124 = arith.addi %mul3A_67, %add3A_123 : i32
      %mul3A_125 = arith.constant 2048 : i32
      %mul3A_126 = arith.muli %add3A_124, %mul3A_125 : i32
      %add3A_127 = arith.addi %mul3A_7, %mul3A_126 : i32
      "tpu.region"() ({
        %run_scoped3A = tpu.sem_alloc : memref<!tpu.dma_semaphore, #tpu.memory_space<semaphore_mem>>
        %dma_start3A_196 = tpu.memref_slice %arg2[%add3A_127] : memref<1638400xi32, #tpu.memory_space<hbm>> -> memref<2048xi32, #tpu.memory_space<hbm>>
        %dma_start3A_197 = tpu.memref_slice %arg2[%add3A_127] : memref<1638400xi32, #tpu.memory_space<hbm>> -> memref<2048xi32, #tpu.memory_space<hbm>>
        tpu.enqueue_dma source(%dma_start3A_197 : memref<2048xi32, #tpu.memory_space<hbm>>) target(%arg12 : memref<2048xi32, #tpu.memory_space<vmem>>) target_semaphore(%run_scoped3A : memref<!tpu.dma_semaphore, #tpu.memory_space<semaphore_mem>>)
        %dma_wait3A_198 = tpu.memref_slice %arg2[%add3A_127] : memref<1638400xi32, #tpu.memory_space<hbm>> -> memref<2048xi32, #tpu.memory_space<hbm>>
        %dma_wait3A_199 = tpu.memref_slice %arg2[%add3A_127] : memref<1638400xi32, #tpu.memory_space<hbm>> -> memref<2048xi32, #tpu.memory_space<hbm>>
        tpu.wait_dma2 semaphore(%run_scoped3A : memref<!tpu.dma_semaphore, #tpu.memory_space<semaphore_mem>>) src(%dma_wait3A_199 : memref<2048xi32, #tpu.memory_space<hbm>>) dst(%arg12 : memref<2048xi32, #tpu.memory_space<vmem>>)
        tpu.yield
      }) : () -> ()
      %add3A_128 = arith.constant 4 : i32
      %add3A_129 = arith.addi %mul3A_67, %add3A_128 : i32
      %mul3A_130 = arith.constant 2048 : i32
      %mul3A_131 = arith.muli %add3A_129, %mul3A_130 : i32
      %add3A_132 = arith.addi %mul3A_7, %mul3A_131 : i32
      "tpu.region"() ({
        %run_scoped3A = tpu.sem_alloc : memref<!tpu.dma_semaphore, #tpu.memory_space<semaphore_mem>>
        %dma_start3A_196 = tpu.memref_slice %arg3[%add3A_132] : memref<1638400xi32, #tpu.memory_space<hbm>> -> memref<2048xi32, #tpu.memory_space<hbm>>
        %dma_start3A_197 = tpu.memref_slice %arg3[%add3A_132] : memref<1638400xi32, #tpu.memory_space<hbm>> -> memref<2048xi32, #tpu.memory_space<hbm>>
        tpu.enqueue_dma source(%dma_start3A_197 : memref<2048xi32, #tpu.memory_space<hbm>>) target(%arg17 : memref<2048xi32, #tpu.memory_space<vmem>>) target_semaphore(%run_scoped3A : memref<!tpu.dma_semaphore, #tpu.memory_space<semaphore_mem>>)
        %dma_wait3A_198 = tpu.memref_slice %arg3[%add3A_132] : memref<1638400xi32, #tpu.memory_space<hbm>> -> memref<2048xi32, #tpu.memory_space<hbm>>
        %dma_wait3A_199 = tpu.memref_slice %arg3[%add3A_132] : memref<1638400xi32, #tpu.memory_space<hbm>> -> memref<2048xi32, #tpu.memory_space<hbm>>
        tpu.wait_dma2 semaphore(%run_scoped3A : memref<!tpu.dma_semaphore, #tpu.memory_space<semaphore_mem>>) src(%dma_wait3A_199 : memref<2048xi32, #tpu.memory_space<hbm>>) dst(%arg17 : memref<2048xi32, #tpu.memory_space<vmem>>)
        tpu.yield
      }) : () -> ()
      %dma_start3A_133 = arith.constant 0 : i32
      %dma_start3A_134 = tpu.memref_slice %arg33[%dma_start3A_133] : memref<100352xf32, #tpu.memory_space<vmem_shared>> -> memref<100352xf32, #tpu.memory_space<vmem_shared>>
      tpu.enqueue_indirect_dma source(%dma_start3A_134 : memref<100352xf32, #tpu.memory_space<vmem_shared>>) target(%arg22 : memref<2048xf32, #tpu.memory_space<vmem>>) offsets(%arg12 : memref<2048xi32, #tpu.memory_space<vmem>>) semaphore(%arg32 : memref<!tpu.dma_semaphore, #tpu.memory_space<semaphore_mem>>)
      %dma_start3A_135 = arith.constant 0 : i32
      %dma_start3A_136 = tpu.memref_slice %arg34[%dma_start3A_135] : memref<100352xf32, #tpu.memory_space<vmem_shared>> -> memref<100352xf32, #tpu.memory_space<vmem_shared>>
      tpu.enqueue_indirect_dma source(%dma_start3A_136 : memref<100352xf32, #tpu.memory_space<vmem_shared>>) target(%arg27 : memref<2048xf32, #tpu.memory_space<vmem>>) offsets(%arg12 : memref<2048xi32, #tpu.memory_space<vmem>>) semaphore(%arg32 : memref<!tpu.dma_semaphore, #tpu.memory_space<semaphore_mem>>)
      %dma_wait3A = arith.constant 0 : i32
      %dma_wait3A_137 = tpu.memref_slice %arg33[%dma_wait3A] : memref<100352xf32, #tpu.memory_space<vmem_shared>> -> memref<100352xf32, #tpu.memory_space<vmem_shared>>
      tpu.wait_indirect_dma semaphore(%arg28 : memref<!tpu.dma_semaphore, #tpu.memory_space<semaphore_mem>>) src(%dma_wait3A_137 : memref<100352xf32, #tpu.memory_space<vmem_shared>>) dst(%arg18 : memref<2048xf32, #tpu.memory_space<vmem>>)
      %dma_wait3A_138 = arith.constant 0 : i32
      %dma_wait3A_139 = tpu.memref_slice %arg34[%dma_wait3A_138] : memref<100352xf32, #tpu.memory_space<vmem_shared>> -> memref<100352xf32, #tpu.memory_space<vmem_shared>>
      tpu.wait_indirect_dma semaphore(%arg28 : memref<!tpu.dma_semaphore, #tpu.memory_space<semaphore_mem>>) src(%dma_wait3A_139 : memref<100352xf32, #tpu.memory_space<vmem_shared>>) dst(%arg23 : memref<2048xf32, #tpu.memory_space<vmem>>)
      %dma_start3A_140 = arith.constant 0 : i32
      %dma_start3A_141 = tpu.memref_slice %arg35[%dma_start3A_140] : memref<100352xf32, #tpu.memory_space<vmem_shared>> -> memref<100352xf32, #tpu.memory_space<vmem_shared>>
      tpu.enqueue_indirect_dma source(%arg18 : memref<2048xf32, #tpu.memory_space<vmem>>) target(%dma_start3A_141 : memref<100352xf32, #tpu.memory_space<vmem_shared>>) offsets(%arg13 : memref<2048xi32, #tpu.memory_space<vmem>>) semaphore(%arg37 : memref<!tpu.dma_semaphore, #tpu.memory_space<semaphore_mem>>) {add = true}
      %dma_start3A_142 = arith.constant 0 : i32
      %dma_start3A_143 = tpu.memref_slice %arg36[%dma_start3A_142] : memref<100352xf32, #tpu.memory_space<vmem_shared>> -> memref<100352xf32, #tpu.memory_space<vmem_shared>>
      tpu.enqueue_indirect_dma source(%arg23 : memref<2048xf32, #tpu.memory_space<vmem>>) target(%dma_start3A_143 : memref<100352xf32, #tpu.memory_space<vmem_shared>>) offsets(%arg13 : memref<2048xi32, #tpu.memory_space<vmem>>) semaphore(%arg38 : memref<!tpu.dma_semaphore, #tpu.memory_space<semaphore_mem>>) {add = true}
      %dma_wait3A_144 = arith.constant 0 : i32
      %dma_wait3A_145 = tpu.memref_slice %arg33[%dma_wait3A_144] : memref<100352xf32, #tpu.memory_space<vmem_shared>> -> memref<100352xf32, #tpu.memory_space<vmem_shared>>
      tpu.wait_indirect_dma semaphore(%arg29 : memref<!tpu.dma_semaphore, #tpu.memory_space<semaphore_mem>>) src(%dma_wait3A_145 : memref<100352xf32, #tpu.memory_space<vmem_shared>>) dst(%arg19 : memref<2048xf32, #tpu.memory_space<vmem>>)
      %dma_wait3A_146 = arith.constant 0 : i32
      %dma_wait3A_147 = tpu.memref_slice %arg34[%dma_wait3A_146] : memref<100352xf32, #tpu.memory_space<vmem_shared>> -> memref<100352xf32, #tpu.memory_space<vmem_shared>>
      tpu.wait_indirect_dma semaphore(%arg29 : memref<!tpu.dma_semaphore, #tpu.memory_space<semaphore_mem>>) src(%dma_wait3A_147 : memref<100352xf32, #tpu.memory_space<vmem_shared>>) dst(%arg24 : memref<2048xf32, #tpu.memory_space<vmem>>)
      %dma_start3A_148 = arith.constant 0 : i32
      %dma_start3A_149 = tpu.memref_slice %arg35[%dma_start3A_148] : memref<100352xf32, #tpu.memory_space<vmem_shared>> -> memref<100352xf32, #tpu.memory_space<vmem_shared>>
      tpu.enqueue_indirect_dma source(%arg19 : memref<2048xf32, #tpu.memory_space<vmem>>) target(%dma_start3A_149 : memref<100352xf32, #tpu.memory_space<vmem_shared>>) offsets(%arg14 : memref<2048xi32, #tpu.memory_space<vmem>>) semaphore(%arg37 : memref<!tpu.dma_semaphore, #tpu.memory_space<semaphore_mem>>) {add = true}
      %dma_start3A_150 = arith.constant 0 : i32
      %dma_start3A_151 = tpu.memref_slice %arg36[%dma_start3A_150] : memref<100352xf32, #tpu.memory_space<vmem_shared>> -> memref<100352xf32, #tpu.memory_space<vmem_shared>>
      tpu.enqueue_indirect_dma source(%arg24 : memref<2048xf32, #tpu.memory_space<vmem>>) target(%dma_start3A_151 : memref<100352xf32, #tpu.memory_space<vmem_shared>>) offsets(%arg14 : memref<2048xi32, #tpu.memory_space<vmem>>) semaphore(%arg38 : memref<!tpu.dma_semaphore, #tpu.memory_space<semaphore_mem>>) {add = true}
      %dma_wait3A_152 = arith.constant 0 : i32
      %dma_wait3A_153 = tpu.memref_slice %arg33[%dma_wait3A_152] : memref<100352xf32, #tpu.memory_space<vmem_shared>> -> memref<100352xf32, #tpu.memory_space<vmem_shared>>
      tpu.wait_indirect_dma semaphore(%arg30 : memref<!tpu.dma_semaphore, #tpu.memory_space<semaphore_mem>>) src(%dma_wait3A_153 : memref<100352xf32, #tpu.memory_space<vmem_shared>>) dst(%arg20 : memref<2048xf32, #tpu.memory_space<vmem>>)
      %dma_wait3A_154 = arith.constant 0 : i32
      %dma_wait3A_155 = tpu.memref_slice %arg34[%dma_wait3A_154] : memref<100352xf32, #tpu.memory_space<vmem_shared>> -> memref<100352xf32, #tpu.memory_space<vmem_shared>>
      tpu.wait_indirect_dma semaphore(%arg30 : memref<!tpu.dma_semaphore, #tpu.memory_space<semaphore_mem>>) src(%dma_wait3A_155 : memref<100352xf32, #tpu.memory_space<vmem_shared>>) dst(%arg25 : memref<2048xf32, #tpu.memory_space<vmem>>)
      %dma_start3A_156 = arith.constant 0 : i32
      %dma_start3A_157 = tpu.memref_slice %arg35[%dma_start3A_156] : memref<100352xf32, #tpu.memory_space<vmem_shared>> -> memref<100352xf32, #tpu.memory_space<vmem_shared>>
      tpu.enqueue_indirect_dma source(%arg20 : memref<2048xf32, #tpu.memory_space<vmem>>) target(%dma_start3A_157 : memref<100352xf32, #tpu.memory_space<vmem_shared>>) offsets(%arg15 : memref<2048xi32, #tpu.memory_space<vmem>>) semaphore(%arg37 : memref<!tpu.dma_semaphore, #tpu.memory_space<semaphore_mem>>) {add = true}
      %dma_start3A_158 = arith.constant 0 : i32
      %dma_start3A_159 = tpu.memref_slice %arg36[%dma_start3A_158] : memref<100352xf32, #tpu.memory_space<vmem_shared>> -> memref<100352xf32, #tpu.memory_space<vmem_shared>>
      tpu.enqueue_indirect_dma source(%arg25 : memref<2048xf32, #tpu.memory_space<vmem>>) target(%dma_start3A_159 : memref<100352xf32, #tpu.memory_space<vmem_shared>>) offsets(%arg15 : memref<2048xi32, #tpu.memory_space<vmem>>) semaphore(%arg38 : memref<!tpu.dma_semaphore, #tpu.memory_space<semaphore_mem>>) {add = true}
      %dma_wait3A_160 = arith.constant 0 : i32
      %dma_wait3A_161 = tpu.memref_slice %arg33[%dma_wait3A_160] : memref<100352xf32, #tpu.memory_space<vmem_shared>> -> memref<100352xf32, #tpu.memory_space<vmem_shared>>
      tpu.wait_indirect_dma semaphore(%arg31 : memref<!tpu.dma_semaphore, #tpu.memory_space<semaphore_mem>>) src(%dma_wait3A_161 : memref<100352xf32, #tpu.memory_space<vmem_shared>>) dst(%arg21 : memref<2048xf32, #tpu.memory_space<vmem>>)
      %dma_wait3A_162 = arith.constant 0 : i32
      %dma_wait3A_163 = tpu.memref_slice %arg34[%dma_wait3A_162] : memref<100352xf32, #tpu.memory_space<vmem_shared>> -> memref<100352xf32, #tpu.memory_space<vmem_shared>>
      tpu.wait_indirect_dma semaphore(%arg31 : memref<!tpu.dma_semaphore, #tpu.memory_space<semaphore_mem>>) src(%dma_wait3A_163 : memref<100352xf32, #tpu.memory_space<vmem_shared>>) dst(%arg26 : memref<2048xf32, #tpu.memory_space<vmem>>)
      %dma_start3A_164 = arith.constant 0 : i32
      %dma_start3A_165 = tpu.memref_slice %arg35[%dma_start3A_164] : memref<100352xf32, #tpu.memory_space<vmem_shared>> -> memref<100352xf32, #tpu.memory_space<vmem_shared>>
      tpu.enqueue_indirect_dma source(%arg21 : memref<2048xf32, #tpu.memory_space<vmem>>) target(%dma_start3A_165 : memref<100352xf32, #tpu.memory_space<vmem_shared>>) offsets(%arg16 : memref<2048xi32, #tpu.memory_space<vmem>>) semaphore(%arg37 : memref<!tpu.dma_semaphore, #tpu.memory_space<semaphore_mem>>) {add = true}
      %dma_start3A_166 = arith.constant 0 : i32
      %dma_start3A_167 = tpu.memref_slice %arg36[%dma_start3A_166] : memref<100352xf32, #tpu.memory_space<vmem_shared>> -> memref<100352xf32, #tpu.memory_space<vmem_shared>>
      tpu.enqueue_indirect_dma source(%arg26 : memref<2048xf32, #tpu.memory_space<vmem>>) target(%dma_start3A_167 : memref<100352xf32, #tpu.memory_space<vmem_shared>>) offsets(%arg16 : memref<2048xi32, #tpu.memory_space<vmem>>) semaphore(%arg38 : memref<!tpu.dma_semaphore, #tpu.memory_space<semaphore_mem>>) {add = true}
      %dma_wait3A_168 = arith.constant 0 : i32
      %dma_wait3A_169 = tpu.memref_slice %arg33[%dma_wait3A_168] : memref<100352xf32, #tpu.memory_space<vmem_shared>> -> memref<100352xf32, #tpu.memory_space<vmem_shared>>
      tpu.wait_indirect_dma semaphore(%arg32 : memref<!tpu.dma_semaphore, #tpu.memory_space<semaphore_mem>>) src(%dma_wait3A_169 : memref<100352xf32, #tpu.memory_space<vmem_shared>>) dst(%arg22 : memref<2048xf32, #tpu.memory_space<vmem>>)
      %dma_wait3A_170 = arith.constant 0 : i32
      %dma_wait3A_171 = tpu.memref_slice %arg34[%dma_wait3A_170] : memref<100352xf32, #tpu.memory_space<vmem_shared>> -> memref<100352xf32, #tpu.memory_space<vmem_shared>>
      tpu.wait_indirect_dma semaphore(%arg32 : memref<!tpu.dma_semaphore, #tpu.memory_space<semaphore_mem>>) src(%dma_wait3A_171 : memref<100352xf32, #tpu.memory_space<vmem_shared>>) dst(%arg27 : memref<2048xf32, #tpu.memory_space<vmem>>)
      %dma_start3A_172 = arith.constant 0 : i32
      %dma_start3A_173 = tpu.memref_slice %arg35[%dma_start3A_172] : memref<100352xf32, #tpu.memory_space<vmem_shared>> -> memref<100352xf32, #tpu.memory_space<vmem_shared>>
      tpu.enqueue_indirect_dma source(%arg22 : memref<2048xf32, #tpu.memory_space<vmem>>) target(%dma_start3A_173 : memref<100352xf32, #tpu.memory_space<vmem_shared>>) offsets(%arg17 : memref<2048xi32, #tpu.memory_space<vmem>>) semaphore(%arg37 : memref<!tpu.dma_semaphore, #tpu.memory_space<semaphore_mem>>) {add = true}
      %dma_start3A_174 = arith.constant 0 : i32
      %dma_start3A_175 = tpu.memref_slice %arg36[%dma_start3A_174] : memref<100352xf32, #tpu.memory_space<vmem_shared>> -> memref<100352xf32, #tpu.memory_space<vmem_shared>>
      tpu.enqueue_indirect_dma source(%arg27 : memref<2048xf32, #tpu.memory_space<vmem>>) target(%dma_start3A_175 : memref<100352xf32, #tpu.memory_space<vmem_shared>>) offsets(%arg17 : memref<2048xi32, #tpu.memory_space<vmem>>) semaphore(%arg38 : memref<!tpu.dma_semaphore, #tpu.memory_space<semaphore_mem>>) {add = true}
      %dma_wait3A_176 = arith.constant 0 : i32
      %dma_wait3A_177 = tpu.memref_slice %arg35[%dma_wait3A_176] : memref<100352xf32, #tpu.memory_space<vmem_shared>> -> memref<100352xf32, #tpu.memory_space<vmem_shared>>
      tpu.wait_indirect_dma semaphore(%arg37 : memref<!tpu.dma_semaphore, #tpu.memory_space<semaphore_mem>>) src(%arg18 : memref<2048xf32, #tpu.memory_space<vmem>>) dst(%dma_wait3A_177 : memref<100352xf32, #tpu.memory_space<vmem_shared>>)
      %dma_wait3A_178 = arith.constant 0 : i32
      %dma_wait3A_179 = tpu.memref_slice %arg36[%dma_wait3A_178] : memref<100352xf32, #tpu.memory_space<vmem_shared>> -> memref<100352xf32, #tpu.memory_space<vmem_shared>>
      tpu.wait_indirect_dma semaphore(%arg38 : memref<!tpu.dma_semaphore, #tpu.memory_space<semaphore_mem>>) src(%arg23 : memref<2048xf32, #tpu.memory_space<vmem>>) dst(%dma_wait3A_179 : memref<100352xf32, #tpu.memory_space<vmem_shared>>)
      %dma_wait3A_180 = arith.constant 0 : i32
      %dma_wait3A_181 = tpu.memref_slice %arg35[%dma_wait3A_180] : memref<100352xf32, #tpu.memory_space<vmem_shared>> -> memref<100352xf32, #tpu.memory_space<vmem_shared>>
      tpu.wait_indirect_dma semaphore(%arg37 : memref<!tpu.dma_semaphore, #tpu.memory_space<semaphore_mem>>) src(%arg19 : memref<2048xf32, #tpu.memory_space<vmem>>) dst(%dma_wait3A_181 : memref<100352xf32, #tpu.memory_space<vmem_shared>>)
      %dma_wait3A_182 = arith.constant 0 : i32
      %dma_wait3A_183 = tpu.memref_slice %arg36[%dma_wait3A_182] : memref<100352xf32, #tpu.memory_space<vmem_shared>> -> memref<100352xf32, #tpu.memory_space<vmem_shared>>
      tpu.wait_indirect_dma semaphore(%arg38 : memref<!tpu.dma_semaphore, #tpu.memory_space<semaphore_mem>>) src(%arg24 : memref<2048xf32, #tpu.memory_space<vmem>>) dst(%dma_wait3A_183 : memref<100352xf32, #tpu.memory_space<vmem_shared>>)
      %dma_wait3A_184 = arith.constant 0 : i32
      %dma_wait3A_185 = tpu.memref_slice %arg35[%dma_wait3A_184] : memref<100352xf32, #tpu.memory_space<vmem_shared>> -> memref<100352xf32, #tpu.memory_space<vmem_shared>>
      tpu.wait_indirect_dma semaphore(%arg37 : memref<!tpu.dma_semaphore, #tpu.memory_space<semaphore_mem>>) src(%arg20 : memref<2048xf32, #tpu.memory_space<vmem>>) dst(%dma_wait3A_185 : memref<100352xf32, #tpu.memory_space<vmem_shared>>)
      %dma_wait3A_186 = arith.constant 0 : i32
      %dma_wait3A_187 = tpu.memref_slice %arg36[%dma_wait3A_186] : memref<100352xf32, #tpu.memory_space<vmem_shared>> -> memref<100352xf32, #tpu.memory_space<vmem_shared>>
      tpu.wait_indirect_dma semaphore(%arg38 : memref<!tpu.dma_semaphore, #tpu.memory_space<semaphore_mem>>) src(%arg25 : memref<2048xf32, #tpu.memory_space<vmem>>) dst(%dma_wait3A_187 : memref<100352xf32, #tpu.memory_space<vmem_shared>>)
      %dma_wait3A_188 = arith.constant 0 : i32
      %dma_wait3A_189 = tpu.memref_slice %arg35[%dma_wait3A_188] : memref<100352xf32, #tpu.memory_space<vmem_shared>> -> memref<100352xf32, #tpu.memory_space<vmem_shared>>
      tpu.wait_indirect_dma semaphore(%arg37 : memref<!tpu.dma_semaphore, #tpu.memory_space<semaphore_mem>>) src(%arg21 : memref<2048xf32, #tpu.memory_space<vmem>>) dst(%dma_wait3A_189 : memref<100352xf32, #tpu.memory_space<vmem_shared>>)
      %dma_wait3A_190 = arith.constant 0 : i32
      %dma_wait3A_191 = tpu.memref_slice %arg36[%dma_wait3A_190] : memref<100352xf32, #tpu.memory_space<vmem_shared>> -> memref<100352xf32, #tpu.memory_space<vmem_shared>>
      tpu.wait_indirect_dma semaphore(%arg38 : memref<!tpu.dma_semaphore, #tpu.memory_space<semaphore_mem>>) src(%arg26 : memref<2048xf32, #tpu.memory_space<vmem>>) dst(%dma_wait3A_191 : memref<100352xf32, #tpu.memory_space<vmem_shared>>)
      %dma_wait3A_192 = arith.constant 0 : i32
      %dma_wait3A_193 = tpu.memref_slice %arg35[%dma_wait3A_192] : memref<100352xf32, #tpu.memory_space<vmem_shared>> -> memref<100352xf32, #tpu.memory_space<vmem_shared>>
      tpu.wait_indirect_dma semaphore(%arg37 : memref<!tpu.dma_semaphore, #tpu.memory_space<semaphore_mem>>) src(%arg22 : memref<2048xf32, #tpu.memory_space<vmem>>) dst(%dma_wait3A_193 : memref<100352xf32, #tpu.memory_space<vmem_shared>>)
      %dma_wait3A_194 = arith.constant 0 : i32
      %dma_wait3A_195 = tpu.memref_slice %arg36[%dma_wait3A_194] : memref<100352xf32, #tpu.memory_space<vmem_shared>> -> memref<100352xf32, #tpu.memory_space<vmem_shared>>
      tpu.wait_indirect_dma semaphore(%arg38 : memref<!tpu.dma_semaphore, #tpu.memory_space<semaphore_mem>>) src(%arg27 : memref<2048xf32, #tpu.memory_space<vmem>>) dst(%dma_wait3A_195 : memref<100352xf32, #tpu.memory_space<vmem_shared>>)
    }
    %while3A_57 = arith.constant 1 : i32
    scf.for %while3A_65 = %while3A_55 to %while3A_51 step %while3A_57  : i32 {
      %mul3A_66 = arith.constant 5 : i32
      %mul3A_67 = arith.muli %while3A_65, %mul3A_66 : i32
      %add3A_68 = arith.constant 0 : i32
      %add3A_69 = arith.addi %mul3A_67, %add3A_68 : i32
      %mul3A_70 = arith.constant 2048 : i32
      %mul3A_71 = arith.muli %add3A_69, %mul3A_70 : i32
      %add3A_72 = arith.addi %mul3A_7, %mul3A_71 : i32
      "tpu.region"() ({
        %run_scoped3A = tpu.sem_alloc : memref<!tpu.dma_semaphore, #tpu.memory_space<semaphore_mem>>
        %dma_start3A_196 = tpu.memref_slice %arg2[%add3A_72] : memref<1638400xi32, #tpu.memory_space<hbm>> -> memref<2048xi32, #tpu.memory_space<hbm>>
        %dma_start3A_197 = tpu.memref_slice %arg2[%add3A_72] : memref<1638400xi32, #tpu.memory_space<hbm>> -> memref<2048xi32, #tpu.memory_space<hbm>>
        tpu.enqueue_dma source(%dma_start3A_197 : memref<2048xi32, #tpu.memory_space<hbm>>) target(%arg8 : memref<2048xi32, #tpu.memory_space<vmem>>) target_semaphore(%run_scoped3A : memref<!tpu.dma_semaphore, #tpu.memory_space<semaphore_mem>>)
        %dma_wait3A_198 = tpu.memref_slice %arg2[%add3A_72] : memref<1638400xi32, #tpu.memory_space<hbm>> -> memref<2048xi32, #tpu.memory_space<hbm>>
        %dma_wait3A_199 = tpu.memref_slice %arg2[%add3A_72] : memref<1638400xi32, #tpu.memory_space<hbm>> -> memref<2048xi32, #tpu.memory_space<hbm>>
        tpu.wait_dma2 semaphore(%run_scoped3A : memref<!tpu.dma_semaphore, #tpu.memory_space<semaphore_mem>>) src(%dma_wait3A_199 : memref<2048xi32, #tpu.memory_space<hbm>>) dst(%arg8 : memref<2048xi32, #tpu.memory_space<vmem>>)
        tpu.yield
      }) : () -> ()
      %add3A_73 = arith.constant 0 : i32
      %add3A_74 = arith.addi %mul3A_67, %add3A_73 : i32
      %mul3A_75 = arith.constant 2048 : i32
      %mul3A_76 = arith.muli %add3A_74, %mul3A_75 : i32
      %add3A_77 = arith.addi %mul3A_7, %mul3A_76 : i32
      "tpu.region"() ({
        %run_scoped3A = tpu.sem_alloc : memref<!tpu.dma_semaphore, #tpu.memory_space<semaphore_mem>>
        %dma_start3A_196 = tpu.memref_slice %arg3[%add3A_77] : memref<1638400xi32, #tpu.memory_space<hbm>> -> memref<2048xi32, #tpu.memory_space<hbm>>
        %dma_start3A_197 = tpu.memref_slice %arg3[%add3A_77] : memref<1638400xi32, #tpu.memory_space<hbm>> -> memref<2048xi32, #tpu.memory_space<hbm>>
        tpu.enqueue_dma source(%dma_start3A_197 : memref<2048xi32, #tpu.memory_space<hbm>>) target(%arg13 : memref<2048xi32, #tpu.memory_space<vmem>>) target_semaphore(%run_scoped3A : memref<!tpu.dma_semaphore, #tpu.memory_space<semaphore_mem>>)
        %dma_wait3A_198 = tpu.memref_slice %arg3[%add3A_77] : memref<1638400xi32, #tpu.memory_space<hbm>> -> memref<2048xi32, #tpu.memory_space<hbm>>
        %dma_wait3A_199 = tpu.memref_slice %arg3[%add3A_77] : memref<1638400xi32, #tpu.memory_space<hbm>> -> memref<2048xi32, #tpu.memory_space<hbm>>
        tpu.wait_dma2 semaphore(%run_scoped3A : memref<!tpu.dma_semaphore, #tpu.memory_space<semaphore_mem>>) src(%dma_wait3A_199 : memref<2048xi32, #tpu.memory_space<hbm>>) dst(%arg13 : memref<2048xi32, #tpu.memory_space<vmem>>)
        tpu.yield
      }) : () -> ()
      %dma_start3A = arith.constant 0 : i32
      %dma_start3A_78 = tpu.memref_slice %arg33[%dma_start3A] : memref<100352xf32, #tpu.memory_space<vmem_shared>> -> memref<100352xf32, #tpu.memory_space<vmem_shared>>
      tpu.enqueue_indirect_dma source(%dma_start3A_78 : memref<100352xf32, #tpu.memory_space<vmem_shared>>) target(%arg18 : memref<2048xf32, #tpu.memory_space<vmem>>) offsets(%arg8 : memref<2048xi32, #tpu.memory_space<vmem>>) semaphore(%arg28 : memref<!tpu.dma_semaphore, #tpu.memory_space<semaphore_mem>>)
      %dma_start3A_79 = arith.constant 0 : i32
      %dma_start3A_80 = tpu.memref_slice %arg34[%dma_start3A_79] : memref<100352xf32, #tpu.memory_space<vmem_shared>> -> memref<100352xf32, #tpu.memory_space<vmem_shared>>
      tpu.enqueue_indirect_dma source(%dma_start3A_80 : memref<100352xf32, #tpu.memory_space<vmem_shared>>) target(%arg23 : memref<2048xf32, #tpu.memory_space<vmem>>) offsets(%arg8 : memref<2048xi32, #tpu.memory_space<vmem>>) semaphore(%arg28 : memref<!tpu.dma_semaphore, #tpu.memory_space<semaphore_mem>>)
      %add3A_81 = arith.constant 1 : i32
      %add3A_82 = arith.addi %mul3A_67, %add3A_81 : i32
      %mul3A_83 = arith.constant 2048 : i32
      %mul3A_84 = arith.muli %add3A_82, %mul3A_83 : i32
      %add3A_85 = arith.addi %mul3A_7, %mul3A_84 : i32
      "tpu.region"() ({
        %run_scoped3A = tpu.sem_alloc : memref<!tpu.dma_semaphore, #tpu.memory_space<semaphore_mem>>
        %dma_start3A_196 = tpu.memref_slice %arg2[%add3A_85] : memref<1638400xi32, #tpu.memory_space<hbm>> -> memref<2048xi32, #tpu.memory_space<hbm>>
        %dma_start3A_197 = tpu.memref_slice %arg2[%add3A_85] : memref<1638400xi32, #tpu.memory_space<hbm>> -> memref<2048xi32, #tpu.memory_space<hbm>>
        tpu.enqueue_dma source(%dma_start3A_197 : memref<2048xi32, #tpu.memory_space<hbm>>) target(%arg9 : memref<2048xi32, #tpu.memory_space<vmem>>) target_semaphore(%run_scoped3A : memref<!tpu.dma_semaphore, #tpu.memory_space<semaphore_mem>>)
        %dma_wait3A_198 = tpu.memref_slice %arg2[%add3A_85] : memref<1638400xi32, #tpu.memory_space<hbm>> -> memref<2048xi32, #tpu.memory_space<hbm>>
        %dma_wait3A_199 = tpu.memref_slice %arg2[%add3A_85] : memref<1638400xi32, #tpu.memory_space<hbm>> -> memref<2048xi32, #tpu.memory_space<hbm>>
        tpu.wait_dma2 semaphore(%run_scoped3A : memref<!tpu.dma_semaphore, #tpu.memory_space<semaphore_mem>>) src(%dma_wait3A_199 : memref<2048xi32, #tpu.memory_space<hbm>>) dst(%arg9 : memref<2048xi32, #tpu.memory_space<vmem>>)
        tpu.yield
      }) : () -> ()
      %add3A_86 = arith.constant 1 : i32
      %add3A_87 = arith.addi %mul3A_67, %add3A_86 : i32
      %mul3A_88 = arith.constant 2048 : i32
      %mul3A_89 = arith.muli %add3A_87, %mul3A_88 : i32
      %add3A_90 = arith.addi %mul3A_7, %mul3A_89 : i32
      "tpu.region"() ({
        %run_scoped3A = tpu.sem_alloc : memref<!tpu.dma_semaphore, #tpu.memory_space<semaphore_mem>>
        %dma_start3A_196 = tpu.memref_slice %arg3[%add3A_90] : memref<1638400xi32, #tpu.memory_space<hbm>> -> memref<2048xi32, #tpu.memory_space<hbm>>
        %dma_start3A_197 = tpu.memref_slice %arg3[%add3A_90] : memref<1638400xi32, #tpu.memory_space<hbm>> -> memref<2048xi32, #tpu.memory_space<hbm>>
        tpu.enqueue_dma source(%dma_start3A_197 : memref<2048xi32, #tpu.memory_space<hbm>>) target(%arg14 : memref<2048xi32, #tpu.memory_space<vmem>>) target_semaphore(%run_scoped3A : memref<!tpu.dma_semaphore, #tpu.memory_space<semaphore_mem>>)
        %dma_wait3A_198 = tpu.memref_slice %arg3[%add3A_90] : memref<1638400xi32, #tpu.memory_space<hbm>> -> memref<2048xi32, #tpu.memory_space<hbm>>
        %dma_wait3A_199 = tpu.memref_slice %arg3[%add3A_90] : memref<1638400xi32, #tpu.memory_space<hbm>> -> memref<2048xi32, #tpu.memory_space<hbm>>
        tpu.wait_dma2 semaphore(%run_scoped3A : memref<!tpu.dma_semaphore, #tpu.memory_space<semaphore_mem>>) src(%dma_wait3A_199 : memref<2048xi32, #tpu.memory_space<hbm>>) dst(%arg14 : memref<2048xi32, #tpu.memory_space<vmem>>)
        tpu.yield
      }) : () -> ()
      %dma_start3A_91 = arith.constant 0 : i32
      %dma_start3A_92 = tpu.memref_slice %arg33[%dma_start3A_91] : memref<100352xf32, #tpu.memory_space<vmem_shared>> -> memref<100352xf32, #tpu.memory_space<vmem_shared>>
      tpu.enqueue_indirect_dma source(%dma_start3A_92 : memref<100352xf32, #tpu.memory_space<vmem_shared>>) target(%arg19 : memref<2048xf32, #tpu.memory_space<vmem>>) offsets(%arg9 : memref<2048xi32, #tpu.memory_space<vmem>>) semaphore(%arg29 : memref<!tpu.dma_semaphore, #tpu.memory_space<semaphore_mem>>)
      %dma_start3A_93 = arith.constant 0 : i32
      %dma_start3A_94 = tpu.memref_slice %arg34[%dma_start3A_93] : memref<100352xf32, #tpu.memory_space<vmem_shared>> -> memref<100352xf32, #tpu.memory_space<vmem_shared>>
      tpu.enqueue_indirect_dma source(%dma_start3A_94 : memref<100352xf32, #tpu.memory_space<vmem_shared>>) target(%arg24 : memref<2048xf32, #tpu.memory_space<vmem>>) offsets(%arg9 : memref<2048xi32, #tpu.memory_space<vmem>>) semaphore(%arg29 : memref<!tpu.dma_semaphore, #tpu.memory_space<semaphore_mem>>)
      %add3A_95 = arith.constant 2 : i32
      %add3A_96 = arith.addi %mul3A_67, %add3A_95 : i32
      %mul3A_97 = arith.constant 2048 : i32
      %mul3A_98 = arith.muli %add3A_96, %mul3A_97 : i32
      %add3A_99 = arith.addi %mul3A_7, %mul3A_98 : i32
      "tpu.region"() ({
        %run_scoped3A = tpu.sem_alloc : memref<!tpu.dma_semaphore, #tpu.memory_space<semaphore_mem>>
        %dma_start3A_196 = tpu.memref_slice %arg2[%add3A_99] : memref<1638400xi32, #tpu.memory_space<hbm>> -> memref<2048xi32, #tpu.memory_space<hbm>>
        %dma_start3A_197 = tpu.memref_slice %arg2[%add3A_99] : memref<1638400xi32, #tpu.memory_space<hbm>> -> memref<2048xi32, #tpu.memory_space<hbm>>
        tpu.enqueue_dma source(%dma_start3A_197 : memref<2048xi32, #tpu.memory_space<hbm>>) target(%arg10 : memref<2048xi32, #tpu.memory_space<vmem>>) target_semaphore(%run_scoped3A : memref<!tpu.dma_semaphore, #tpu.memory_space<semaphore_mem>>)
        %dma_wait3A_198 = tpu.memref_slice %arg2[%add3A_99] : memref<1638400xi32, #tpu.memory_space<hbm>> -> memref<2048xi32, #tpu.memory_space<hbm>>
        %dma_wait3A_199 = tpu.memref_slice %arg2[%add3A_99] : memref<1638400xi32, #tpu.memory_space<hbm>> -> memref<2048xi32, #tpu.memory_space<hbm>>
        tpu.wait_dma2 semaphore(%run_scoped3A : memref<!tpu.dma_semaphore, #tpu.memory_space<semaphore_mem>>) src(%dma_wait3A_199 : memref<2048xi32, #tpu.memory_space<hbm>>) dst(%arg10 : memref<2048xi32, #tpu.memory_space<vmem>>)
        tpu.yield
      }) : () -> ()
      %add3A_100 = arith.constant 2 : i32
      %add3A_101 = arith.addi %mul3A_67, %add3A_100 : i32
      %mul3A_102 = arith.constant 2048 : i32
      %mul3A_103 = arith.muli %add3A_101, %mul3A_102 : i32
      %add3A_104 = arith.addi %mul3A_7, %mul3A_103 : i32
      "tpu.region"() ({
        %run_scoped3A = tpu.sem_alloc : memref<!tpu.dma_semaphore, #tpu.memory_space<semaphore_mem>>
        %dma_start3A_196 = tpu.memref_slice %arg3[%add3A_104] : memref<1638400xi32, #tpu.memory_space<hbm>> -> memref<2048xi32, #tpu.memory_space<hbm>>
        %dma_start3A_197 = tpu.memref_slice %arg3[%add3A_104] : memref<1638400xi32, #tpu.memory_space<hbm>> -> memref<2048xi32, #tpu.memory_space<hbm>>
        tpu.enqueue_dma source(%dma_start3A_197 : memref<2048xi32, #tpu.memory_space<hbm>>) target(%arg15 : memref<2048xi32, #tpu.memory_space<vmem>>) target_semaphore(%run_scoped3A : memref<!tpu.dma_semaphore, #tpu.memory_space<semaphore_mem>>)
        %dma_wait3A_198 = tpu.memref_slice %arg3[%add3A_104] : memref<1638400xi32, #tpu.memory_space<hbm>> -> memref<2048xi32, #tpu.memory_space<hbm>>
        %dma_wait3A_199 = tpu.memref_slice %arg3[%add3A_104] : memref<1638400xi32, #tpu.memory_space<hbm>> -> memref<2048xi32, #tpu.memory_space<hbm>>
        tpu.wait_dma2 semaphore(%run_scoped3A : memref<!tpu.dma_semaphore, #tpu.memory_space<semaphore_mem>>) src(%dma_wait3A_199 : memref<2048xi32, #tpu.memory_space<hbm>>) dst(%arg15 : memref<2048xi32, #tpu.memory_space<vmem>>)
        tpu.yield
      }) : () -> ()
      %dma_start3A_105 = arith.constant 0 : i32
      %dma_start3A_106 = tpu.memref_slice %arg33[%dma_start3A_105] : memref<100352xf32, #tpu.memory_space<vmem_shared>> -> memref<100352xf32, #tpu.memory_space<vmem_shared>>
      tpu.enqueue_indirect_dma source(%dma_start3A_106 : memref<100352xf32, #tpu.memory_space<vmem_shared>>) target(%arg20 : memref<2048xf32, #tpu.memory_space<vmem>>) offsets(%arg10 : memref<2048xi32, #tpu.memory_space<vmem>>) semaphore(%arg30 : memref<!tpu.dma_semaphore, #tpu.memory_space<semaphore_mem>>)
      %dma_start3A_107 = arith.constant 0 : i32
      %dma_start3A_108 = tpu.memref_slice %arg34[%dma_start3A_107] : memref<100352xf32, #tpu.memory_space<vmem_shared>> -> memref<100352xf32, #tpu.memory_space<vmem_shared>>
      tpu.enqueue_indirect_dma source(%dma_start3A_108 : memref<100352xf32, #tpu.memory_space<vmem_shared>>) target(%arg25 : memref<2048xf32, #tpu.memory_space<vmem>>) offsets(%arg10 : memref<2048xi32, #tpu.memory_space<vmem>>) semaphore(%arg30 : memref<!tpu.dma_semaphore, #tpu.memory_space<semaphore_mem>>)
      %add3A_109 = arith.constant 3 : i32
      %add3A_110 = arith.addi %mul3A_67, %add3A_109 : i32
      %mul3A_111 = arith.constant 2048 : i32
      %mul3A_112 = arith.muli %add3A_110, %mul3A_111 : i32
      %add3A_113 = arith.addi %mul3A_7, %mul3A_112 : i32
      "tpu.region"() ({
        %run_scoped3A = tpu.sem_alloc : memref<!tpu.dma_semaphore, #tpu.memory_space<semaphore_mem>>
        %dma_start3A_196 = tpu.memref_slice %arg2[%add3A_113] : memref<1638400xi32, #tpu.memory_space<hbm>> -> memref<2048xi32, #tpu.memory_space<hbm>>
        %dma_start3A_197 = tpu.memref_slice %arg2[%add3A_113] : memref<1638400xi32, #tpu.memory_space<hbm>> -> memref<2048xi32, #tpu.memory_space<hbm>>
        tpu.enqueue_dma source(%dma_start3A_197 : memref<2048xi32, #tpu.memory_space<hbm>>) target(%arg11 : memref<2048xi32, #tpu.memory_space<vmem>>) target_semaphore(%run_scoped3A : memref<!tpu.dma_semaphore, #tpu.memory_space<semaphore_mem>>)
        %dma_wait3A_198 = tpu.memref_slice %arg2[%add3A_113] : memref<1638400xi32, #tpu.memory_space<hbm>> -> memref<2048xi32, #tpu.memory_space<hbm>>
        %dma_wait3A_199 = tpu.memref_slice %arg2[%add3A_113] : memref<1638400xi32, #tpu.memory_space<hbm>> -> memref<2048xi32, #tpu.memory_space<hbm>>
        tpu.wait_dma2 semaphore(%run_scoped3A : memref<!tpu.dma_semaphore, #tpu.memory_space<semaphore_mem>>) src(%dma_wait3A_199 : memref<2048xi32, #tpu.memory_space<hbm>>) dst(%arg11 : memref<2048xi32, #tpu.memory_space<vmem>>)
        tpu.yield
      }) : () -> ()
      %add3A_114 = arith.constant 3 : i32
      %add3A_115 = arith.addi %mul3A_67, %add3A_114 : i32
      %mul3A_116 = arith.constant 2048 : i32
      %mul3A_117 = arith.muli %add3A_115, %mul3A_116 : i32
      %add3A_118 = arith.addi %mul3A_7, %mul3A_117 : i32
      "tpu.region"() ({
        %run_scoped3A = tpu.sem_alloc : memref<!tpu.dma_semaphore, #tpu.memory_space<semaphore_mem>>
        %dma_start3A_196 = tpu.memref_slice %arg3[%add3A_118] : memref<1638400xi32, #tpu.memory_space<hbm>> -> memref<2048xi32, #tpu.memory_space<hbm>>
        %dma_start3A_197 = tpu.memref_slice %arg3[%add3A_118] : memref<1638400xi32, #tpu.memory_space<hbm>> -> memref<2048xi32, #tpu.memory_space<hbm>>
        tpu.enqueue_dma source(%dma_start3A_197 : memref<2048xi32, #tpu.memory_space<hbm>>) target(%arg16 : memref<2048xi32, #tpu.memory_space<vmem>>) target_semaphore(%run_scoped3A : memref<!tpu.dma_semaphore, #tpu.memory_space<semaphore_mem>>)
        %dma_wait3A_198 = tpu.memref_slice %arg3[%add3A_118] : memref<1638400xi32, #tpu.memory_space<hbm>> -> memref<2048xi32, #tpu.memory_space<hbm>>
        %dma_wait3A_199 = tpu.memref_slice %arg3[%add3A_118] : memref<1638400xi32, #tpu.memory_space<hbm>> -> memref<2048xi32, #tpu.memory_space<hbm>>
        tpu.wait_dma2 semaphore(%run_scoped3A : memref<!tpu.dma_semaphore, #tpu.memory_space<semaphore_mem>>) src(%dma_wait3A_199 : memref<2048xi32, #tpu.memory_space<hbm>>) dst(%arg16 : memref<2048xi32, #tpu.memory_space<vmem>>)
        tpu.yield
      }) : () -> ()
      %dma_start3A_119 = arith.constant 0 : i32
      %dma_start3A_120 = tpu.memref_slice %arg33[%dma_start3A_119] : memref<100352xf32, #tpu.memory_space<vmem_shared>> -> memref<100352xf32, #tpu.memory_space<vmem_shared>>
      tpu.enqueue_indirect_dma source(%dma_start3A_120 : memref<100352xf32, #tpu.memory_space<vmem_shared>>) target(%arg21 : memref<2048xf32, #tpu.memory_space<vmem>>) offsets(%arg11 : memref<2048xi32, #tpu.memory_space<vmem>>) semaphore(%arg31 : memref<!tpu.dma_semaphore, #tpu.memory_space<semaphore_mem>>)
      %dma_start3A_121 = arith.constant 0 : i32
      %dma_start3A_122 = tpu.memref_slice %arg34[%dma_start3A_121] : memref<100352xf32, #tpu.memory_space<vmem_shared>> -> memref<100352xf32, #tpu.memory_space<vmem_shared>>
      tpu.enqueue_indirect_dma source(%dma_start3A_122 : memref<100352xf32, #tpu.memory_space<vmem_shared>>) target(%arg26 : memref<2048xf32, #tpu.memory_space<vmem>>) offsets(%arg11 : memref<2048xi32, #tpu.memory_space<vmem>>) semaphore(%arg31 : memref<!tpu.dma_semaphore, #tpu.memory_space<semaphore_mem>>)
      %add3A_123 = arith.constant 4 : i32
      %add3A_124 = arith.addi %mul3A_67, %add3A_123 : i32
      %mul3A_125 = arith.constant 2048 : i32
      %mul3A_126 = arith.muli %add3A_124, %mul3A_125 : i32
      %add3A_127 = arith.addi %mul3A_7, %mul3A_126 : i32
      "tpu.region"() ({
        %run_scoped3A = tpu.sem_alloc : memref<!tpu.dma_semaphore, #tpu.memory_space<semaphore_mem>>
        %dma_start3A_196 = tpu.memref_slice %arg2[%add3A_127] : memref<1638400xi32, #tpu.memory_space<hbm>> -> memref<2048xi32, #tpu.memory_space<hbm>>
        %dma_start3A_197 = tpu.memref_slice %arg2[%add3A_127] : memref<1638400xi32, #tpu.memory_space<hbm>> -> memref<2048xi32, #tpu.memory_space<hbm>>
        tpu.enqueue_dma source(%dma_start3A_197 : memref<2048xi32, #tpu.memory_space<hbm>>) target(%arg12 : memref<2048xi32, #tpu.memory_space<vmem>>) target_semaphore(%run_scoped3A : memref<!tpu.dma_semaphore, #tpu.memory_space<semaphore_mem>>)
        %dma_wait3A_198 = tpu.memref_slice %arg2[%add3A_127] : memref<1638400xi32, #tpu.memory_space<hbm>> -> memref<2048xi32, #tpu.memory_space<hbm>>
        %dma_wait3A_199 = tpu.memref_slice %arg2[%add3A_127] : memref<1638400xi32, #tpu.memory_space<hbm>> -> memref<2048xi32, #tpu.memory_space<hbm>>
        tpu.wait_dma2 semaphore(%run_scoped3A : memref<!tpu.dma_semaphore, #tpu.memory_space<semaphore_mem>>) src(%dma_wait3A_199 : memref<2048xi32, #tpu.memory_space<hbm>>) dst(%arg12 : memref<2048xi32, #tpu.memory_space<vmem>>)
        tpu.yield
      }) : () -> ()
      %add3A_128 = arith.constant 4 : i32
      %add3A_129 = arith.addi %mul3A_67, %add3A_128 : i32
      %mul3A_130 = arith.constant 2048 : i32
      %mul3A_131 = arith.muli %add3A_129, %mul3A_130 : i32
      %add3A_132 = arith.addi %mul3A_7, %mul3A_131 : i32
      "tpu.region"() ({
        %run_scoped3A = tpu.sem_alloc : memref<!tpu.dma_semaphore, #tpu.memory_space<semaphore_mem>>
        %dma_start3A_196 = tpu.memref_slice %arg3[%add3A_132] : memref<1638400xi32, #tpu.memory_space<hbm>> -> memref<2048xi32, #tpu.memory_space<hbm>>
        %dma_start3A_197 = tpu.memref_slice %arg3[%add3A_132] : memref<1638400xi32, #tpu.memory_space<hbm>> -> memref<2048xi32, #tpu.memory_space<hbm>>
        tpu.enqueue_dma source(%dma_start3A_197 : memref<2048xi32, #tpu.memory_space<hbm>>) target(%arg17 : memref<2048xi32, #tpu.memory_space<vmem>>) target_semaphore(%run_scoped3A : memref<!tpu.dma_semaphore, #tpu.memory_space<semaphore_mem>>)
        %dma_wait3A_198 = tpu.memref_slice %arg3[%add3A_132] : memref<1638400xi32, #tpu.memory_space<hbm>> -> memref<2048xi32, #tpu.memory_space<hbm>>
        %dma_wait3A_199 = tpu.memref_slice %arg3[%add3A_132] : memref<1638400xi32, #tpu.memory_space<hbm>> -> memref<2048xi32, #tpu.memory_space<hbm>>
        tpu.wait_dma2 semaphore(%run_scoped3A : memref<!tpu.dma_semaphore, #tpu.memory_space<semaphore_mem>>) src(%dma_wait3A_199 : memref<2048xi32, #tpu.memory_space<hbm>>) dst(%arg17 : memref<2048xi32, #tpu.memory_space<vmem>>)
        tpu.yield
      }) : () -> ()
      %dma_start3A_133 = arith.constant 0 : i32
      %dma_start3A_134 = tpu.memref_slice %arg33[%dma_start3A_133] : memref<100352xf32, #tpu.memory_space<vmem_shared>> -> memref<100352xf32, #tpu.memory_space<vmem_shared>>
      tpu.enqueue_indirect_dma source(%dma_start3A_134 : memref<100352xf32, #tpu.memory_space<vmem_shared>>) target(%arg22 : memref<2048xf32, #tpu.memory_space<vmem>>) offsets(%arg12 : memref<2048xi32, #tpu.memory_space<vmem>>) semaphore(%arg32 : memref<!tpu.dma_semaphore, #tpu.memory_space<semaphore_mem>>)
      %dma_start3A_135 = arith.constant 0 : i32
      %dma_start3A_136 = tpu.memref_slice %arg34[%dma_start3A_135] : memref<100352xf32, #tpu.memory_space<vmem_shared>> -> memref<100352xf32, #tpu.memory_space<vmem_shared>>
      tpu.enqueue_indirect_dma source(%dma_start3A_136 : memref<100352xf32, #tpu.memory_space<vmem_shared>>) target(%arg27 : memref<2048xf32, #tpu.memory_space<vmem>>) offsets(%arg12 : memref<2048xi32, #tpu.memory_space<vmem>>) semaphore(%arg32 : memref<!tpu.dma_semaphore, #tpu.memory_space<semaphore_mem>>)
      %dma_wait3A = arith.constant 0 : i32
      %dma_wait3A_137 = tpu.memref_slice %arg33[%dma_wait3A] : memref<100352xf32, #tpu.memory_space<vmem_shared>> -> memref<100352xf32, #tpu.memory_space<vmem_shared>>
      tpu.wait_indirect_dma semaphore(%arg28 : memref<!tpu.dma_semaphore, #tpu.memory_space<semaphore_mem>>) src(%dma_wait3A_137 : memref<100352xf32, #tpu.memory_space<vmem_shared>>) dst(%arg18 : memref<2048xf32, #tpu.memory_space<vmem>>)
      %dma_wait3A_138 = arith.constant 0 : i32
      %dma_wait3A_139 = tpu.memref_slice %arg34[%dma_wait3A_138] : memref<100352xf32, #tpu.memory_space<vmem_shared>> -> memref<100352xf32, #tpu.memory_space<vmem_shared>>
      tpu.wait_indirect_dma semaphore(%arg28 : memref<!tpu.dma_semaphore, #tpu.memory_space<semaphore_mem>>) src(%dma_wait3A_139 : memref<100352xf32, #tpu.memory_space<vmem_shared>>) dst(%arg23 : memref<2048xf32, #tpu.memory_space<vmem>>)
      %dma_start3A_140 = arith.constant 0 : i32
      %dma_start3A_141 = tpu.memref_slice %arg35[%dma_start3A_140] : memref<100352xf32, #tpu.memory_space<vmem_shared>> -> memref<100352xf32, #tpu.memory_space<vmem_shared>>
      tpu.enqueue_indirect_dma source(%arg18 : memref<2048xf32, #tpu.memory_space<vmem>>) target(%dma_start3A_141 : memref<100352xf32, #tpu.memory_space<vmem_shared>>) offsets(%arg13 : memref<2048xi32, #tpu.memory_space<vmem>>) semaphore(%arg37 : memref<!tpu.dma_semaphore, #tpu.memory_space<semaphore_mem>>) {add = true}
      %dma_start3A_142 = arith.constant 0 : i32
      %dma_start3A_143 = tpu.memref_slice %arg36[%dma_start3A_142] : memref<100352xf32, #tpu.memory_space<vmem_shared>> -> memref<100352xf32, #tpu.memory_space<vmem_shared>>
      tpu.enqueue_indirect_dma source(%arg23 : memref<2048xf32, #tpu.memory_space<vmem>>) target(%dma_start3A_143 : memref<100352xf32, #tpu.memory_space<vmem_shared>>) offsets(%arg13 : memref<2048xi32, #tpu.memory_space<vmem>>) semaphore(%arg38 : memref<!tpu.dma_semaphore, #tpu.memory_space<semaphore_mem>>) {add = true}
      %dma_wait3A_144 = arith.constant 0 : i32
      %dma_wait3A_145 = tpu.memref_slice %arg33[%dma_wait3A_144] : memref<100352xf32, #tpu.memory_space<vmem_shared>> -> memref<100352xf32, #tpu.memory_space<vmem_shared>>
      tpu.wait_indirect_dma semaphore(%arg29 : memref<!tpu.dma_semaphore, #tpu.memory_space<semaphore_mem>>) src(%dma_wait3A_145 : memref<100352xf32, #tpu.memory_space<vmem_shared>>) dst(%arg19 : memref<2048xf32, #tpu.memory_space<vmem>>)
      %dma_wait3A_146 = arith.constant 0 : i32
      %dma_wait3A_147 = tpu.memref_slice %arg34[%dma_wait3A_146] : memref<100352xf32, #tpu.memory_space<vmem_shared>> -> memref<100352xf32, #tpu.memory_space<vmem_shared>>
      tpu.wait_indirect_dma semaphore(%arg29 : memref<!tpu.dma_semaphore, #tpu.memory_space<semaphore_mem>>) src(%dma_wait3A_147 : memref<100352xf32, #tpu.memory_space<vmem_shared>>) dst(%arg24 : memref<2048xf32, #tpu.memory_space<vmem>>)
      %dma_start3A_148 = arith.constant 0 : i32
      %dma_start3A_149 = tpu.memref_slice %arg35[%dma_start3A_148] : memref<100352xf32, #tpu.memory_space<vmem_shared>> -> memref<100352xf32, #tpu.memory_space<vmem_shared>>
      tpu.enqueue_indirect_dma source(%arg19 : memref<2048xf32, #tpu.memory_space<vmem>>) target(%dma_start3A_149 : memref<100352xf32, #tpu.memory_space<vmem_shared>>) offsets(%arg14 : memref<2048xi32, #tpu.memory_space<vmem>>) semaphore(%arg37 : memref<!tpu.dma_semaphore, #tpu.memory_space<semaphore_mem>>) {add = true}
      %dma_start3A_150 = arith.constant 0 : i32
      %dma_start3A_151 = tpu.memref_slice %arg36[%dma_start3A_150] : memref<100352xf32, #tpu.memory_space<vmem_shared>> -> memref<100352xf32, #tpu.memory_space<vmem_shared>>
      tpu.enqueue_indirect_dma source(%arg24 : memref<2048xf32, #tpu.memory_space<vmem>>) target(%dma_start3A_151 : memref<100352xf32, #tpu.memory_space<vmem_shared>>) offsets(%arg14 : memref<2048xi32, #tpu.memory_space<vmem>>) semaphore(%arg38 : memref<!tpu.dma_semaphore, #tpu.memory_space<semaphore_mem>>) {add = true}
      %dma_wait3A_152 = arith.constant 0 : i32
      %dma_wait3A_153 = tpu.memref_slice %arg33[%dma_wait3A_152] : memref<100352xf32, #tpu.memory_space<vmem_shared>> -> memref<100352xf32, #tpu.memory_space<vmem_shared>>
      tpu.wait_indirect_dma semaphore(%arg30 : memref<!tpu.dma_semaphore, #tpu.memory_space<semaphore_mem>>) src(%dma_wait3A_153 : memref<100352xf32, #tpu.memory_space<vmem_shared>>) dst(%arg20 : memref<2048xf32, #tpu.memory_space<vmem>>)
      %dma_wait3A_154 = arith.constant 0 : i32
      %dma_wait3A_155 = tpu.memref_slice %arg34[%dma_wait3A_154] : memref<100352xf32, #tpu.memory_space<vmem_shared>> -> memref<100352xf32, #tpu.memory_space<vmem_shared>>
      tpu.wait_indirect_dma semaphore(%arg30 : memref<!tpu.dma_semaphore, #tpu.memory_space<semaphore_mem>>) src(%dma_wait3A_155 : memref<100352xf32, #tpu.memory_space<vmem_shared>>) dst(%arg25 : memref<2048xf32, #tpu.memory_space<vmem>>)
      %dma_start3A_156 = arith.constant 0 : i32
      %dma_start3A_157 = tpu.memref_slice %arg35[%dma_start3A_156] : memref<100352xf32, #tpu.memory_space<vmem_shared>> -> memref<100352xf32, #tpu.memory_space<vmem_shared>>
      tpu.enqueue_indirect_dma source(%arg20 : memref<2048xf32, #tpu.memory_space<vmem>>) target(%dma_start3A_157 : memref<100352xf32, #tpu.memory_space<vmem_shared>>) offsets(%arg15 : memref<2048xi32, #tpu.memory_space<vmem>>) semaphore(%arg37 : memref<!tpu.dma_semaphore, #tpu.memory_space<semaphore_mem>>) {add = true}
      %dma_start3A_158 = arith.constant 0 : i32
      %dma_start3A_159 = tpu.memref_slice %arg36[%dma_start3A_158] : memref<100352xf32, #tpu.memory_space<vmem_shared>> -> memref<100352xf32, #tpu.memory_space<vmem_shared>>
      tpu.enqueue_indirect_dma source(%arg25 : memref<2048xf32, #tpu.memory_space<vmem>>) target(%dma_start3A_159 : memref<100352xf32, #tpu.memory_space<vmem_shared>>) offsets(%arg15 : memref<2048xi32, #tpu.memory_space<vmem>>) semaphore(%arg38 : memref<!tpu.dma_semaphore, #tpu.memory_space<semaphore_mem>>) {add = true}
      %dma_wait3A_160 = arith.constant 0 : i32
      %dma_wait3A_161 = tpu.memref_slice %arg33[%dma_wait3A_160] : memref<100352xf32, #tpu.memory_space<vmem_shared>> -> memref<100352xf32, #tpu.memory_space<vmem_shared>>
      tpu.wait_indirect_dma semaphore(%arg31 : memref<!tpu.dma_semaphore, #tpu.memory_space<semaphore_mem>>) src(%dma_wait3A_161 : memref<100352xf32, #tpu.memory_space<vmem_shared>>) dst(%arg21 : memref<2048xf32, #tpu.memory_space<vmem>>)
      %dma_wait3A_162 = arith.constant 0 : i32
      %dma_wait3A_163 = tpu.memref_slice %arg34[%dma_wait3A_162] : memref<100352xf32, #tpu.memory_space<vmem_shared>> -> memref<100352xf32, #tpu.memory_space<vmem_shared>>
      tpu.wait_indirect_dma semaphore(%arg31 : memref<!tpu.dma_semaphore, #tpu.memory_space<semaphore_mem>>) src(%dma_wait3A_163 : memref<100352xf32, #tpu.memory_space<vmem_shared>>) dst(%arg26 : memref<2048xf32, #tpu.memory_space<vmem>>)
      %dma_start3A_164 = arith.constant 0 : i32
      %dma_start3A_165 = tpu.memref_slice %arg35[%dma_start3A_164] : memref<100352xf32, #tpu.memory_space<vmem_shared>> -> memref<100352xf32, #tpu.memory_space<vmem_shared>>
      tpu.enqueue_indirect_dma source(%arg21 : memref<2048xf32, #tpu.memory_space<vmem>>) target(%dma_start3A_165 : memref<100352xf32, #tpu.memory_space<vmem_shared>>) offsets(%arg16 : memref<2048xi32, #tpu.memory_space<vmem>>) semaphore(%arg37 : memref<!tpu.dma_semaphore, #tpu.memory_space<semaphore_mem>>) {add = true}
      %dma_start3A_166 = arith.constant 0 : i32
      %dma_start3A_167 = tpu.memref_slice %arg36[%dma_start3A_166] : memref<100352xf32, #tpu.memory_space<vmem_shared>> -> memref<100352xf32, #tpu.memory_space<vmem_shared>>
      tpu.enqueue_indirect_dma source(%arg26 : memref<2048xf32, #tpu.memory_space<vmem>>) target(%dma_start3A_167 : memref<100352xf32, #tpu.memory_space<vmem_shared>>) offsets(%arg16 : memref<2048xi32, #tpu.memory_space<vmem>>) semaphore(%arg38 : memref<!tpu.dma_semaphore, #tpu.memory_space<semaphore_mem>>) {add = true}
      %dma_wait3A_168 = arith.constant 0 : i32
      %dma_wait3A_169 = tpu.memref_slice %arg33[%dma_wait3A_168] : memref<100352xf32, #tpu.memory_space<vmem_shared>> -> memref<100352xf32, #tpu.memory_space<vmem_shared>>
      tpu.wait_indirect_dma semaphore(%arg32 : memref<!tpu.dma_semaphore, #tpu.memory_space<semaphore_mem>>) src(%dma_wait3A_169 : memref<100352xf32, #tpu.memory_space<vmem_shared>>) dst(%arg22 : memref<2048xf32, #tpu.memory_space<vmem>>)
      %dma_wait3A_170 = arith.constant 0 : i32
      %dma_wait3A_171 = tpu.memref_slice %arg34[%dma_wait3A_170] : memref<100352xf32, #tpu.memory_space<vmem_shared>> -> memref<100352xf32, #tpu.memory_space<vmem_shared>>
      tpu.wait_indirect_dma semaphore(%arg32 : memref<!tpu.dma_semaphore, #tpu.memory_space<semaphore_mem>>) src(%dma_wait3A_171 : memref<100352xf32, #tpu.memory_space<vmem_shared>>) dst(%arg27 : memref<2048xf32, #tpu.memory_space<vmem>>)
      %dma_start3A_172 = arith.constant 0 : i32
      %dma_start3A_173 = tpu.memref_slice %arg35[%dma_start3A_172] : memref<100352xf32, #tpu.memory_space<vmem_shared>> -> memref<100352xf32, #tpu.memory_space<vmem_shared>>
      tpu.enqueue_indirect_dma source(%arg22 : memref<2048xf32, #tpu.memory_space<vmem>>) target(%dma_start3A_173 : memref<100352xf32, #tpu.memory_space<vmem_shared>>) offsets(%arg17 : memref<2048xi32, #tpu.memory_space<vmem>>) semaphore(%arg37 : memref<!tpu.dma_semaphore, #tpu.memory_space<semaphore_mem>>) {add = true}
      %dma_start3A_174 = arith.constant 0 : i32
      %dma_start3A_175 = tpu.memref_slice %arg36[%dma_start3A_174] : memref<100352xf32, #tpu.memory_space<vmem_shared>> -> memref<100352xf32, #tpu.memory_space<vmem_shared>>
      tpu.enqueue_indirect_dma source(%arg27 : memref<2048xf32, #tpu.memory_space<vmem>>) target(%dma_start3A_175 : memref<100352xf32, #tpu.memory_space<vmem_shared>>) offsets(%arg17 : memref<2048xi32, #tpu.memory_space<vmem>>) semaphore(%arg38 : memref<!tpu.dma_semaphore, #tpu.memory_space<semaphore_mem>>) {add = true}
      %dma_wait3A_176 = arith.constant 0 : i32
      %dma_wait3A_177 = tpu.memref_slice %arg35[%dma_wait3A_176] : memref<100352xf32, #tpu.memory_space<vmem_shared>> -> memref<100352xf32, #tpu.memory_space<vmem_shared>>
      tpu.wait_indirect_dma semaphore(%arg37 : memref<!tpu.dma_semaphore, #tpu.memory_space<semaphore_mem>>) src(%arg18 : memref<2048xf32, #tpu.memory_space<vmem>>) dst(%dma_wait3A_177 : memref<100352xf32, #tpu.memory_space<vmem_shared>>)
      %dma_wait3A_178 = arith.constant 0 : i32
      %dma_wait3A_179 = tpu.memref_slice %arg36[%dma_wait3A_178] : memref<100352xf32, #tpu.memory_space<vmem_shared>> -> memref<100352xf32, #tpu.memory_space<vmem_shared>>
      tpu.wait_indirect_dma semaphore(%arg38 : memref<!tpu.dma_semaphore, #tpu.memory_space<semaphore_mem>>) src(%arg23 : memref<2048xf32, #tpu.memory_space<vmem>>) dst(%dma_wait3A_179 : memref<100352xf32, #tpu.memory_space<vmem_shared>>)
      %dma_wait3A_180 = arith.constant 0 : i32
      %dma_wait3A_181 = tpu.memref_slice %arg35[%dma_wait3A_180] : memref<100352xf32, #tpu.memory_space<vmem_shared>> -> memref<100352xf32, #tpu.memory_space<vmem_shared>>
      tpu.wait_indirect_dma semaphore(%arg37 : memref<!tpu.dma_semaphore, #tpu.memory_space<semaphore_mem>>) src(%arg19 : memref<2048xf32, #tpu.memory_space<vmem>>) dst(%dma_wait3A_181 : memref<100352xf32, #tpu.memory_space<vmem_shared>>)
      %dma_wait3A_182 = arith.constant 0 : i32
      %dma_wait3A_183 = tpu.memref_slice %arg36[%dma_wait3A_182] : memref<100352xf32, #tpu.memory_space<vmem_shared>> -> memref<100352xf32, #tpu.memory_space<vmem_shared>>
      tpu.wait_indirect_dma semaphore(%arg38 : memref<!tpu.dma_semaphore, #tpu.memory_space<semaphore_mem>>) src(%arg24 : memref<2048xf32, #tpu.memory_space<vmem>>) dst(%dma_wait3A_183 : memref<100352xf32, #tpu.memory_space<vmem_shared>>)
      %dma_wait3A_184 = arith.constant 0 : i32
      %dma_wait3A_185 = tpu.memref_slice %arg35[%dma_wait3A_184] : memref<100352xf32, #tpu.memory_space<vmem_shared>> -> memref<100352xf32, #tpu.memory_space<vmem_shared>>
      tpu.wait_indirect_dma semaphore(%arg37 : memref<!tpu.dma_semaphore, #tpu.memory_space<semaphore_mem>>) src(%arg20 : memref<2048xf32, #tpu.memory_space<vmem>>) dst(%dma_wait3A_185 : memref<100352xf32, #tpu.memory_space<vmem_shared>>)
      %dma_wait3A_186 = arith.constant 0 : i32
      %dma_wait3A_187 = tpu.memref_slice %arg36[%dma_wait3A_186] : memref<100352xf32, #tpu.memory_space<vmem_shared>> -> memref<100352xf32, #tpu.memory_space<vmem_shared>>
      tpu.wait_indirect_dma semaphore(%arg38 : memref<!tpu.dma_semaphore, #tpu.memory_space<semaphore_mem>>) src(%arg25 : memref<2048xf32, #tpu.memory_space<vmem>>) dst(%dma_wait3A_187 : memref<100352xf32, #tpu.memory_space<vmem_shared>>)
      %dma_wait3A_188 = arith.constant 0 : i32
      %dma_wait3A_189 = tpu.memref_slice %arg35[%dma_wait3A_188] : memref<100352xf32, #tpu.memory_space<vmem_shared>> -> memref<100352xf32, #tpu.memory_space<vmem_shared>>
      tpu.wait_indirect_dma semaphore(%arg37 : memref<!tpu.dma_semaphore, #tpu.memory_space<semaphore_mem>>) src(%arg21 : memref<2048xf32, #tpu.memory_space<vmem>>) dst(%dma_wait3A_189 : memref<100352xf32, #tpu.memory_space<vmem_shared>>)
      %dma_wait3A_190 = arith.constant 0 : i32
      %dma_wait3A_191 = tpu.memref_slice %arg36[%dma_wait3A_190] : memref<100352xf32, #tpu.memory_space<vmem_shared>> -> memref<100352xf32, #tpu.memory_space<vmem_shared>>
      tpu.wait_indirect_dma semaphore(%arg38 : memref<!tpu.dma_semaphore, #tpu.memory_space<semaphore_mem>>) src(%arg26 : memref<2048xf32, #tpu.memory_space<vmem>>) dst(%dma_wait3A_191 : memref<100352xf32, #tpu.memory_space<vmem_shared>>)
      %dma_wait3A_192 = arith.constant 0 : i32
      %dma_wait3A_193 = tpu.memref_slice %arg35[%dma_wait3A_192] : memref<100352xf32, #tpu.memory_space<vmem_shared>> -> memref<100352xf32, #tpu.memory_space<vmem_shared>>
      tpu.wait_indirect_dma semaphore(%arg37 : memref<!tpu.dma_semaphore, #tpu.memory_space<semaphore_mem>>) src(%arg22 : memref<2048xf32, #tpu.memory_space<vmem>>) dst(%dma_wait3A_193 : memref<100352xf32, #tpu.memory_space<vmem_shared>>)
      %dma_wait3A_194 = arith.constant 0 : i32
      %dma_wait3A_195 = tpu.memref_slice %arg36[%dma_wait3A_194] : memref<100352xf32, #tpu.memory_space<vmem_shared>> -> memref<100352xf32, #tpu.memory_space<vmem_shared>>
      tpu.wait_indirect_dma semaphore(%arg38 : memref<!tpu.dma_semaphore, #tpu.memory_space<semaphore_mem>>) src(%arg27 : memref<2048xf32, #tpu.memory_space<vmem>>) dst(%dma_wait3A_195 : memref<100352xf32, #tpu.memory_space<vmem_shared>>)
    }
    %barrier3A_58 = arith.constant 0 : index
    tpu.barrier barrier_id(%barrier3A_58)
    %mul3A_59 = arith.constant 100352 : i32
    %mul3A_60 = arith.muli %arg0, %mul3A_59 : i32
    %add3A_61 = arith.addi %mul3A_60, %mul3A_9 : i32
    "tpu.region"() ({
      %run_scoped3A = tpu.sem_alloc : memref<!tpu.dma_semaphore, #tpu.memory_space<semaphore_mem>>
      %dma_start3A = tpu.memref_slice %arg6[%add3A_61] : memref<200704xf32, #tpu.memory_space<hbm>> -> memref<6272xf32, #tpu.memory_space<hbm>>
      %dma_start3A_65 = tpu.memref_slice %arg35[%mul3A_9] : memref<100352xf32, #tpu.memory_space<vmem_shared>> -> memref<6272xf32, #tpu.memory_space<vmem_shared>>
      tpu.enqueue_dma source(%dma_start3A_65 : memref<6272xf32, #tpu.memory_space<vmem_shared>>) target(%dma_start3A : memref<6272xf32, #tpu.memory_space<hbm>>) target_semaphore(%run_scoped3A : memref<!tpu.dma_semaphore, #tpu.memory_space<semaphore_mem>>)
      %dma_wait3A = tpu.memref_slice %arg6[%add3A_61] : memref<200704xf32, #tpu.memory_space<hbm>> -> memref<6272xf32, #tpu.memory_space<hbm>>
      %dma_wait3A_66 = tpu.memref_slice %arg35[%mul3A_9] : memref<100352xf32, #tpu.memory_space<vmem_shared>> -> memref<6272xf32, #tpu.memory_space<vmem_shared>>
      tpu.wait_dma2 semaphore(%run_scoped3A : memref<!tpu.dma_semaphore, #tpu.memory_space<semaphore_mem>>) src(%dma_wait3A_66 : memref<6272xf32, #tpu.memory_space<vmem_shared>>) dst(%dma_wait3A : memref<6272xf32, #tpu.memory_space<hbm>>)
      tpu.yield
    }) : () -> ()
    %mul3A_62 = arith.constant 100352 : i32
    %mul3A_63 = arith.muli %arg0, %mul3A_62 : i32
    %add3A_64 = arith.addi %mul3A_63, %mul3A_9 : i32
    "tpu.region"() ({
      %run_scoped3A = tpu.sem_alloc : memref<!tpu.dma_semaphore, #tpu.memory_space<semaphore_mem>>
      %dma_start3A = tpu.memref_slice %arg7[%add3A_64] : memref<200704xf32, #tpu.memory_space<hbm>> -> memref<6272xf32, #tpu.memory_space<hbm>>
      %dma_start3A_65 = tpu.memref_slice %arg36[%mul3A_9] : memref<100352xf32, #tpu.memory_space<vmem_shared>> -> memref<6272xf32, #tpu.memory_space<vmem_shared>>
      tpu.enqueue_dma source(%dma_start3A_65 : memref<6272xf32, #tpu.memory_space<vmem_shared>>) target(%dma_start3A : memref<6272xf32, #tpu.memory_space<hbm>>) target_semaphore(%run_scoped3A : memref<!tpu.dma_semaphore, #tpu.memory_space<semaphore_mem>>)
      %dma_wait3A = tpu.memref_slice %arg7[%add3A_64] : memref<200704xf32, #tpu.memory_space<hbm>> -> memref<6272xf32, #tpu.memory_space<hbm>>
      %dma_wait3A_66 = tpu.memref_slice %arg36[%mul3A_9] : memref<100352xf32, #tpu.memory_space<vmem_shared>> -> memref<6272xf32, #tpu.memory_space<vmem_shared>>
      tpu.wait_dma2 semaphore(%run_scoped3A : memref<!tpu.dma_semaphore, #tpu.memory_space<semaphore_mem>>) src(%dma_wait3A_66 : memref<6272xf32, #tpu.memory_space<vmem_shared>>) dst(%dma_wait3A : memref<6272xf32, #tpu.memory_space<hbm>>)
      tpu.yield
    }) : () -> ()
    return
  }
}

#map = affine_map<(d0, d1) -> (0)>
module attributes {stable_mosaic.version = 14 : i64} {
  func.func @_deg_body(%arg0: i32, %arg1: i32, %arg2: memref<1638400xi32, #tpu.memory_space<hbm>>, %arg3: memref<100352xf32, #tpu.memory_space<hbm>>, %arg4: memref<200704xf32, #tpu.memory_space<hbm>>, %arg5: memref<2048xi32, #tpu.memory_space<vmem>>, %arg6: memref<2048xi32, #tpu.memory_space<vmem>>, %arg7: memref<2048xi32, #tpu.memory_space<vmem>>, %arg8: memref<2048xi32, #tpu.memory_space<vmem>>, %arg9: memref<2048xi32, #tpu.memory_space<vmem>>, %arg10: memref<2048xf32, #tpu.memory_space<vmem>>, %arg11: memref<100352xf32, #tpu.memory_space<vmem_shared>>, %arg12: memref<!tpu.dma_semaphore, #tpu.memory_space<semaphore_mem>>) attributes {dimension_semantics = [#tpu.dimension_semantics<core_parallel>, #tpu.dimension_semantics<subcore_parallel>], iteration_bounds = array<i64: 2, 16>, scalar_prefetch = 0 : i64, scratch_operands = 8 : i64, tpu.core_type = #tpu.core_type<sc_vector_subcore>, window_params = [{transform_indices = #map}, {transform_indices = #map}, {transform_indices = #map}]} {
    %eq3A = arith.constant 0 : i32
    %eq3A_0 = arith.cmpi eq, %arg0, %eq3A : i32
    %jit3A = arith.constant 35 : i32
    %jit3A_1 = arith.constant 15 : i32
    %select_n3A = arith.select %eq3A_0, %jit3A, %jit3A_1 : i32
    %mul3A = arith.constant 16 : i32
    %mul3A_2 = arith.muli %arg0, %mul3A : i32
    %mul3A_3 = arith.constant 35 : i32
    %mul3A_4 = arith.muli %mul3A_2, %mul3A_3 : i32
    %mul3A_5 = arith.muli %arg1, %select_n3A : i32
    %add3A = arith.addi %mul3A_4, %mul3A_5 : i32
    %mul3A_6 = arith.constant 2048 : i32
    %mul3A_7 = arith.muli %add3A, %mul3A_6 : i32
    %scan3A = arith.constant 0 : i32
    %scan3A_8 = arith.constant 0 : i32
    %scan3A_9 = arith.constant 128 : i32
    %scan3A_10 = arith.addi %scan3A_8, %scan3A_9 : i32
    %scan3A_11 = arith.constant 1 : i32
    scf.for %scan3A_51 = %scan3A_8 to %scan3A_10 step %scan3A_11  : i32 {
      %broadcast_in_dim3A = arith.constant 1.000000e+00 : f32
      %broadcast_in_dim3A_52 = vector.broadcast %broadcast_in_dim3A : f32 to vector<16xf32>
      %mul3A_53 = arith.constant 16 : i32
      %mul3A_54 = arith.muli %scan3A_51, %mul3A_53 : i32
      %swap3A = arith.index_cast %mul3A_54 : i32 to index
      %swap3A_55 = tpu.vector_load %arg10[%swap3A] {strides = array<i32>} : memref<2048xf32, #tpu.memory_space<vmem>>, vector<16xf32>,
      %swap3A_56 = vector.shape_cast %swap3A_55 : vector<16xf32> to vector<16xf32>
      %swap3A_57 = vector.shape_cast %broadcast_in_dim3A_52 : vector<16xf32> to vector<16xf32>
      tpu.vector_store %arg10[%swap3A], %swap3A_57 {strides = array<i32>} : memref<2048xf32, #tpu.memory_space<vmem>>, vector<16xf32>,
    }
    %scan3A_12 = arith.constant 128 : i32
    %eq3A_13 = arith.constant 0 : i32
    %eq3A_14 = arith.cmpi eq, %arg1, %eq3A_13 : i32
    %convert_element_type3A = arith.extui %eq3A_14 : i1 to i32
    %cond3A = arith.constant 0 : i32
    %cond3A_15 = arith.cmpi ne, %convert_element_type3A, %cond3A : i32
    scf.if %cond3A_15 {
      "tpu.region"() ({
        %run_scoped3A = tpu.sem_alloc : memref<!tpu.dma_semaphore, #tpu.memory_space<semaphore_mem>>
        tpu.enqueue_dma source(%arg3 : memref<100352xf32, #tpu.memory_space<hbm>>) target(%arg11 : memref<100352xf32, #tpu.memory_space<vmem_shared>>) target_semaphore(%run_scoped3A : memref<!tpu.dma_semaphore, #tpu.memory_space<semaphore_mem>>)
        tpu.wait_dma2 semaphore(%run_scoped3A : memref<!tpu.dma_semaphore, #tpu.memory_space<semaphore_mem>>) src(%arg3 : memref<100352xf32, #tpu.memory_space<hbm>>) dst(%arg11 : memref<100352xf32, #tpu.memory_space<vmem_shared>>)
        tpu.yield
      }) : () -> ()
    } else {
    }
    %barrier3A = arith.constant 0 : index
    tpu.barrier barrier_id(%barrier3A)
    %jit3A_16 = arith.constant 5 : i32
    %div3A = arith.divsi %select_n3A, %jit3A_16 : i32
    %sign3A = arith.constant 0 : i32
    %sign3A_17 = arith.cmpi sgt, %select_n3A, %sign3A : i32
    %sign3A_18 = arith.extui %sign3A_17 : i1 to i32
    %sign3A_19 = arith.constant 0 : i32
    %sign3A_20 = arith.cmpi slt, %select_n3A, %sign3A_19 : i32
    %sign3A_21 = arith.extui %sign3A_20 : i1 to i32
    %sign3A_22 = arith.subi %sign3A_18, %sign3A_21 : i32
    %sign3A_23 = arith.constant 0 : i32
    %sign3A_24 = arith.cmpi sgt, %jit3A_16, %sign3A_23 : i32
    %sign3A_25 = arith.extui %sign3A_24 : i1 to i32
    %sign3A_26 = arith.constant 0 : i32
    %sign3A_27 = arith.cmpi slt, %jit3A_16, %sign3A_26 : i32
    %sign3A_28 = arith.extui %sign3A_27 : i1 to i32
    %sign3A_29 = arith.subi %sign3A_25, %sign3A_28 : i32
    %ne3A = arith.cmpi ne, %sign3A_22, %sign3A_29 : i32
    %rem3A = arith.remsi %select_n3A, %jit3A_16 : i32
    %ne3A_30 = arith.constant 0 : i32
    %ne3A_31 = arith.cmpi ne, %rem3A, %ne3A_30 : i32
    %and3A = arith.andi %ne3A, %ne3A_31 : i1
    %sub3A = arith.constant 1 : i32
    %sub3A_32 = arith.subi %div3A, %sub3A : i32
    %select_n3A_33 = arith.select %and3A, %sub3A_32, %div3A : i32
    %while3A = arith.constant 0 : i32
    %while3A_34 = arith.constant 0 : i32
    %while3A_35 = arith.subi %select_n3A_33, %while3A_34 : i32
    %while3A_36 = arith.addi %while3A_34, %while3A_35 : i32
    %while3A_37 = arith.constant 1 : i32
    %while3A_38 = arith.divsi %while3A_35, %while3A_37 : i32
    %while3A_39 = arith.muli %while3A_38, %while3A_37 : i32
    %while3A_40 = arith.addi %while3A_34, %while3A_39 : i32
    %while3A_41 = arith.constant 1 : i32
    scf.for %while3A_51 = %while3A_34 to %while3A_40 step %while3A_41  : i32 {
      %mul3A_52 = arith.constant 5 : i32
      %mul3A_53 = arith.muli %while3A_51, %mul3A_52 : i32
      %add3A_54 = arith.constant 0 : i32
      %add3A_55 = arith.addi %mul3A_53, %add3A_54 : i32
      %mul3A_56 = arith.constant 2048 : i32
      %mul3A_57 = arith.muli %add3A_55, %mul3A_56 : i32
      %add3A_58 = arith.addi %mul3A_7, %mul3A_57 : i32
      "tpu.region"() ({
        %run_scoped3A = tpu.sem_alloc : memref<!tpu.dma_semaphore, #tpu.memory_space<semaphore_mem>>
        %dma_start3A_97 = tpu.memref_slice %arg2[%add3A_58] : memref<1638400xi32, #tpu.memory_space<hbm>> -> memref<2048xi32, #tpu.memory_space<hbm>>
        %dma_start3A_98 = tpu.memref_slice %arg2[%add3A_58] : memref<1638400xi32, #tpu.memory_space<hbm>> -> memref<2048xi32, #tpu.memory_space<hbm>>
        tpu.enqueue_dma source(%dma_start3A_98 : memref<2048xi32, #tpu.memory_space<hbm>>) target(%arg5 : memref<2048xi32, #tpu.memory_space<vmem>>) target_semaphore(%run_scoped3A : memref<!tpu.dma_semaphore, #tpu.memory_space<semaphore_mem>>)
        %dma_wait3A_99 = tpu.memref_slice %arg2[%add3A_58] : memref<1638400xi32, #tpu.memory_space<hbm>> -> memref<2048xi32, #tpu.memory_space<hbm>>
        %dma_wait3A_100 = tpu.memref_slice %arg2[%add3A_58] : memref<1638400xi32, #tpu.memory_space<hbm>> -> memref<2048xi32, #tpu.memory_space<hbm>>
        tpu.wait_dma2 semaphore(%run_scoped3A : memref<!tpu.dma_semaphore, #tpu.memory_space<semaphore_mem>>) src(%dma_wait3A_100 : memref<2048xi32, #tpu.memory_space<hbm>>) dst(%arg5 : memref<2048xi32, #tpu.memory_space<vmem>>)
        tpu.yield
      }) : () -> ()
      %dma_start3A = arith.constant 0 : i32
      %dma_start3A_59 = tpu.memref_slice %arg11[%dma_start3A] : memref<100352xf32, #tpu.memory_space<vmem_shared>> -> memref<100352xf32, #tpu.memory_space<vmem_shared>>
      tpu.enqueue_indirect_dma source(%arg10 : memref<2048xf32, #tpu.memory_space<vmem>>) target(%dma_start3A_59 : memref<100352xf32, #tpu.memory_space<vmem_shared>>) offsets(%arg5 : memref<2048xi32, #tpu.memory_space<vmem>>) semaphore(%arg12 : memref<!tpu.dma_semaphore, #tpu.memory_space<semaphore_mem>>) {add = true}
      %add3A_60 = arith.constant 1 : i32
      %add3A_61 = arith.addi %mul3A_53, %add3A_60 : i32
      %mul3A_62 = arith.constant 2048 : i32
      %mul3A_63 = arith.muli %add3A_61, %mul3A_62 : i32
      %add3A_64 = arith.addi %mul3A_7, %mul3A_63 : i32
      "tpu.region"() ({
        %run_scoped3A = tpu.sem_alloc : memref<!tpu.dma_semaphore, #tpu.memory_space<semaphore_mem>>
        %dma_start3A_97 = tpu.memref_slice %arg2[%add3A_64] : memref<1638400xi32, #tpu.memory_space<hbm>> -> memref<2048xi32, #tpu.memory_space<hbm>>
        %dma_start3A_98 = tpu.memref_slice %arg2[%add3A_64] : memref<1638400xi32, #tpu.memory_space<hbm>> -> memref<2048xi32, #tpu.memory_space<hbm>>
        tpu.enqueue_dma source(%dma_start3A_98 : memref<2048xi32, #tpu.memory_space<hbm>>) target(%arg6 : memref<2048xi32, #tpu.memory_space<vmem>>) target_semaphore(%run_scoped3A : memref<!tpu.dma_semaphore, #tpu.memory_space<semaphore_mem>>)
        %dma_wait3A_99 = tpu.memref_slice %arg2[%add3A_64] : memref<1638400xi32, #tpu.memory_space<hbm>> -> memref<2048xi32, #tpu.memory_space<hbm>>
        %dma_wait3A_100 = tpu.memref_slice %arg2[%add3A_64] : memref<1638400xi32, #tpu.memory_space<hbm>> -> memref<2048xi32, #tpu.memory_space<hbm>>
        tpu.wait_dma2 semaphore(%run_scoped3A : memref<!tpu.dma_semaphore, #tpu.memory_space<semaphore_mem>>) src(%dma_wait3A_100 : memref<2048xi32, #tpu.memory_space<hbm>>) dst(%arg6 : memref<2048xi32, #tpu.memory_space<vmem>>)
        tpu.yield
      }) : () -> ()
      %dma_start3A_65 = arith.constant 0 : i32
      %dma_start3A_66 = tpu.memref_slice %arg11[%dma_start3A_65] : memref<100352xf32, #tpu.memory_space<vmem_shared>> -> memref<100352xf32, #tpu.memory_space<vmem_shared>>
      tpu.enqueue_indirect_dma source(%arg10 : memref<2048xf32, #tpu.memory_space<vmem>>) target(%dma_start3A_66 : memref<100352xf32, #tpu.memory_space<vmem_shared>>) offsets(%arg6 : memref<2048xi32, #tpu.memory_space<vmem>>) semaphore(%arg12 : memref<!tpu.dma_semaphore, #tpu.memory_space<semaphore_mem>>) {add = true}
      %add3A_67 = arith.constant 2 : i32
      %add3A_68 = arith.addi %mul3A_53, %add3A_67 : i32
      %mul3A_69 = arith.constant 2048 : i32
      %mul3A_70 = arith.muli %add3A_68, %mul3A_69 : i32
      %add3A_71 = arith.addi %mul3A_7, %mul3A_70 : i32
      "tpu.region"() ({
        %run_scoped3A = tpu.sem_alloc : memref<!tpu.dma_semaphore, #tpu.memory_space<semaphore_mem>>
        %dma_start3A_97 = tpu.memref_slice %arg2[%add3A_71] : memref<1638400xi32, #tpu.memory_space<hbm>> -> memref<2048xi32, #tpu.memory_space<hbm>>
        %dma_start3A_98 = tpu.memref_slice %arg2[%add3A_71] : memref<1638400xi32, #tpu.memory_space<hbm>> -> memref<2048xi32, #tpu.memory_space<hbm>>
        tpu.enqueue_dma source(%dma_start3A_98 : memref<2048xi32, #tpu.memory_space<hbm>>) target(%arg7 : memref<2048xi32, #tpu.memory_space<vmem>>) target_semaphore(%run_scoped3A : memref<!tpu.dma_semaphore, #tpu.memory_space<semaphore_mem>>)
        %dma_wait3A_99 = tpu.memref_slice %arg2[%add3A_71] : memref<1638400xi32, #tpu.memory_space<hbm>> -> memref<2048xi32, #tpu.memory_space<hbm>>
        %dma_wait3A_100 = tpu.memref_slice %arg2[%add3A_71] : memref<1638400xi32, #tpu.memory_space<hbm>> -> memref<2048xi32, #tpu.memory_space<hbm>>
        tpu.wait_dma2 semaphore(%run_scoped3A : memref<!tpu.dma_semaphore, #tpu.memory_space<semaphore_mem>>) src(%dma_wait3A_100 : memref<2048xi32, #tpu.memory_space<hbm>>) dst(%arg7 : memref<2048xi32, #tpu.memory_space<vmem>>)
        tpu.yield
      }) : () -> ()
      %dma_start3A_72 = arith.constant 0 : i32
      %dma_start3A_73 = tpu.memref_slice %arg11[%dma_start3A_72] : memref<100352xf32, #tpu.memory_space<vmem_shared>> -> memref<100352xf32, #tpu.memory_space<vmem_shared>>
      tpu.enqueue_indirect_dma source(%arg10 : memref<2048xf32, #tpu.memory_space<vmem>>) target(%dma_start3A_73 : memref<100352xf32, #tpu.memory_space<vmem_shared>>) offsets(%arg7 : memref<2048xi32, #tpu.memory_space<vmem>>) semaphore(%arg12 : memref<!tpu.dma_semaphore, #tpu.memory_space<semaphore_mem>>) {add = true}
      %add3A_74 = arith.constant 3 : i32
      %add3A_75 = arith.addi %mul3A_53, %add3A_74 : i32
      %mul3A_76 = arith.constant 2048 : i32
      %mul3A_77 = arith.muli %add3A_75, %mul3A_76 : i32
      %add3A_78 = arith.addi %mul3A_7, %mul3A_77 : i32
      "tpu.region"() ({
        %run_scoped3A = tpu.sem_alloc : memref<!tpu.dma_semaphore, #tpu.memory_space<semaphore_mem>>
        %dma_start3A_97 = tpu.memref_slice %arg2[%add3A_78] : memref<1638400xi32, #tpu.memory_space<hbm>> -> memref<2048xi32, #tpu.memory_space<hbm>>
        %dma_start3A_98 = tpu.memref_slice %arg2[%add3A_78] : memref<1638400xi32, #tpu.memory_space<hbm>> -> memref<2048xi32, #tpu.memory_space<hbm>>
        tpu.enqueue_dma source(%dma_start3A_98 : memref<2048xi32, #tpu.memory_space<hbm>>) target(%arg8 : memref<2048xi32, #tpu.memory_space<vmem>>) target_semaphore(%run_scoped3A : memref<!tpu.dma_semaphore, #tpu.memory_space<semaphore_mem>>)
        %dma_wait3A_99 = tpu.memref_slice %arg2[%add3A_78] : memref<1638400xi32, #tpu.memory_space<hbm>> -> memref<2048xi32, #tpu.memory_space<hbm>>
        %dma_wait3A_100 = tpu.memref_slice %arg2[%add3A_78] : memref<1638400xi32, #tpu.memory_space<hbm>> -> memref<2048xi32, #tpu.memory_space<hbm>>
        tpu.wait_dma2 semaphore(%run_scoped3A : memref<!tpu.dma_semaphore, #tpu.memory_space<semaphore_mem>>) src(%dma_wait3A_100 : memref<2048xi32, #tpu.memory_space<hbm>>) dst(%arg8 : memref<2048xi32, #tpu.memory_space<vmem>>)
        tpu.yield
      }) : () -> ()
      %dma_start3A_79 = arith.constant 0 : i32
      %dma_start3A_80 = tpu.memref_slice %arg11[%dma_start3A_79] : memref<100352xf32, #tpu.memory_space<vmem_shared>> -> memref<100352xf32, #tpu.memory_space<vmem_shared>>
      tpu.enqueue_indirect_dma source(%arg10 : memref<2048xf32, #tpu.memory_space<vmem>>) target(%dma_start3A_80 : memref<100352xf32, #tpu.memory_space<vmem_shared>>) offsets(%arg8 : memref<2048xi32, #tpu.memory_space<vmem>>) semaphore(%arg12 : memref<!tpu.dma_semaphore, #tpu.memory_space<semaphore_mem>>) {add = true}
      %add3A_81 = arith.constant 4 : i32
      %add3A_82 = arith.addi %mul3A_53, %add3A_81 : i32
      %mul3A_83 = arith.constant 2048 : i32
      %mul3A_84 = arith.muli %add3A_82, %mul3A_83 : i32
      %add3A_85 = arith.addi %mul3A_7, %mul3A_84 : i32
      "tpu.region"() ({
        %run_scoped3A = tpu.sem_alloc : memref<!tpu.dma_semaphore, #tpu.memory_space<semaphore_mem>>
        %dma_start3A_97 = tpu.memref_slice %arg2[%add3A_85] : memref<1638400xi32, #tpu.memory_space<hbm>> -> memref<2048xi32, #tpu.memory_space<hbm>>
        %dma_start3A_98 = tpu.memref_slice %arg2[%add3A_85] : memref<1638400xi32, #tpu.memory_space<hbm>> -> memref<2048xi32, #tpu.memory_space<hbm>>
        tpu.enqueue_dma source(%dma_start3A_98 : memref<2048xi32, #tpu.memory_space<hbm>>) target(%arg9 : memref<2048xi32, #tpu.memory_space<vmem>>) target_semaphore(%run_scoped3A : memref<!tpu.dma_semaphore, #tpu.memory_space<semaphore_mem>>)
        %dma_wait3A_99 = tpu.memref_slice %arg2[%add3A_85] : memref<1638400xi32, #tpu.memory_space<hbm>> -> memref<2048xi32, #tpu.memory_space<hbm>>
        %dma_wait3A_100 = tpu.memref_slice %arg2[%add3A_85] : memref<1638400xi32, #tpu.memory_space<hbm>> -> memref<2048xi32, #tpu.memory_space<hbm>>
        tpu.wait_dma2 semaphore(%run_scoped3A : memref<!tpu.dma_semaphore, #tpu.memory_space<semaphore_mem>>) src(%dma_wait3A_100 : memref<2048xi32, #tpu.memory_space<hbm>>) dst(%arg9 : memref<2048xi32, #tpu.memory_space<vmem>>)
        tpu.yield
      }) : () -> ()
      %dma_start3A_86 = arith.constant 0 : i32
      %dma_start3A_87 = tpu.memref_slice %arg11[%dma_start3A_86] : memref<100352xf32, #tpu.memory_space<vmem_shared>> -> memref<100352xf32, #tpu.memory_space<vmem_shared>>
      tpu.enqueue_indirect_dma source(%arg10 : memref<2048xf32, #tpu.memory_space<vmem>>) target(%dma_start3A_87 : memref<100352xf32, #tpu.memory_space<vmem_shared>>) offsets(%arg9 : memref<2048xi32, #tpu.memory_space<vmem>>) semaphore(%arg12 : memref<!tpu.dma_semaphore, #tpu.memory_space<semaphore_mem>>) {add = true}
      %dma_wait3A = arith.constant 0 : i32
      %dma_wait3A_88 = tpu.memref_slice %arg11[%dma_wait3A] : memref<100352xf32, #tpu.memory_space<vmem_shared>> -> memref<100352xf32, #tpu.memory_space<vmem_shared>>
      tpu.wait_indirect_dma semaphore(%arg12 : memref<!tpu.dma_semaphore, #tpu.memory_space<semaphore_mem>>) src(%arg10 : memref<2048xf32, #tpu.memory_space<vmem>>) dst(%dma_wait3A_88 : memref<100352xf32, #tpu.memory_space<vmem_shared>>)
      %dma_wait3A_89 = arith.constant 0 : i32
      %dma_wait3A_90 = tpu.memref_slice %arg11[%dma_wait3A_89] : memref<100352xf32, #tpu.memory_space<vmem_shared>> -> memref<100352xf32, #tpu.memory_space<vmem_shared>>
      tpu.wait_indirect_dma semaphore(%arg12 : memref<!tpu.dma_semaphore, #tpu.memory_space<semaphore_mem>>) src(%arg10 : memref<2048xf32, #tpu.memory_space<vmem>>) dst(%dma_wait3A_90 : memref<100352xf32, #tpu.memory_space<vmem_shared>>)
      %dma_wait3A_91 = arith.constant 0 : i32
      %dma_wait3A_92 = tpu.memref_slice %arg11[%dma_wait3A_91] : memref<100352xf32, #tpu.memory_space<vmem_shared>> -> memref<100352xf32, #tpu.memory_space<vmem_shared>>
      tpu.wait_indirect_dma semaphore(%arg12 : memref<!tpu.dma_semaphore, #tpu.memory_space<semaphore_mem>>) src(%arg10 : memref<2048xf32, #tpu.memory_space<vmem>>) dst(%dma_wait3A_92 : memref<100352xf32, #tpu.memory_space<vmem_shared>>)
      %dma_wait3A_93 = arith.constant 0 : i32
      %dma_wait3A_94 = tpu.memref_slice %arg11[%dma_wait3A_93] : memref<100352xf32, #tpu.memory_space<vmem_shared>> -> memref<100352xf32, #tpu.memory_space<vmem_shared>>
      tpu.wait_indirect_dma semaphore(%arg12 : memref<!tpu.dma_semaphore, #tpu.memory_space<semaphore_mem>>) src(%arg10 : memref<2048xf32, #tpu.memory_space<vmem>>) dst(%dma_wait3A_94 : memref<100352xf32, #tpu.memory_space<vmem_shared>>)
      %dma_wait3A_95 = arith.constant 0 : i32
      %dma_wait3A_96 = tpu.memref_slice %arg11[%dma_wait3A_95] : memref<100352xf32, #tpu.memory_space<vmem_shared>> -> memref<100352xf32, #tpu.memory_space<vmem_shared>>
      tpu.wait_indirect_dma semaphore(%arg12 : memref<!tpu.dma_semaphore, #tpu.memory_space<semaphore_mem>>) src(%arg10 : memref<2048xf32, #tpu.memory_space<vmem>>) dst(%dma_wait3A_96 : memref<100352xf32, #tpu.memory_space<vmem_shared>>)
    }
    %while3A_42 = arith.constant 1 : i32
    scf.for %while3A_51 = %while3A_40 to %while3A_36 step %while3A_42  : i32 {
      %mul3A_52 = arith.constant 5 : i32
      %mul3A_53 = arith.muli %while3A_51, %mul3A_52 : i32
      %add3A_54 = arith.constant 0 : i32
      %add3A_55 = arith.addi %mul3A_53, %add3A_54 : i32
      %mul3A_56 = arith.constant 2048 : i32
      %mul3A_57 = arith.muli %add3A_55, %mul3A_56 : i32
      %add3A_58 = arith.addi %mul3A_7, %mul3A_57 : i32
      "tpu.region"() ({
        %run_scoped3A = tpu.sem_alloc : memref<!tpu.dma_semaphore, #tpu.memory_space<semaphore_mem>>
        %dma_start3A_97 = tpu.memref_slice %arg2[%add3A_58] : memref<1638400xi32, #tpu.memory_space<hbm>> -> memref<2048xi32, #tpu.memory_space<hbm>>
        %dma_start3A_98 = tpu.memref_slice %arg2[%add3A_58] : memref<1638400xi32, #tpu.memory_space<hbm>> -> memref<2048xi32, #tpu.memory_space<hbm>>
        tpu.enqueue_dma source(%dma_start3A_98 : memref<2048xi32, #tpu.memory_space<hbm>>) target(%arg5 : memref<2048xi32, #tpu.memory_space<vmem>>) target_semaphore(%run_scoped3A : memref<!tpu.dma_semaphore, #tpu.memory_space<semaphore_mem>>)
        %dma_wait3A_99 = tpu.memref_slice %arg2[%add3A_58] : memref<1638400xi32, #tpu.memory_space<hbm>> -> memref<2048xi32, #tpu.memory_space<hbm>>
        %dma_wait3A_100 = tpu.memref_slice %arg2[%add3A_58] : memref<1638400xi32, #tpu.memory_space<hbm>> -> memref<2048xi32, #tpu.memory_space<hbm>>
        tpu.wait_dma2 semaphore(%run_scoped3A : memref<!tpu.dma_semaphore, #tpu.memory_space<semaphore_mem>>) src(%dma_wait3A_100 : memref<2048xi32, #tpu.memory_space<hbm>>) dst(%arg5 : memref<2048xi32, #tpu.memory_space<vmem>>)
        tpu.yield
      }) : () -> ()
      %dma_start3A = arith.constant 0 : i32
      %dma_start3A_59 = tpu.memref_slice %arg11[%dma_start3A] : memref<100352xf32, #tpu.memory_space<vmem_shared>> -> memref<100352xf32, #tpu.memory_space<vmem_shared>>
      tpu.enqueue_indirect_dma source(%arg10 : memref<2048xf32, #tpu.memory_space<vmem>>) target(%dma_start3A_59 : memref<100352xf32, #tpu.memory_space<vmem_shared>>) offsets(%arg5 : memref<2048xi32, #tpu.memory_space<vmem>>) semaphore(%arg12 : memref<!tpu.dma_semaphore, #tpu.memory_space<semaphore_mem>>) {add = true}
      %add3A_60 = arith.constant 1 : i32
      %add3A_61 = arith.addi %mul3A_53, %add3A_60 : i32
      %mul3A_62 = arith.constant 2048 : i32
      %mul3A_63 = arith.muli %add3A_61, %mul3A_62 : i32
      %add3A_64 = arith.addi %mul3A_7, %mul3A_63 : i32
      "tpu.region"() ({
        %run_scoped3A = tpu.sem_alloc : memref<!tpu.dma_semaphore, #tpu.memory_space<semaphore_mem>>
        %dma_start3A_97 = tpu.memref_slice %arg2[%add3A_64] : memref<1638400xi32, #tpu.memory_space<hbm>> -> memref<2048xi32, #tpu.memory_space<hbm>>
        %dma_start3A_98 = tpu.memref_slice %arg2[%add3A_64] : memref<1638400xi32, #tpu.memory_space<hbm>> -> memref<2048xi32, #tpu.memory_space<hbm>>
        tpu.enqueue_dma source(%dma_start3A_98 : memref<2048xi32, #tpu.memory_space<hbm>>) target(%arg6 : memref<2048xi32, #tpu.memory_space<vmem>>) target_semaphore(%run_scoped3A : memref<!tpu.dma_semaphore, #tpu.memory_space<semaphore_mem>>)
        %dma_wait3A_99 = tpu.memref_slice %arg2[%add3A_64] : memref<1638400xi32, #tpu.memory_space<hbm>> -> memref<2048xi32, #tpu.memory_space<hbm>>
        %dma_wait3A_100 = tpu.memref_slice %arg2[%add3A_64] : memref<1638400xi32, #tpu.memory_space<hbm>> -> memref<2048xi32, #tpu.memory_space<hbm>>
        tpu.wait_dma2 semaphore(%run_scoped3A : memref<!tpu.dma_semaphore, #tpu.memory_space<semaphore_mem>>) src(%dma_wait3A_100 : memref<2048xi32, #tpu.memory_space<hbm>>) dst(%arg6 : memref<2048xi32, #tpu.memory_space<vmem>>)
        tpu.yield
      }) : () -> ()
      %dma_start3A_65 = arith.constant 0 : i32
      %dma_start3A_66 = tpu.memref_slice %arg11[%dma_start3A_65] : memref<100352xf32, #tpu.memory_space<vmem_shared>> -> memref<100352xf32, #tpu.memory_space<vmem_shared>>
      tpu.enqueue_indirect_dma source(%arg10 : memref<2048xf32, #tpu.memory_space<vmem>>) target(%dma_start3A_66 : memref<100352xf32, #tpu.memory_space<vmem_shared>>) offsets(%arg6 : memref<2048xi32, #tpu.memory_space<vmem>>) semaphore(%arg12 : memref<!tpu.dma_semaphore, #tpu.memory_space<semaphore_mem>>) {add = true}
      %add3A_67 = arith.constant 2 : i32
      %add3A_68 = arith.addi %mul3A_53, %add3A_67 : i32
      %mul3A_69 = arith.constant 2048 : i32
      %mul3A_70 = arith.muli %add3A_68, %mul3A_69 : i32
      %add3A_71 = arith.addi %mul3A_7, %mul3A_70 : i32
      "tpu.region"() ({
        %run_scoped3A = tpu.sem_alloc : memref<!tpu.dma_semaphore, #tpu.memory_space<semaphore_mem>>
        %dma_start3A_97 = tpu.memref_slice %arg2[%add3A_71] : memref<1638400xi32, #tpu.memory_space<hbm>> -> memref<2048xi32, #tpu.memory_space<hbm>>
        %dma_start3A_98 = tpu.memref_slice %arg2[%add3A_71] : memref<1638400xi32, #tpu.memory_space<hbm>> -> memref<2048xi32, #tpu.memory_space<hbm>>
        tpu.enqueue_dma source(%dma_start3A_98 : memref<2048xi32, #tpu.memory_space<hbm>>) target(%arg7 : memref<2048xi32, #tpu.memory_space<vmem>>) target_semaphore(%run_scoped3A : memref<!tpu.dma_semaphore, #tpu.memory_space<semaphore_mem>>)
        %dma_wait3A_99 = tpu.memref_slice %arg2[%add3A_71] : memref<1638400xi32, #tpu.memory_space<hbm>> -> memref<2048xi32, #tpu.memory_space<hbm>>
        %dma_wait3A_100 = tpu.memref_slice %arg2[%add3A_71] : memref<1638400xi32, #tpu.memory_space<hbm>> -> memref<2048xi32, #tpu.memory_space<hbm>>
        tpu.wait_dma2 semaphore(%run_scoped3A : memref<!tpu.dma_semaphore, #tpu.memory_space<semaphore_mem>>) src(%dma_wait3A_100 : memref<2048xi32, #tpu.memory_space<hbm>>) dst(%arg7 : memref<2048xi32, #tpu.memory_space<vmem>>)
        tpu.yield
      }) : () -> ()
      %dma_start3A_72 = arith.constant 0 : i32
      %dma_start3A_73 = tpu.memref_slice %arg11[%dma_start3A_72] : memref<100352xf32, #tpu.memory_space<vmem_shared>> -> memref<100352xf32, #tpu.memory_space<vmem_shared>>
      tpu.enqueue_indirect_dma source(%arg10 : memref<2048xf32, #tpu.memory_space<vmem>>) target(%dma_start3A_73 : memref<100352xf32, #tpu.memory_space<vmem_shared>>) offsets(%arg7 : memref<2048xi32, #tpu.memory_space<vmem>>) semaphore(%arg12 : memref<!tpu.dma_semaphore, #tpu.memory_space<semaphore_mem>>) {add = true}
      %add3A_74 = arith.constant 3 : i32
      %add3A_75 = arith.addi %mul3A_53, %add3A_74 : i32
      %mul3A_76 = arith.constant 2048 : i32
      %mul3A_77 = arith.muli %add3A_75, %mul3A_76 : i32
      %add3A_78 = arith.addi %mul3A_7, %mul3A_77 : i32
      "tpu.region"() ({
        %run_scoped3A = tpu.sem_alloc : memref<!tpu.dma_semaphore, #tpu.memory_space<semaphore_mem>>
        %dma_start3A_97 = tpu.memref_slice %arg2[%add3A_78] : memref<1638400xi32, #tpu.memory_space<hbm>> -> memref<2048xi32, #tpu.memory_space<hbm>>
        %dma_start3A_98 = tpu.memref_slice %arg2[%add3A_78] : memref<1638400xi32, #tpu.memory_space<hbm>> -> memref<2048xi32, #tpu.memory_space<hbm>>
        tpu.enqueue_dma source(%dma_start3A_98 : memref<2048xi32, #tpu.memory_space<hbm>>) target(%arg8 : memref<2048xi32, #tpu.memory_space<vmem>>) target_semaphore(%run_scoped3A : memref<!tpu.dma_semaphore, #tpu.memory_space<semaphore_mem>>)
        %dma_wait3A_99 = tpu.memref_slice %arg2[%add3A_78] : memref<1638400xi32, #tpu.memory_space<hbm>> -> memref<2048xi32, #tpu.memory_space<hbm>>
        %dma_wait3A_100 = tpu.memref_slice %arg2[%add3A_78] : memref<1638400xi32, #tpu.memory_space<hbm>> -> memref<2048xi32, #tpu.memory_space<hbm>>
        tpu.wait_dma2 semaphore(%run_scoped3A : memref<!tpu.dma_semaphore, #tpu.memory_space<semaphore_mem>>) src(%dma_wait3A_100 : memref<2048xi32, #tpu.memory_space<hbm>>) dst(%arg8 : memref<2048xi32, #tpu.memory_space<vmem>>)
        tpu.yield
      }) : () -> ()
      %dma_start3A_79 = arith.constant 0 : i32
      %dma_start3A_80 = tpu.memref_slice %arg11[%dma_start3A_79] : memref<100352xf32, #tpu.memory_space<vmem_shared>> -> memref<100352xf32, #tpu.memory_space<vmem_shared>>
      tpu.enqueue_indirect_dma source(%arg10 : memref<2048xf32, #tpu.memory_space<vmem>>) target(%dma_start3A_80 : memref<100352xf32, #tpu.memory_space<vmem_shared>>) offsets(%arg8 : memref<2048xi32, #tpu.memory_space<vmem>>) semaphore(%arg12 : memref<!tpu.dma_semaphore, #tpu.memory_space<semaphore_mem>>) {add = true}
      %add3A_81 = arith.constant 4 : i32
      %add3A_82 = arith.addi %mul3A_53, %add3A_81 : i32
      %mul3A_83 = arith.constant 2048 : i32
      %mul3A_84 = arith.muli %add3A_82, %mul3A_83 : i32
      %add3A_85 = arith.addi %mul3A_7, %mul3A_84 : i32
      "tpu.region"() ({
        %run_scoped3A = tpu.sem_alloc : memref<!tpu.dma_semaphore, #tpu.memory_space<semaphore_mem>>
        %dma_start3A_97 = tpu.memref_slice %arg2[%add3A_85] : memref<1638400xi32, #tpu.memory_space<hbm>> -> memref<2048xi32, #tpu.memory_space<hbm>>
        %dma_start3A_98 = tpu.memref_slice %arg2[%add3A_85] : memref<1638400xi32, #tpu.memory_space<hbm>> -> memref<2048xi32, #tpu.memory_space<hbm>>
        tpu.enqueue_dma source(%dma_start3A_98 : memref<2048xi32, #tpu.memory_space<hbm>>) target(%arg9 : memref<2048xi32, #tpu.memory_space<vmem>>) target_semaphore(%run_scoped3A : memref<!tpu.dma_semaphore, #tpu.memory_space<semaphore_mem>>)
        %dma_wait3A_99 = tpu.memref_slice %arg2[%add3A_85] : memref<1638400xi32, #tpu.memory_space<hbm>> -> memref<2048xi32, #tpu.memory_space<hbm>>
        %dma_wait3A_100 = tpu.memref_slice %arg2[%add3A_85] : memref<1638400xi32, #tpu.memory_space<hbm>> -> memref<2048xi32, #tpu.memory_space<hbm>>
        tpu.wait_dma2 semaphore(%run_scoped3A : memref<!tpu.dma_semaphore, #tpu.memory_space<semaphore_mem>>) src(%dma_wait3A_100 : memref<2048xi32, #tpu.memory_space<hbm>>) dst(%arg9 : memref<2048xi32, #tpu.memory_space<vmem>>)
        tpu.yield
      }) : () -> ()
      %dma_start3A_86 = arith.constant 0 : i32
      %dma_start3A_87 = tpu.memref_slice %arg11[%dma_start3A_86] : memref<100352xf32, #tpu.memory_space<vmem_shared>> -> memref<100352xf32, #tpu.memory_space<vmem_shared>>
      tpu.enqueue_indirect_dma source(%arg10 : memref<2048xf32, #tpu.memory_space<vmem>>) target(%dma_start3A_87 : memref<100352xf32, #tpu.memory_space<vmem_shared>>) offsets(%arg9 : memref<2048xi32, #tpu.memory_space<vmem>>) semaphore(%arg12 : memref<!tpu.dma_semaphore, #tpu.memory_space<semaphore_mem>>) {add = true}
      %dma_wait3A = arith.constant 0 : i32
      %dma_wait3A_88 = tpu.memref_slice %arg11[%dma_wait3A] : memref<100352xf32, #tpu.memory_space<vmem_shared>> -> memref<100352xf32, #tpu.memory_space<vmem_shared>>
      tpu.wait_indirect_dma semaphore(%arg12 : memref<!tpu.dma_semaphore, #tpu.memory_space<semaphore_mem>>) src(%arg10 : memref<2048xf32, #tpu.memory_space<vmem>>) dst(%dma_wait3A_88 : memref<100352xf32, #tpu.memory_space<vmem_shared>>)
      %dma_wait3A_89 = arith.constant 0 : i32
      %dma_wait3A_90 = tpu.memref_slice %arg11[%dma_wait3A_89] : memref<100352xf32, #tpu.memory_space<vmem_shared>> -> memref<100352xf32, #tpu.memory_space<vmem_shared>>
      tpu.wait_indirect_dma semaphore(%arg12 : memref<!tpu.dma_semaphore, #tpu.memory_space<semaphore_mem>>) src(%arg10 : memref<2048xf32, #tpu.memory_space<vmem>>) dst(%dma_wait3A_90 : memref<100352xf32, #tpu.memory_space<vmem_shared>>)
      %dma_wait3A_91 = arith.constant 0 : i32
      %dma_wait3A_92 = tpu.memref_slice %arg11[%dma_wait3A_91] : memref<100352xf32, #tpu.memory_space<vmem_shared>> -> memref<100352xf32, #tpu.memory_space<vmem_shared>>
      tpu.wait_indirect_dma semaphore(%arg12 : memref<!tpu.dma_semaphore, #tpu.memory_space<semaphore_mem>>) src(%arg10 : memref<2048xf32, #tpu.memory_space<vmem>>) dst(%dma_wait3A_92 : memref<100352xf32, #tpu.memory_space<vmem_shared>>)
      %dma_wait3A_93 = arith.constant 0 : i32
      %dma_wait3A_94 = tpu.memref_slice %arg11[%dma_wait3A_93] : memref<100352xf32, #tpu.memory_space<vmem_shared>> -> memref<100352xf32, #tpu.memory_space<vmem_shared>>
      tpu.wait_indirect_dma semaphore(%arg12 : memref<!tpu.dma_semaphore, #tpu.memory_space<semaphore_mem>>) src(%arg10 : memref<2048xf32, #tpu.memory_space<vmem>>) dst(%dma_wait3A_94 : memref<100352xf32, #tpu.memory_space<vmem_shared>>)
      %dma_wait3A_95 = arith.constant 0 : i32
      %dma_wait3A_96 = tpu.memref_slice %arg11[%dma_wait3A_95] : memref<100352xf32, #tpu.memory_space<vmem_shared>> -> memref<100352xf32, #tpu.memory_space<vmem_shared>>
      tpu.wait_indirect_dma semaphore(%arg12 : memref<!tpu.dma_semaphore, #tpu.memory_space<semaphore_mem>>) src(%arg10 : memref<2048xf32, #tpu.memory_space<vmem>>) dst(%dma_wait3A_96 : memref<100352xf32, #tpu.memory_space<vmem_shared>>)
    }
    %barrier3A_43 = arith.constant 0 : index
    tpu.barrier barrier_id(%barrier3A_43)
    %mul3A_44 = arith.constant 6272 : i32
    %mul3A_45 = arith.muli %arg1, %mul3A_44 : i32
    %mul3A_46 = arith.constant 100352 : i32
    %mul3A_47 = arith.muli %arg0, %mul3A_46 : i32
    %mul3A_48 = arith.constant 6272 : i32
    %mul3A_49 = arith.muli %arg1, %mul3A_48 : i32
    %add3A_50 = arith.addi %mul3A_47, %mul3A_49 : i32
    "tpu.region"() ({
      %run_scoped3A = tpu.sem_alloc : memref<!tpu.dma_semaphore, #tpu.memory_space<semaphore_mem>>
      %dma_start3A = tpu.memref_slice %arg4[%add3A_50] : memref<200704xf32, #tpu.memory_space<hbm>> -> memref<6272xf32, #tpu.memory_space<hbm>>
      %dma_start3A_51 = tpu.memref_slice %arg11[%mul3A_45] : memref<100352xf32, #tpu.memory_space<vmem_shared>> -> memref<6272xf32, #tpu.memory_space<vmem_shared>>
      tpu.enqueue_dma source(%dma_start3A_51 : memref<6272xf32, #tpu.memory_space<vmem_shared>>) target(%dma_start3A : memref<6272xf32, #tpu.memory_space<hbm>>) target_semaphore(%run_scoped3A : memref<!tpu.dma_semaphore, #tpu.memory_space<semaphore_mem>>)
      %dma_wait3A = tpu.memref_slice %arg4[%add3A_50] : memref<200704xf32, #tpu.memory_space<hbm>> -> memref<6272xf32, #tpu.memory_space<hbm>>
      %dma_wait3A_52 = tpu.memref_slice %arg11[%mul3A_45] : memref<100352xf32, #tpu.memory_space<vmem_shared>> -> memref<6272xf32, #tpu.memory_space<vmem_shared>>
      tpu.wait_dma2 semaphore(%run_scoped3A : memref<!tpu.dma_semaphore, #tpu.memory_space<semaphore_mem>>) src(%dma_wait3A_52 : memref<6272xf32, #tpu.memory_space<vmem_shared>>) dst(%dma_wait3A : memref<6272xf32, #tpu.memory_space<hbm>>)
      tpu.yield
    }) : () -> ()
    return
  }
}

module attributes {stable_mosaic.version = 14 : i64} {
  func.func @_prep_body(%arg0: memref<2x784x128xf32, #tpu.memory_space<vmem>>, %arg1: memref<2x784x128xf32, #tpu.memory_space<vmem>>, %arg2: memref<784x128xf32, #tpu.memory_space<vmem>>, %arg3: memref<2x784x128xf32, #tpu.memory_space<vmem>>) attributes {dimension_semantics = [], scalar_prefetch = 0 : i64, scratch_operands = 0 : i64, tpu.core_type = #tpu.core_type<tc>} {
    %get3A = arith.constant 0 : index
    %get3A_0 = arith.constant 0 : index
    %get3A_1 = arith.constant 0 : index
    %get3A_2 = vector.load %arg0[%get3A, %get3A_0, %get3A_1] : memref<2x784x128xf32, #tpu.memory_space<vmem>>, vector<1x784x128xf32>
    %get3A_3 = vector.shape_cast %get3A_2 : vector<1x784x128xf32> to vector<784x128xf32>
    %get3A_4 = arith.constant 1 : index
    %get3A_5 = arith.constant 0 : index
    %get3A_6 = arith.constant 0 : index
    %get3A_7 = vector.load %arg0[%get3A_4, %get3A_5, %get3A_6] : memref<2x784x128xf32, #tpu.memory_space<vmem>>, vector<1x784x128xf32>
    %get3A_8 = vector.shape_cast %get3A_7 : vector<1x784x128xf32> to vector<784x128xf32>
    %add3A = arith.addf %get3A_3, %get3A_8 : vector<784x128xf32>
    %add3A_9 = arith.constant 1.000000e+00 : f32
    %add3A_10 = vector.broadcast %add3A_9 : f32 to vector<784x128xf32>
    %add3A_11 = arith.addf %add3A, %add3A_10 : vector<784x128xf32>
    %rsqrt3A = math.rsqrt %add3A_11 : vector<784x128xf32>
    %swap3A = arith.constant 0 : index
    %swap3A_12 = arith.constant 0 : index
    %swap3A_13 = vector.load %arg2[%swap3A, %swap3A_12] : memref<784x128xf32, #tpu.memory_space<vmem>>, vector<784x128xf32>
    tpu.vector_store %arg2[%swap3A, %swap3A_12], %rsqrt3A {strides = array<i32>} : memref<784x128xf32, #tpu.memory_space<vmem>>, vector<784x128xf32>,
    %get3A_14 = arith.constant 0 : index
    %get3A_15 = arith.constant 0 : index
    %get3A_16 = arith.constant 0 : index
    %get3A_17 = vector.load %arg1[%get3A_14, %get3A_15, %get3A_16] : memref<2x784x128xf32, #tpu.memory_space<vmem>>, vector<1x784x128xf32>
    %get3A_18 = vector.shape_cast %get3A_17 : vector<1x784x128xf32> to vector<784x128xf32>
    %mul3A = arith.mulf %get3A_18, %rsqrt3A : vector<784x128xf32>
    %swap3A_19 = arith.constant 0 : index
    %swap3A_20 = arith.constant 0 : index
    %swap3A_21 = arith.constant 0 : index
    %swap3A_22 = vector.load %arg3[%swap3A_19, %swap3A_20, %swap3A_21] : memref<2x784x128xf32, #tpu.memory_space<vmem>>, vector<1x784x128xf32>
    %swap3A_23 = vector.shape_cast %swap3A_22 : vector<1x784x128xf32> to vector<784x128xf32>
    %swap3A_24 = vector.shape_cast %mul3A : vector<784x128xf32> to vector<1x784x128xf32>
    tpu.vector_store %arg3[%swap3A_19, %swap3A_20, %swap3A_21], %swap3A_24 {strides = array<i32>} : memref<2x784x128xf32, #tpu.memory_space<vmem>>, vector<1x784x128xf32>,
    %get3A_25 = arith.constant 1 : index
    %get3A_26 = arith.constant 0 : index
    %get3A_27 = arith.constant 0 : index
    %get3A_28 = vector.load %arg1[%get3A_25, %get3A_26, %get3A_27] : memref<2x784x128xf32, #tpu.memory_space<vmem>>, vector<1x784x128xf32>
    %get3A_29 = vector.shape_cast %get3A_28 : vector<1x784x128xf32> to vector<784x128xf32>
    %mul3A_30 = arith.mulf %get3A_29, %rsqrt3A : vector<784x128xf32>
    %swap3A_31 = arith.constant 1 : index
    %swap3A_32 = arith.constant 0 : index
    %swap3A_33 = arith.constant 0 : index
    %swap3A_34 = vector.load %arg3[%swap3A_31, %swap3A_32, %swap3A_33] : memref<2x784x128xf32, #tpu.memory_space<vmem>>, vector<1x784x128xf32>
    %swap3A_35 = vector.shape_cast %swap3A_34 : vector<1x784x128xf32> to vector<784x128xf32>
    %swap3A_36 = vector.shape_cast %mul3A_30 : vector<784x128xf32> to vector<1x784x128xf32>
    tpu.vector_store %arg3[%swap3A_31, %swap3A_32, %swap3A_33], %swap3A_36 {strides = array<i32>} : memref<2x784x128xf32, #tpu.memory_space<vmem>>, vector<1x784x128xf32>,
    return
  }
}

module attributes {stable_mosaic.version = 14 : i64} {
  func.func @_d1_body(%arg0: i32, %arg1: memref<8x128xf32, #tpu.memory_space<vmem>>, %arg2: memref<8x128xf32, #tpu.memory_space<vmem>>, %arg3: memref<8x128xf32, #tpu.memory_space<vmem>>, %arg4: memref<8x128xf32, #tpu.memory_space<vmem>>, %arg5: memref<8x128xf32, #tpu.memory_space<vmem>>, %arg6: memref<8x128xf32, #tpu.memory_space<vmem>>, %arg7: memref<8x128xf32, #tpu.memory_space<vmem>>, %arg8: memref<214x2xf32, #tpu.memory_space<vmem>>, %arg9: memref<214x1xf32, #tpu.memory_space<vmem>>, %arg10: memref<214x1xf32, #tpu.memory_space<vmem>>, %arg11: memref<214x1xf32, #tpu.memory_space<vmem>>, %arg12: memref<8x128xf32, #tpu.memory_space<vmem>>, %arg13: memref<8x128xf32, #tpu.memory_space<vmem>>, %arg14: memref<214x1xf32, #tpu.memory_space<vmem>>, %arg15: memref<214x1xf32, #tpu.memory_space<vmem>>, %arg16: memref<214x128xf32, #tpu.memory_space<vmem>>, %arg17: memref<214x128xf32, #tpu.memory_space<vmem>>) attributes {dimension_semantics = [#tpu.dimension_semantics<arbitrary>], iteration_bounds = array<i64: 98>, scalar_prefetch = 0 : i64, scratch_operands = 2 : i64, tpu.core_type = #tpu.core_type<tc>, window_params = [{transform_indices = @transform_0, window_bounds = array<i64: 8, 128>}, {transform_indices = @transform_1, window_bounds = array<i64: 8, 128>}, {transform_indices = @transform_2, window_bounds = array<i64: 8, 128>}, {transform_indices = @transform_3, window_bounds = array<i64: 8, 128>}, {transform_indices = @transform_4, window_bounds = array<i64: 8, 128>}, {transform_indices = @transform_5, window_bounds = array<i64: 8, 128>}, {transform_indices = @transform_6, window_bounds = array<i64: 8, 128>}, {pipeline_mode = #tpu.pipeline_mode<synchronous>, transform_indices = @transform_7, window_bounds = array<i64: 214, 2>}, {pipeline_mode = #tpu.pipeline_mode<synchronous>, transform_indices = @transform_8, window_bounds = array<i64: 214, 1>}, {pipeline_mode = #tpu.pipeline_mode<synchronous>, transform_indices = @transform_9, window_bounds = array<i64: 214, 1>}, {pipeline_mode = #tpu.pipeline_mode<synchronous>, transform_indices = @transform_10, window_bounds = array<i64: 214, 1>}, {transform_indices = @transform_11, window_bounds = array<i64: 8, 128>}, {transform_indices = @transform_12, window_bounds = array<i64: 8, 128>}, {pipeline_mode = #tpu.pipeline_mode<synchronous>, transform_indices = @transform_13, window_bounds = array<i64: 214, 1>}, {pipeline_mode = #tpu.pipeline_mode<synchronous>, transform_indices = @transform_14, window_bounds = array<i64: 214, 1>}]} {
    %eq3A = arith.constant 0 : i32
    %eq3A_0 = arith.cmpi eq, %arg0, %eq3A : i32
    %convert_element_type3A = arith.extui %eq3A_0 : i1 to i32
    %cond3A = arith.constant 0 : i32
    %cond3A_1 = arith.cmpi ne, %convert_element_type3A, %cond3A : i32
    scf.if %cond3A_1 {
      %broadcast_in_dim3A_339 = arith.constant 0.000000e+00 : f32
      %broadcast_in_dim3A_340 = vector.broadcast %broadcast_in_dim3A_339 : f32 to vector<214x128xf32>
      %swap3A_341 = arith.constant 0 : index
      %swap3A_342 = arith.constant 0 : index
      %swap3A_343 = vector.load %arg16[%swap3A_341, %swap3A_342] : memref<214x128xf32, #tpu.memory_space<vmem>>, vector<214x128xf32>
      tpu.vector_store %arg16[%swap3A_341, %swap3A_342], %broadcast_in_dim3A_340 {strides = array<i32>} : memref<214x128xf32, #tpu.memory_space<vmem>>, vector<214x128xf32>,
      %broadcast_in_dim3A_344 = arith.constant 0.000000e+00 : f32
      %broadcast_in_dim3A_345 = vector.broadcast %broadcast_in_dim3A_344 : f32 to vector<214x128xf32>
      %swap3A_346 = arith.constant 0 : index
      %swap3A_347 = arith.constant 0 : index
      %swap3A_348 = vector.load %arg17[%swap3A_346, %swap3A_347] : memref<214x128xf32, #tpu.memory_space<vmem>>, vector<214x128xf32>
      tpu.vector_store %arg17[%swap3A_346, %swap3A_347], %broadcast_in_dim3A_345 {strides = array<i32>} : memref<214x128xf32, #tpu.memory_space<vmem>>, vector<214x128xf32>,
    } else {
    }
    %get3A = arith.constant 0 : index
    %get3A_2 = arith.constant 0 : index
    %get3A_3 = vector.load %arg1[%get3A, %get3A_2] : memref<8x128xf32, #tpu.memory_space<vmem>>, vector<8x128xf32>
    %get3A_4 = arith.constant 0 : index
    %get3A_5 = arith.constant 0 : index
    %get3A_6 = vector.load %arg2[%get3A_4, %get3A_5] : memref<8x128xf32, #tpu.memory_space<vmem>>, vector<8x128xf32>
    %add3A = arith.addf %get3A_3, %get3A_6 : vector<8x128xf32>
    %get3A_7 = arith.constant 0 : index
    %get3A_8 = arith.constant 0 : index
    %get3A_9 = vector.load %arg3[%get3A_7, %get3A_8] : memref<8x128xf32, #tpu.memory_space<vmem>>, vector<8x128xf32>
    %add3A_10 = arith.addf %add3A, %get3A_9 : vector<8x128xf32>
    %get3A_11 = arith.constant 0 : index
    %get3A_12 = arith.constant 0 : index
    %get3A_13 = vector.load %arg7[%get3A_11, %get3A_12] : memref<8x128xf32, #tpu.memory_space<vmem>>, vector<8x128xf32>
    %mul3A = arith.mulf %add3A_10, %get3A_13 : vector<8x128xf32>
    %get3A_14 = arith.constant 0 : index
    %get3A_15 = arith.constant 0 : index
    %get3A_16 = vector.load %arg4[%get3A_14, %get3A_15] : memref<8x128xf32, #tpu.memory_space<vmem>>, vector<8x128xf32>
    %get3A_17 = arith.constant 0 : index
    %get3A_18 = arith.constant 0 : index
    %get3A_19 = vector.load %arg5[%get3A_17, %get3A_18] : memref<8x128xf32, #tpu.memory_space<vmem>>, vector<8x128xf32>
    %add3A_20 = arith.addf %get3A_16, %get3A_19 : vector<8x128xf32>
    %get3A_21 = arith.constant 0 : index
    %get3A_22 = arith.constant 0 : index
    %get3A_23 = vector.load %arg6[%get3A_21, %get3A_22] : memref<8x128xf32, #tpu.memory_space<vmem>>, vector<8x128xf32>
    %add3A_24 = arith.addf %add3A_20, %get3A_23 : vector<8x128xf32>
    %get3A_25 = arith.constant 0 : index
    %get3A_26 = arith.constant 0 : index
    %get3A_27 = vector.load %arg7[%get3A_25, %get3A_26] : memref<8x128xf32, #tpu.memory_space<vmem>>, vector<8x128xf32>
    %mul3A_28 = arith.mulf %add3A_24, %get3A_27 : vector<8x128xf32>
    %swap3A = arith.constant 0 : index
    %swap3A_29 = arith.constant 0 : index
    %swap3A_30 = vector.load %arg12[%swap3A, %swap3A_29] : memref<8x128xf32, #tpu.memory_space<vmem>>, vector<8x128xf32>
    tpu.vector_store %arg12[%swap3A, %swap3A_29], %mul3A {strides = array<i32>} : memref<8x128xf32, #tpu.memory_space<vmem>>, vector<8x128xf32>,
    %swap3A_31 = arith.constant 0 : index
    %swap3A_32 = arith.constant 0 : index
    %swap3A_33 = vector.load %arg13[%swap3A_31, %swap3A_32] : memref<8x128xf32, #tpu.memory_space<vmem>>, vector<8x128xf32>
    tpu.vector_store %arg13[%swap3A_31, %swap3A_32], %mul3A_28 {strides = array<i32>} : memref<8x128xf32, #tpu.memory_space<vmem>>, vector<8x128xf32>,
    %get3A_34 = arith.constant 0 : index
    %get3A_35 = arith.constant 0 : index
    %get3A_36 = vector.load %arg8[%get3A_34, %get3A_35] : memref<214x2xf32, #tpu.memory_space<vmem>>, vector<214x1xf32>
    %get3A_37 = arith.constant 0 : index
    %get3A_38 = arith.constant 1 : index
    %get3A_39 = vector.load %arg8[%get3A_37, %get3A_38] : memref<214x2xf32, #tpu.memory_space<vmem>>, vector<214x1xf32>
    %iota3A = tpu.iota {dimensions = array<i32: 1>} : vector<1x128xi32>
    %get3A_40 = arith.constant 0 : index
    %get3A_41 = arith.constant 0 : index
    %get3A_42 = vector.load %arg16[%get3A_40, %get3A_41] : memref<214x128xf32, #tpu.memory_space<vmem>>, vector<214x128xf32>
    %get3A_43 = arith.constant 0 : index
    %get3A_44 = arith.constant 0 : index
    %get3A_45 = vector.load %arg17[%get3A_43, %get3A_44] : memref<214x128xf32, #tpu.memory_space<vmem>>, vector<214x128xf32>
    %slice3A = vector.extract_strided_slice %mul3A {offsets = [0, 0], sizes = [1, 128], strides = [1, 1]} : vector<8x128xf32> to vector<1x128xf32>
    %mul3A_46 = vector.broadcast %get3A_36 : vector<214x1xf32> to vector<214x128xf32>
    %mul3A_47 = vector.broadcast %slice3A : vector<1x128xf32> to vector<214x128xf32>
    %mul3A_48 = arith.mulf %mul3A_46, %mul3A_47 : vector<214x128xf32>
    %slice3A_49 = vector.extract_strided_slice %mul3A_28 {offsets = [0, 0], sizes = [1, 128], strides = [1, 1]} : vector<8x128xf32> to vector<1x128xf32>
    %mul3A_50 = vector.broadcast %get3A_39 : vector<214x1xf32> to vector<214x128xf32>
    %mul3A_51 = vector.broadcast %slice3A_49 : vector<1x128xf32> to vector<214x128xf32>
    %mul3A_52 = arith.mulf %mul3A_50, %mul3A_51 : vector<214x128xf32>
    %add3A_53 = arith.addf %mul3A_48, %mul3A_52 : vector<214x128xf32>
    %get3A_54 = arith.constant 0 : index
    %get3A_55 = arith.constant 0 : index
    %get3A_56 = vector.load %arg9[%get3A_54, %get3A_55] : memref<214x1xf32, #tpu.memory_space<vmem>>, vector<214x1xf32>
    %add3A_57 = vector.broadcast %get3A_56 : vector<214x1xf32> to vector<214x128xf32>
    %add3A_58 = arith.addf %add3A_53, %add3A_57 : vector<214x128xf32>
    %max3A = arith.constant 0.000000e+00 : f32
    %max3A_59 = vector.broadcast %max3A : f32 to vector<214x128xf32>
    %max3A_60 = arith.maximumf %add3A_58, %max3A_59 : vector<214x128xf32>
    %mul3A_61 = arith.constant 8 : i32
    %mul3A_62 = arith.muli %arg0, %mul3A_61 : i32
    %add3A_63 = arith.constant 0 : i32
    %add3A_64 = arith.addi %mul3A_62, %add3A_63 : i32
    %mul3A_65 = arith.constant 128 : i32
    %mul3A_66 = arith.muli %add3A_64, %mul3A_65 : i32
    %add3A_67 = vector.broadcast %mul3A_66 : i32 to vector<1x128xi32>
    %add3A_68 = arith.addi %add3A_67, %iota3A : vector<1x128xi32>
    %lt3A = arith.constant 100000 : i32
    %lt3A_69 = vector.broadcast %lt3A : i32 to vector<1x128xi32>
    %lt3A_70 = arith.cmpi slt, %add3A_68, %lt3A_69 : vector<1x128xi32>
    %jit3A = arith.constant 0.000000e+00 : f32
    %broadcast_in_dim3A = vector.shape_cast %lt3A_70 : vector<1x128xi1> to vector<1x128xi1>
    %broadcast_in_dim3A_71 = vector.broadcast %broadcast_in_dim3A : vector<1x128xi1> to vector<214x128xi1>
    %broadcast_in_dim3A_72 = vector.broadcast %jit3A : f32 to vector<214x128xf32>
    %select_n3A = arith.select %broadcast_in_dim3A_71, %max3A_60, %broadcast_in_dim3A_72 : vector<214x128xi1>, vector<214x128xf32>
    %add3A_73 = arith.addf %get3A_42, %select_n3A : vector<214x128xf32>
    %mul3A_74 = arith.mulf %select_n3A, %select_n3A : vector<214x128xf32>
    %add3A_75 = arith.addf %get3A_45, %mul3A_74 : vector<214x128xf32>
    %slice3A_76 = vector.extract_strided_slice %mul3A {offsets = [1, 0], sizes = [1, 128], strides = [1, 1]} : vector<8x128xf32> to vector<1x128xf32>
    %mul3A_77 = vector.broadcast %get3A_36 : vector<214x1xf32> to vector<214x128xf32>
    %mul3A_78 = vector.broadcast %slice3A_76 : vector<1x128xf32> to vector<214x128xf32>
    %mul3A_79 = arith.mulf %mul3A_77, %mul3A_78 : vector<214x128xf32>
    %slice3A_80 = vector.extract_strided_slice %mul3A_28 {offsets = [1, 0], sizes = [1, 128], strides = [1, 1]} : vector<8x128xf32> to vector<1x128xf32>
    %mul3A_81 = vector.broadcast %get3A_39 : vector<214x1xf32> to vector<214x128xf32>
    %mul3A_82 = vector.broadcast %slice3A_80 : vector<1x128xf32> to vector<214x128xf32>
    %mul3A_83 = arith.mulf %mul3A_81, %mul3A_82 : vector<214x128xf32>
    %add3A_84 = arith.addf %mul3A_79, %mul3A_83 : vector<214x128xf32>
    %get3A_85 = arith.constant 0 : index
    %get3A_86 = arith.constant 0 : index
    %get3A_87 = vector.load %arg9[%get3A_85, %get3A_86] : memref<214x1xf32, #tpu.memory_space<vmem>>, vector<214x1xf32>
    %add3A_88 = vector.broadcast %get3A_87 : vector<214x1xf32> to vector<214x128xf32>
    %add3A_89 = arith.addf %add3A_84, %add3A_88 : vector<214x128xf32>
    %max3A_90 = arith.constant 0.000000e+00 : f32
    %max3A_91 = vector.broadcast %max3A_90 : f32 to vector<214x128xf32>
    %max3A_92 = arith.maximumf %add3A_89, %max3A_91 : vector<214x128xf32>
    %mul3A_93 = arith.constant 8 : i32
    %mul3A_94 = arith.muli %arg0, %mul3A_93 : i32
    %add3A_95 = arith.constant 1 : i32
    %add3A_96 = arith.addi %mul3A_94, %add3A_95 : i32
    %mul3A_97 = arith.constant 128 : i32
    %mul3A_98 = arith.muli %add3A_96, %mul3A_97 : i32
    %add3A_99 = vector.broadcast %mul3A_98 : i32 to vector<1x128xi32>
    %add3A_100 = arith.addi %add3A_99, %iota3A : vector<1x128xi32>
    %lt3A_101 = arith.constant 100000 : i32
    %lt3A_102 = vector.broadcast %lt3A_101 : i32 to vector<1x128xi32>
    %lt3A_103 = arith.cmpi slt, %add3A_100, %lt3A_102 : vector<1x128xi32>
    %jit3A_104 = arith.constant 0.000000e+00 : f32
    %broadcast_in_dim3A_105 = vector.shape_cast %lt3A_103 : vector<1x128xi1> to vector<1x128xi1>
    %broadcast_in_dim3A_106 = vector.broadcast %broadcast_in_dim3A_105 : vector<1x128xi1> to vector<214x128xi1>
    %broadcast_in_dim3A_107 = vector.broadcast %jit3A_104 : f32 to vector<214x128xf32>
    %select_n3A_108 = arith.select %broadcast_in_dim3A_106, %max3A_92, %broadcast_in_dim3A_107 : vector<214x128xi1>, vector<214x128xf32>
    %add3A_109 = arith.addf %add3A_73, %select_n3A_108 : vector<214x128xf32>
    %mul3A_110 = arith.mulf %select_n3A_108, %select_n3A_108 : vector<214x128xf32>
    %add3A_111 = arith.addf %add3A_75, %mul3A_110 : vector<214x128xf32>
    %slice3A_112 = vector.extract_strided_slice %mul3A {offsets = [2, 0], sizes = [1, 128], strides = [1, 1]} : vector<8x128xf32> to vector<1x128xf32>
    %mul3A_113 = vector.broadcast %get3A_36 : vector<214x1xf32> to vector<214x128xf32>
    %mul3A_114 = vector.broadcast %slice3A_112 : vector<1x128xf32> to vector<214x128xf32>
    %mul3A_115 = arith.mulf %mul3A_113, %mul3A_114 : vector<214x128xf32>
    %slice3A_116 = vector.extract_strided_slice %mul3A_28 {offsets = [2, 0], sizes = [1, 128], strides = [1, 1]} : vector<8x128xf32> to vector<1x128xf32>
    %mul3A_117 = vector.broadcast %get3A_39 : vector<214x1xf32> to vector<214x128xf32>
    %mul3A_118 = vector.broadcast %slice3A_116 : vector<1x128xf32> to vector<214x128xf32>
    %mul3A_119 = arith.mulf %mul3A_117, %mul3A_118 : vector<214x128xf32>
    %add3A_120 = arith.addf %mul3A_115, %mul3A_119 : vector<214x128xf32>
    %get3A_121 = arith.constant 0 : index
    %get3A_122 = arith.constant 0 : index
    %get3A_123 = vector.load %arg9[%get3A_121, %get3A_122] : memref<214x1xf32, #tpu.memory_space<vmem>>, vector<214x1xf32>
    %add3A_124 = vector.broadcast %get3A_123 : vector<214x1xf32> to vector<214x128xf32>
    %add3A_125 = arith.addf %add3A_120, %add3A_124 : vector<214x128xf32>
    %max3A_126 = arith.constant 0.000000e+00 : f32
    %max3A_127 = vector.broadcast %max3A_126 : f32 to vector<214x128xf32>
    %max3A_128 = arith.maximumf %add3A_125, %max3A_127 : vector<214x128xf32>
    %mul3A_129 = arith.constant 8 : i32
    %mul3A_130 = arith.muli %arg0, %mul3A_129 : i32
    %add3A_131 = arith.constant 2 : i32
    %add3A_132 = arith.addi %mul3A_130, %add3A_131 : i32
    %mul3A_133 = arith.constant 128 : i32
    %mul3A_134 = arith.muli %add3A_132, %mul3A_133 : i32
    %add3A_135 = vector.broadcast %mul3A_134 : i32 to vector<1x128xi32>
    %add3A_136 = arith.addi %add3A_135, %iota3A : vector<1x128xi32>
    %lt3A_137 = arith.constant 100000 : i32
    %lt3A_138 = vector.broadcast %lt3A_137 : i32 to vector<1x128xi32>
    %lt3A_139 = arith.cmpi slt, %add3A_136, %lt3A_138 : vector<1x128xi32>
    %jit3A_140 = arith.constant 0.000000e+00 : f32
    %broadcast_in_dim3A_141 = vector.shape_cast %lt3A_139 : vector<1x128xi1> to vector<1x128xi1>
    %broadcast_in_dim3A_142 = vector.broadcast %broadcast_in_dim3A_141 : vector<1x128xi1> to vector<214x128xi1>
    %broadcast_in_dim3A_143 = vector.broadcast %jit3A_140 : f32 to vector<214x128xf32>
    %select_n3A_144 = arith.select %broadcast_in_dim3A_142, %max3A_128, %broadcast_in_dim3A_143 : vector<214x128xi1>, vector<214x128xf32>
    %add3A_145 = arith.addf %add3A_109, %select_n3A_144 : vector<214x128xf32>
    %mul3A_146 = arith.mulf %select_n3A_144, %select_n3A_144 : vector<214x128xf32>
    %add3A_147 = arith.addf %add3A_111, %mul3A_146 : vector<214x128xf32>
    %slice3A_148 = vector.extract_strided_slice %mul3A {offsets = [3, 0], sizes = [1, 128], strides = [1, 1]} : vector<8x128xf32> to vector<1x128xf32>
    %mul3A_149 = vector.broadcast %get3A_36 : vector<214x1xf32> to vector<214x128xf32>
    %mul3A_150 = vector.broadcast %slice3A_148 : vector<1x128xf32> to vector<214x128xf32>
    %mul3A_151 = arith.mulf %mul3A_149, %mul3A_150 : vector<214x128xf32>
    %slice3A_152 = vector.extract_strided_slice %mul3A_28 {offsets = [3, 0], sizes = [1, 128], strides = [1, 1]} : vector<8x128xf32> to vector<1x128xf32>
    %mul3A_153 = vector.broadcast %get3A_39 : vector<214x1xf32> to vector<214x128xf32>
    %mul3A_154 = vector.broadcast %slice3A_152 : vector<1x128xf32> to vector<214x128xf32>
    %mul3A_155 = arith.mulf %mul3A_153, %mul3A_154 : vector<214x128xf32>
    %add3A_156 = arith.addf %mul3A_151, %mul3A_155 : vector<214x128xf32>
    %get3A_157 = arith.constant 0 : index
    %get3A_158 = arith.constant 0 : index
    %get3A_159 = vector.load %arg9[%get3A_157, %get3A_158] : memref<214x1xf32, #tpu.memory_space<vmem>>, vector<214x1xf32>
    %add3A_160 = vector.broadcast %get3A_159 : vector<214x1xf32> to vector<214x128xf32>
    %add3A_161 = arith.addf %add3A_156, %add3A_160 : vector<214x128xf32>
    %max3A_162 = arith.constant 0.000000e+00 : f32
    %max3A_163 = vector.broadcast %max3A_162 : f32 to vector<214x128xf32>
    %max3A_164 = arith.maximumf %add3A_161, %max3A_163 : vector<214x128xf32>
    %mul3A_165 = arith.constant 8 : i32
    %mul3A_166 = arith.muli %arg0, %mul3A_165 : i32
    %add3A_167 = arith.constant 3 : i32
    %add3A_168 = arith.addi %mul3A_166, %add3A_167 : i32
    %mul3A_169 = arith.constant 128 : i32
    %mul3A_170 = arith.muli %add3A_168, %mul3A_169 : i32
    %add3A_171 = vector.broadcast %mul3A_170 : i32 to vector<1x128xi32>
    %add3A_172 = arith.addi %add3A_171, %iota3A : vector<1x128xi32>
    %lt3A_173 = arith.constant 100000 : i32
    %lt3A_174 = vector.broadcast %lt3A_173 : i32 to vector<1x128xi32>
    %lt3A_175 = arith.cmpi slt, %add3A_172, %lt3A_174 : vector<1x128xi32>
    %jit3A_176 = arith.constant 0.000000e+00 : f32
    %broadcast_in_dim3A_177 = vector.shape_cast %lt3A_175 : vector<1x128xi1> to vector<1x128xi1>
    %broadcast_in_dim3A_178 = vector.broadcast %broadcast_in_dim3A_177 : vector<1x128xi1> to vector<214x128xi1>
    %broadcast_in_dim3A_179 = vector.broadcast %jit3A_176 : f32 to vector<214x128xf32>
    %select_n3A_180 = arith.select %broadcast_in_dim3A_178, %max3A_164, %broadcast_in_dim3A_179 : vector<214x128xi1>, vector<214x128xf32>
    %add3A_181 = arith.addf %add3A_145, %select_n3A_180 : vector<214x128xf32>
    %mul3A_182 = arith.mulf %select_n3A_180, %select_n3A_180 : vector<214x128xf32>
    %add3A_183 = arith.addf %add3A_147, %mul3A_182 : vector<214x128xf32>
    %slice3A_184 = vector.extract_strided_slice %mul3A {offsets = [4, 0], sizes = [1, 128], strides = [1, 1]} : vector<8x128xf32> to vector<1x128xf32>
    %mul3A_185 = vector.broadcast %get3A_36 : vector<214x1xf32> to vector<214x128xf32>
    %mul3A_186 = vector.broadcast %slice3A_184 : vector<1x128xf32> to vector<214x128xf32>
    %mul3A_187 = arith.mulf %mul3A_185, %mul3A_186 : vector<214x128xf32>
    %slice3A_188 = vector.extract_strided_slice %mul3A_28 {offsets = [4, 0], sizes = [1, 128], strides = [1, 1]} : vector<8x128xf32> to vector<1x128xf32>
    %mul3A_189 = vector.broadcast %get3A_39 : vector<214x1xf32> to vector<214x128xf32>
    %mul3A_190 = vector.broadcast %slice3A_188 : vector<1x128xf32> to vector<214x128xf32>
    %mul3A_191 = arith.mulf %mul3A_189, %mul3A_190 : vector<214x128xf32>
    %add3A_192 = arith.addf %mul3A_187, %mul3A_191 : vector<214x128xf32>
    %get3A_193 = arith.constant 0 : index
    %get3A_194 = arith.constant 0 : index
    %get3A_195 = vector.load %arg9[%get3A_193, %get3A_194] : memref<214x1xf32, #tpu.memory_space<vmem>>, vector<214x1xf32>
    %add3A_196 = vector.broadcast %get3A_195 : vector<214x1xf32> to vector<214x128xf32>
    %add3A_197 = arith.addf %add3A_192, %add3A_196 : vector<214x128xf32>
    %max3A_198 = arith.constant 0.000000e+00 : f32
    %max3A_199 = vector.broadcast %max3A_198 : f32 to vector<214x128xf32>
    %max3A_200 = arith.maximumf %add3A_197, %max3A_199 : vector<214x128xf32>
    %mul3A_201 = arith.constant 8 : i32
    %mul3A_202 = arith.muli %arg0, %mul3A_201 : i32
    %add3A_203 = arith.constant 4 : i32
    %add3A_204 = arith.addi %mul3A_202, %add3A_203 : i32
    %mul3A_205 = arith.constant 128 : i32
    %mul3A_206 = arith.muli %add3A_204, %mul3A_205 : i32
    %add3A_207 = vector.broadcast %mul3A_206 : i32 to vector<1x128xi32>
    %add3A_208 = arith.addi %add3A_207, %iota3A : vector<1x128xi32>
    %lt3A_209 = arith.constant 100000 : i32
    %lt3A_210 = vector.broadcast %lt3A_209 : i32 to vector<1x128xi32>
    %lt3A_211 = arith.cmpi slt, %add3A_208, %lt3A_210 : vector<1x128xi32>
    %jit3A_212 = arith.constant 0.000000e+00 : f32
    %broadcast_in_dim3A_213 = vector.shape_cast %lt3A_211 : vector<1x128xi1> to vector<1x128xi1>
    %broadcast_in_dim3A_214 = vector.broadcast %broadcast_in_dim3A_213 : vector<1x128xi1> to vector<214x128xi1>
    %broadcast_in_dim3A_215 = vector.broadcast %jit3A_212 : f32 to vector<214x128xf32>
    %select_n3A_216 = arith.select %broadcast_in_dim3A_214, %max3A_200, %broadcast_in_dim3A_215 : vector<214x128xi1>, vector<214x128xf32>
    %add3A_217 = arith.addf %add3A_181, %select_n3A_216 : vector<214x128xf32>
    %mul3A_218 = arith.mulf %select_n3A_216, %select_n3A_216 : vector<214x128xf32>
    %add3A_219 = arith.addf %add3A_183, %mul3A_218 : vector<214x128xf32>
    %slice3A_220 = vector.extract_strided_slice %mul3A {offsets = [5, 0], sizes = [1, 128], strides = [1, 1]} : vector<8x128xf32> to vector<1x128xf32>
    %mul3A_221 = vector.broadcast %get3A_36 : vector<214x1xf32> to vector<214x128xf32>
    %mul3A_222 = vector.broadcast %slice3A_220 : vector<1x128xf32> to vector<214x128xf32>
    %mul3A_223 = arith.mulf %mul3A_221, %mul3A_222 : vector<214x128xf32>
    %slice3A_224 = vector.extract_strided_slice %mul3A_28 {offsets = [5, 0], sizes = [1, 128], strides = [1, 1]} : vector<8x128xf32> to vector<1x128xf32>
    %mul3A_225 = vector.broadcast %get3A_39 : vector<214x1xf32> to vector<214x128xf32>
    %mul3A_226 = vector.broadcast %slice3A_224 : vector<1x128xf32> to vector<214x128xf32>
    %mul3A_227 = arith.mulf %mul3A_225, %mul3A_226 : vector<214x128xf32>
    %add3A_228 = arith.addf %mul3A_223, %mul3A_227 : vector<214x128xf32>
    %get3A_229 = arith.constant 0 : index
    %get3A_230 = arith.constant 0 : index
    %get3A_231 = vector.load %arg9[%get3A_229, %get3A_230] : memref<214x1xf32, #tpu.memory_space<vmem>>, vector<214x1xf32>
    %add3A_232 = vector.broadcast %get3A_231 : vector<214x1xf32> to vector<214x128xf32>
    %add3A_233 = arith.addf %add3A_228, %add3A_232 : vector<214x128xf32>
    %max3A_234 = arith.constant 0.000000e+00 : f32
    %max3A_235 = vector.broadcast %max3A_234 : f32 to vector<214x128xf32>
    %max3A_236 = arith.maximumf %add3A_233, %max3A_235 : vector<214x128xf32>
    %mul3A_237 = arith.constant 8 : i32
    %mul3A_238 = arith.muli %arg0, %mul3A_237 : i32
    %add3A_239 = arith.constant 5 : i32
    %add3A_240 = arith.addi %mul3A_238, %add3A_239 : i32
    %mul3A_241 = arith.constant 128 : i32
    %mul3A_242 = arith.muli %add3A_240, %mul3A_241 : i32
    %add3A_243 = vector.broadcast %mul3A_242 : i32 to vector<1x128xi32>
    %add3A_244 = arith.addi %add3A_243, %iota3A : vector<1x128xi32>
    %lt3A_245 = arith.constant 100000 : i32
    %lt3A_246 = vector.broadcast %lt3A_245 : i32 to vector<1x128xi32>
    %lt3A_247 = arith.cmpi slt, %add3A_244, %lt3A_246 : vector<1x128xi32>
    %jit3A_248 = arith.constant 0.000000e+00 : f32
    %broadcast_in_dim3A_249 = vector.shape_cast %lt3A_247 : vector<1x128xi1> to vector<1x128xi1>
    %broadcast_in_dim3A_250 = vector.broadcast %broadcast_in_dim3A_249 : vector<1x128xi1> to vector<214x128xi1>
    %broadcast_in_dim3A_251 = vector.broadcast %jit3A_248 : f32 to vector<214x128xf32>
    %select_n3A_252 = arith.select %broadcast_in_dim3A_250, %max3A_236, %broadcast_in_dim3A_251 : vector<214x128xi1>, vector<214x128xf32>
    %add3A_253 = arith.addf %add3A_217, %select_n3A_252 : vector<214x128xf32>
    %mul3A_254 = arith.mulf %select_n3A_252, %select_n3A_252 : vector<214x128xf32>
    %add3A_255 = arith.addf %add3A_219, %mul3A_254 : vector<214x128xf32>
    %slice3A_256 = vector.extract_strided_slice %mul3A {offsets = [6, 0], sizes = [1, 128], strides = [1, 1]} : vector<8x128xf32> to vector<1x128xf32>
    %mul3A_257 = vector.broadcast %get3A_36 : vector<214x1xf32> to vector<214x128xf32>
    %mul3A_258 = vector.broadcast %slice3A_256 : vector<1x128xf32> to vector<214x128xf32>
    %mul3A_259 = arith.mulf %mul3A_257, %mul3A_258 : vector<214x128xf32>
    %slice3A_260 = vector.extract_strided_slice %mul3A_28 {offsets = [6, 0], sizes = [1, 128], strides = [1, 1]} : vector<8x128xf32> to vector<1x128xf32>
    %mul3A_261 = vector.broadcast %get3A_39 : vector<214x1xf32> to vector<214x128xf32>
    %mul3A_262 = vector.broadcast %slice3A_260 : vector<1x128xf32> to vector<214x128xf32>
    %mul3A_263 = arith.mulf %mul3A_261, %mul3A_262 : vector<214x128xf32>
    %add3A_264 = arith.addf %mul3A_259, %mul3A_263 : vector<214x128xf32>
    %get3A_265 = arith.constant 0 : index
    %get3A_266 = arith.constant 0 : index
    %get3A_267 = vector.load %arg9[%get3A_265, %get3A_266] : memref<214x1xf32, #tpu.memory_space<vmem>>, vector<214x1xf32>
    %add3A_268 = vector.broadcast %get3A_267 : vector<214x1xf32> to vector<214x128xf32>
    %add3A_269 = arith.addf %add3A_264, %add3A_268 : vector<214x128xf32>
    %max3A_270 = arith.constant 0.000000e+00 : f32
    %max3A_271 = vector.broadcast %max3A_270 : f32 to vector<214x128xf32>
    %max3A_272 = arith.maximumf %add3A_269, %max3A_271 : vector<214x128xf32>
    %mul3A_273 = arith.constant 8 : i32
    %mul3A_274 = arith.muli %arg0, %mul3A_273 : i32
    %add3A_275 = arith.constant 6 : i32
    %add3A_276 = arith.addi %mul3A_274, %add3A_275 : i32
    %mul3A_277 = arith.constant 128 : i32
    %mul3A_278 = arith.muli %add3A_276, %mul3A_277 : i32
    %add3A_279 = vector.broadcast %mul3A_278 : i32 to vector<1x128xi32>
    %add3A_280 = arith.addi %add3A_279, %iota3A : vector<1x128xi32>
    %lt3A_281 = arith.constant 100000 : i32
    %lt3A_282 = vector.broadcast %lt3A_281 : i32 to vector<1x128xi32>
    %lt3A_283 = arith.cmpi slt, %add3A_280, %lt3A_282 : vector<1x128xi32>
    %jit3A_284 = arith.constant 0.000000e+00 : f32
    %broadcast_in_dim3A_285 = vector.shape_cast %lt3A_283 : vector<1x128xi1> to vector<1x128xi1>
    %broadcast_in_dim3A_286 = vector.broadcast %broadcast_in_dim3A_285 : vector<1x128xi1> to vector<214x128xi1>
    %broadcast_in_dim3A_287 = vector.broadcast %jit3A_284 : f32 to vector<214x128xf32>
    %select_n3A_288 = arith.select %broadcast_in_dim3A_286, %max3A_272, %broadcast_in_dim3A_287 : vector<214x128xi1>, vector<214x128xf32>
    %add3A_289 = arith.addf %add3A_253, %select_n3A_288 : vector<214x128xf32>
    %mul3A_290 = arith.mulf %select_n3A_288, %select_n3A_288 : vector<214x128xf32>
    %add3A_291 = arith.addf %add3A_255, %mul3A_290 : vector<214x128xf32>
    %slice3A_292 = vector.extract_strided_slice %mul3A {offsets = [7, 0], sizes = [1, 128], strides = [1, 1]} : vector<8x128xf32> to vector<1x128xf32>
    %mul3A_293 = vector.broadcast %get3A_36 : vector<214x1xf32> to vector<214x128xf32>
    %mul3A_294 = vector.broadcast %slice3A_292 : vector<1x128xf32> to vector<214x128xf32>
    %mul3A_295 = arith.mulf %mul3A_293, %mul3A_294 : vector<214x128xf32>
    %slice3A_296 = vector.extract_strided_slice %mul3A_28 {offsets = [7, 0], sizes = [1, 128], strides = [1, 1]} : vector<8x128xf32> to vector<1x128xf32>
    %mul3A_297 = vector.broadcast %get3A_39 : vector<214x1xf32> to vector<214x128xf32>
    %mul3A_298 = vector.broadcast %slice3A_296 : vector<1x128xf32> to vector<214x128xf32>
    %mul3A_299 = arith.mulf %mul3A_297, %mul3A_298 : vector<214x128xf32>
    %add3A_300 = arith.addf %mul3A_295, %mul3A_299 : vector<214x128xf32>
    %get3A_301 = arith.constant 0 : index
    %get3A_302 = arith.constant 0 : index
    %get3A_303 = vector.load %arg9[%get3A_301, %get3A_302] : memref<214x1xf32, #tpu.memory_space<vmem>>, vector<214x1xf32>
    %add3A_304 = vector.broadcast %get3A_303 : vector<214x1xf32> to vector<214x128xf32>
    %add3A_305 = arith.addf %add3A_300, %add3A_304 : vector<214x128xf32>
    %max3A_306 = arith.constant 0.000000e+00 : f32
    %max3A_307 = vector.broadcast %max3A_306 : f32 to vector<214x128xf32>
    %max3A_308 = arith.maximumf %add3A_305, %max3A_307 : vector<214x128xf32>
    %mul3A_309 = arith.constant 8 : i32
    %mul3A_310 = arith.muli %arg0, %mul3A_309 : i32
    %add3A_311 = arith.constant 7 : i32
    %add3A_312 = arith.addi %mul3A_310, %add3A_311 : i32
    %mul3A_313 = arith.constant 128 : i32
    %mul3A_314 = arith.muli %add3A_312, %mul3A_313 : i32
    %add3A_315 = vector.broadcast %mul3A_314 : i32 to vector<1x128xi32>
    %add3A_316 = arith.addi %add3A_315, %iota3A : vector<1x128xi32>
    %lt3A_317 = arith.constant 100000 : i32
    %lt3A_318 = vector.broadcast %lt3A_317 : i32 to vector<1x128xi32>
    %lt3A_319 = arith.cmpi slt, %add3A_316, %lt3A_318 : vector<1x128xi32>
    %jit3A_320 = arith.constant 0.000000e+00 : f32
    %broadcast_in_dim3A_321 = vector.shape_cast %lt3A_319 : vector<1x128xi1> to vector<1x128xi1>
    %broadcast_in_dim3A_322 = vector.broadcast %broadcast_in_dim3A_321 : vector<1x128xi1> to vector<214x128xi1>
    %broadcast_in_dim3A_323 = vector.broadcast %jit3A_320 : f32 to vector<214x128xf32>
    %select_n3A_324 = arith.select %broadcast_in_dim3A_322, %max3A_308, %broadcast_in_dim3A_323 : vector<214x128xi1>, vector<214x128xf32>
    %add3A_325 = arith.addf %add3A_289, %select_n3A_324 : vector<214x128xf32>
    %mul3A_326 = arith.mulf %select_n3A_324, %select_n3A_324 : vector<214x128xf32>
    %add3A_327 = arith.addf %add3A_291, %mul3A_326 : vector<214x128xf32>
    %swap3A_328 = arith.constant 0 : index
    %swap3A_329 = arith.constant 0 : index
    %swap3A_330 = vector.load %arg16[%swap3A_328, %swap3A_329] : memref<214x128xf32, #tpu.memory_space<vmem>>, vector<214x128xf32>
    tpu.vector_store %arg16[%swap3A_328, %swap3A_329], %add3A_325 {strides = array<i32>} : memref<214x128xf32, #tpu.memory_space<vmem>>, vector<214x128xf32>,
    %swap3A_331 = arith.constant 0 : index
    %swap3A_332 = arith.constant 0 : index
    %swap3A_333 = vector.load %arg17[%swap3A_331, %swap3A_332] : memref<214x128xf32, #tpu.memory_space<vmem>>, vector<214x128xf32>
    tpu.vector_store %arg17[%swap3A_331, %swap3A_332], %add3A_327 {strides = array<i32>} : memref<214x128xf32, #tpu.memory_space<vmem>>, vector<214x128xf32>,
    %eq3A_334 = arith.constant 97 : i32
    %eq3A_335 = arith.cmpi eq, %arg0, %eq3A_334 : i32
    %convert_element_type3A_336 = arith.extui %eq3A_335 : i1 to i32
    %cond3A_337 = arith.constant 0 : i32
    %cond3A_338 = arith.cmpi ne, %convert_element_type3A_336, %cond3A_337 : i32
    scf.if %cond3A_338 {
      %reduce_sum3A = arith.constant dense<0.000000e+00> : vector<214xf32>
      %reduce_sum3A_339 = vector.multi_reduction <add>, %add3A_325, %reduce_sum3A [1] : vector<214x128xf32> to vector<214xf32>
      %broadcast_in_dim3A_340 = vector.shape_cast %reduce_sum3A_339 : vector<214xf32> to vector<214x1xf32>
      %mul3A_341 = arith.constant 9.99999974E-6 : f32
      %mul3A_342 = vector.broadcast %mul3A_341 : f32 to vector<214x1xf32>
      %mul3A_343 = arith.mulf %broadcast_in_dim3A_340, %mul3A_342 : vector<214x1xf32>
      %reduce_sum3A_344 = arith.constant dense<0.000000e+00> : vector<214xf32>
      %reduce_sum3A_345 = vector.multi_reduction <add>, %add3A_327, %reduce_sum3A_344 [1] : vector<214x128xf32> to vector<214xf32>
      %broadcast_in_dim3A_346 = vector.shape_cast %reduce_sum3A_345 : vector<214xf32> to vector<214x1xf32>
      %mul3A_347 = arith.constant 9.99999974E-6 : f32
      %mul3A_348 = vector.broadcast %mul3A_347 : f32 to vector<214x1xf32>
      %mul3A_349 = arith.mulf %broadcast_in_dim3A_346, %mul3A_348 : vector<214x1xf32>
      %mul3A_350 = arith.mulf %mul3A_343, %mul3A_343 : vector<214x1xf32>
      %sub3A = arith.subf %mul3A_349, %mul3A_350 : vector<214x1xf32>
      %add3A_351 = arith.constant 9.99999974E-6 : f32
      %add3A_352 = vector.broadcast %add3A_351 : f32 to vector<214x1xf32>
      %add3A_353 = arith.addf %sub3A, %add3A_352 : vector<214x1xf32>
      %rsqrt3A = math.rsqrt %add3A_353 : vector<214x1xf32>
      %get3A_354 = arith.constant 0 : index
      %get3A_355 = arith.constant 0 : index
      %get3A_356 = vector.load %arg10[%get3A_354, %get3A_355] : memref<214x1xf32, #tpu.memory_space<vmem>>, vector<214x1xf32>
      %mul3A_357 = arith.mulf %get3A_356, %rsqrt3A : vector<214x1xf32>
      %swap3A_358 = arith.constant 0 : index
      %swap3A_359 = arith.constant 0 : index
      %swap3A_360 = vector.load %arg14[%swap3A_358, %swap3A_359] : memref<214x1xf32, #tpu.memory_space<vmem>>, vector<214x1xf32>
      tpu.vector_store %arg14[%swap3A_358, %swap3A_359], %mul3A_357 {strides = array<i32>} : memref<214x1xf32, #tpu.memory_space<vmem>>, vector<214x1xf32>,
      %get3A_361 = arith.constant 0 : index
      %get3A_362 = arith.constant 0 : index
      %get3A_363 = vector.load %arg11[%get3A_361, %get3A_362] : memref<214x1xf32, #tpu.memory_space<vmem>>, vector<214x1xf32>
      %get3A_364 = arith.constant 0 : index
      %get3A_365 = arith.constant 0 : index
      %get3A_366 = vector.load %arg10[%get3A_364, %get3A_365] : memref<214x1xf32, #tpu.memory_space<vmem>>, vector<214x1xf32>
      %mul3A_367 = arith.mulf %mul3A_343, %get3A_366 : vector<214x1xf32>
      %mul3A_368 = arith.mulf %mul3A_367, %rsqrt3A : vector<214x1xf32>
      %sub3A_369 = arith.subf %get3A_363, %mul3A_368 : vector<214x1xf32>
      %swap3A_370 = arith.constant 0 : index
      %swap3A_371 = arith.constant 0 : index
      %swap3A_372 = vector.load %arg15[%swap3A_370, %swap3A_371] : memref<214x1xf32, #tpu.memory_space<vmem>>, vector<214x1xf32>
      tpu.vector_store %arg15[%swap3A_370, %swap3A_371], %sub3A_369 {strides = array<i32>} : memref<214x1xf32, #tpu.memory_space<vmem>>, vector<214x1xf32>,
    } else {
    }
    return
  }
  func.func @transform_0(%arg0: i32) -> (i32, i32) {
    %c0_i32 = arith.constant 0 : i32
    %c0_i32_0 = arith.constant 0 : i32
    return %arg0, %c0_i32 : i32, i32
  }
  func.func @transform_1(%arg0: i32) -> (i32, i32) {
    %c0_i32 = arith.constant 0 : i32
    %c0_i32_0 = arith.constant 0 : i32
    return %arg0, %c0_i32 : i32, i32
  }
  func.func @transform_2(%arg0: i32) -> (i32, i32) {
    %c0_i32 = arith.constant 0 : i32
    %c0_i32_0 = arith.constant 0 : i32
    return %arg0, %c0_i32 : i32, i32
  }
  func.func @transform_3(%arg0: i32) -> (i32, i32) {
    %c0_i32 = arith.constant 0 : i32
    %c0_i32_0 = arith.constant 0 : i32
    return %arg0, %c0_i32 : i32, i32
  }
  func.func @transform_4(%arg0: i32) -> (i32, i32) {
    %c0_i32 = arith.constant 0 : i32
    %c0_i32_0 = arith.constant 0 : i32
    return %arg0, %c0_i32 : i32, i32
  }
  func.func @transform_5(%arg0: i32) -> (i32, i32) {
    %c0_i32 = arith.constant 0 : i32
    %c0_i32_0 = arith.constant 0 : i32
    return %arg0, %c0_i32 : i32, i32
  }
  func.func @transform_6(%arg0: i32) -> (i32, i32) {
    %c0_i32 = arith.constant 0 : i32
    %c0_i32_0 = arith.constant 0 : i32
    return %arg0, %c0_i32 : i32, i32
  }
  func.func @transform_7(%arg0: i32) -> (i32, i32) {
    %c0_i32 = arith.constant 0 : i32
    %c0_i32_0 = arith.constant 0 : i32
    %c0_i32_1 = arith.constant 0 : i32
    return %c0_i32, %c0_i32_0 : i32, i32
  }
  func.func @transform_8(%arg0: i32) -> (i32, i32) {
    %c0_i32 = arith.constant 0 : i32
    %c0_i32_0 = arith.constant 0 : i32
    %c0_i32_1 = arith.constant 0 : i32
    return %c0_i32, %c0_i32_0 : i32, i32
  }
  func.func @transform_9(%arg0: i32) -> (i32, i32) {
    %c0_i32 = arith.constant 0 : i32
    %c0_i32_0 = arith.constant 0 : i32
    %c0_i32_1 = arith.constant 0 : i32
    return %c0_i32, %c0_i32_0 : i32, i32
  }
  func.func @transform_10(%arg0: i32) -> (i32, i32) {
    %c0_i32 = arith.constant 0 : i32
    %c0_i32_0 = arith.constant 0 : i32
    %c0_i32_1 = arith.constant 0 : i32
    return %c0_i32, %c0_i32_0 : i32, i32
  }
  func.func @transform_11(%arg0: i32) -> (i32, i32) {
    %c0_i32 = arith.constant 0 : i32
    %c0_i32_0 = arith.constant 0 : i32
    return %arg0, %c0_i32 : i32, i32
  }
  func.func @transform_12(%arg0: i32) -> (i32, i32) {
    %c0_i32 = arith.constant 0 : i32
    %c0_i32_0 = arith.constant 0 : i32
    return %arg0, %c0_i32 : i32, i32
  }
  func.func @transform_13(%arg0: i32) -> (i32, i32) {
    %c0_i32 = arith.constant 0 : i32
    %c0_i32_0 = arith.constant 0 : i32
    %c0_i32_1 = arith.constant 0 : i32
    return %c0_i32, %c0_i32_0 : i32, i32
  }
  func.func @transform_14(%arg0: i32) -> (i32, i32) {
    %c0_i32 = arith.constant 0 : i32
    %c0_i32_0 = arith.constant 0 : i32
    %c0_i32_1 = arith.constant 0 : i32
    return %c0_i32, %c0_i32_0 : i32, i32
  }
}

module attributes {stable_mosaic.version = 14 : i64} {
  func.func @_d2_body(%arg0: i32, %arg1: memref<8x128xf32, #tpu.memory_space<vmem>>, %arg2: memref<8x128xf32, #tpu.memory_space<vmem>>, %arg3: memref<214x2xf32, #tpu.memory_space<vmem>>, %arg4: memref<214x1xf32, #tpu.memory_space<vmem>>, %arg5: memref<214x1xf32, #tpu.memory_space<vmem>>, %arg6: memref<214x1xf32, #tpu.memory_space<vmem>>, %arg7: memref<214x214xbf16, #tpu.memory_space<vmem>>, %arg8: memref<1x214xf32, #tpu.memory_space<vmem>>, %arg9: memref<1024x214xf32, #tpu.memory_space<vmem>>, %arg10: memref<1024x214xf32, #tpu.memory_space<vmem>>) attributes {dimension_semantics = [#tpu.dimension_semantics<arbitrary>], iteration_bounds = array<i64: 98>, scalar_prefetch = 0 : i64, scratch_operands = 0 : i64, tpu.core_type = #tpu.core_type<tc>, window_params = [{transform_indices = @transform_0, window_bounds = array<i64: 8, 128>}, {transform_indices = @transform_1, window_bounds = array<i64: 8, 128>}, {pipeline_mode = #tpu.pipeline_mode<synchronous>, transform_indices = @transform_2, window_bounds = array<i64: 214, 2>}, {pipeline_mode = #tpu.pipeline_mode<synchronous>, transform_indices = @transform_3, window_bounds = array<i64: 214, 1>}, {pipeline_mode = #tpu.pipeline_mode<synchronous>, transform_indices = @transform_4, window_bounds = array<i64: 214, 1>}, {pipeline_mode = #tpu.pipeline_mode<synchronous>, transform_indices = @transform_5, window_bounds = array<i64: 214, 1>}, {pipeline_mode = #tpu.pipeline_mode<synchronous>, transform_indices = @transform_6, window_bounds = array<i64: 214, 214>}, {pipeline_mode = #tpu.pipeline_mode<synchronous>, transform_indices = @transform_7, window_bounds = array<i64: 1, 214>}, {transform_indices = @transform_8, window_bounds = array<i64: 1024, 214>}, {transform_indices = @transform_9, window_bounds = array<i64: 1024, 214>}]} {
    %get3A = arith.constant 0 : index
    %get3A_0 = arith.constant 0 : index
    %get3A_1 = vector.load %arg3[%get3A, %get3A_0] : memref<214x2xf32, #tpu.memory_space<vmem>>, vector<214x1xf32>
    %get3A_2 = arith.constant 0 : index
    %get3A_3 = arith.constant 1 : index
    %get3A_4 = vector.load %arg3[%get3A_2, %get3A_3] : memref<214x2xf32, #tpu.memory_space<vmem>>, vector<214x1xf32>
    %get3A_5 = arith.constant 0 : index
    %get3A_6 = arith.constant 0 : index
    %get3A_7 = vector.load %arg5[%get3A_5, %get3A_6] : memref<214x1xf32, #tpu.memory_space<vmem>>, vector<214x1xf32>
    %get3A_8 = arith.constant 0 : index
    %get3A_9 = arith.constant 0 : index
    %get3A_10 = vector.load %arg6[%get3A_8, %get3A_9] : memref<214x1xf32, #tpu.memory_space<vmem>>, vector<214x1xf32>
    %broadcast_in_dim3A = arith.constant 1.000000e+00 : f32
    %broadcast_in_dim3A_11 = vector.broadcast %broadcast_in_dim3A : f32 to vector<214x1xf32>
    %get3A_12 = arith.constant 0 : index
    %get3A_13 = arith.constant 0 : index
    %get3A_14 = vector.load %arg1[%get3A_12, %get3A_13] : memref<8x128xf32, #tpu.memory_space<vmem>>, vector<1x128xf32>
    %mul3A = vector.broadcast %get3A_1 : vector<214x1xf32> to vector<214x128xf32>
    %mul3A_15 = vector.broadcast %get3A_14 : vector<1x128xf32> to vector<214x128xf32>
    %mul3A_16 = arith.mulf %mul3A, %mul3A_15 : vector<214x128xf32>
    %get3A_17 = arith.constant 0 : index
    %get3A_18 = arith.constant 0 : index
    %get3A_19 = vector.load %arg2[%get3A_17, %get3A_18] : memref<8x128xf32, #tpu.memory_space<vmem>>, vector<1x128xf32>
    %mul3A_20 = vector.broadcast %get3A_4 : vector<214x1xf32> to vector<214x128xf32>
    %mul3A_21 = vector.broadcast %get3A_19 : vector<1x128xf32> to vector<214x128xf32>
    %mul3A_22 = arith.mulf %mul3A_20, %mul3A_21 : vector<214x128xf32>
    %add3A = arith.addf %mul3A_16, %mul3A_22 : vector<214x128xf32>
    %get3A_23 = arith.constant 0 : index
    %get3A_24 = arith.constant 0 : index
    %get3A_25 = vector.load %arg4[%get3A_23, %get3A_24] : memref<214x1xf32, #tpu.memory_space<vmem>>, vector<214x1xf32>
    %add3A_26 = vector.broadcast %get3A_25 : vector<214x1xf32> to vector<214x128xf32>
    %add3A_27 = arith.addf %add3A, %add3A_26 : vector<214x128xf32>
    %max3A = arith.constant 0.000000e+00 : f32
    %max3A_28 = vector.broadcast %max3A : f32 to vector<214x128xf32>
    %max3A_29 = arith.maximumf %add3A_27, %max3A_28 : vector<214x128xf32>
    %mul3A_30 = vector.broadcast %get3A_7 : vector<214x1xf32> to vector<214x128xf32>
    %mul3A_31 = arith.mulf %max3A_29, %mul3A_30 : vector<214x128xf32>
    %add3A_32 = vector.broadcast %get3A_10 : vector<214x1xf32> to vector<214x128xf32>
    %add3A_33 = arith.addf %mul3A_31, %add3A_32 : vector<214x128xf32>
    %convert_element_type3A = arith.truncf %add3A_33 : vector<214x128xf32> to vector<214x128xbf16>
    %get3A_34 = arith.constant 0 : index
    %get3A_35 = arith.constant 0 : index
    %get3A_36 = vector.load %arg7[%get3A_34, %get3A_35] : memref<214x214xbf16, #tpu.memory_space<vmem>>, vector<214x214xbf16>
    %dot_general3A = arith.constant dense<0.000000e+00> : vector<128x214xf32>
    %dot_general3A_37 = tpu.matmul %convert_element_type3A, %get3A_36, %dot_general3A {dimension_numbers = #tpu.dot_dimension_numbers<[0], [0], [1], [1], [0, 1, 1, 1], [], []>, transpose_lhs_hint = false} : vector<214x128xbf16>, vector<214x214xbf16>, vector<128x214xf32> -> vector<128x214xf32>
    %get3A_38 = arith.constant 0 : index
    %get3A_39 = arith.constant 0 : index
    %get3A_40 = vector.load %arg8[%get3A_38, %get3A_39] : memref<1x214xf32, #tpu.memory_space<vmem>>, vector<1x214xf32>
    %add3A_41 = vector.broadcast %get3A_40 : vector<1x214xf32> to vector<128x214xf32>
    %add3A_42 = arith.addf %dot_general3A_37, %add3A_41 : vector<128x214xf32>
    %exp3A = math.exp %add3A_42 : vector<128x214xf32>
    %dot_general3A_43 = arith.constant dense<0.000000e+00> : vector<128x1xf32>
    %dot_general3A_44 = tpu.matmul %exp3A, %broadcast_in_dim3A_11, %dot_general3A_43 {dimension_numbers = #tpu.dot_dimension_numbers<[1], [0], [0], [1], [0, 0, 1, 1], [], []>, transpose_lhs_hint = false} : vector<128x214xf32>, vector<214x1xf32>, vector<128x1xf32> -> vector<128x1xf32>
    %log3A = math.log %dot_general3A_44 : vector<128x1xf32>
    %sub3A = vector.broadcast %log3A : vector<128x1xf32> to vector<128x214xf32>
    %sub3A_45 = arith.subf %add3A_42, %sub3A : vector<128x214xf32>
    %swap3A = arith.constant 0 : index
    %swap3A_46 = arith.constant 0 : index
    %swap3A_47 = vector.load %arg9[%swap3A, %swap3A_46] : memref<1024x214xf32, #tpu.memory_space<vmem>>, vector<128x214xf32>
    tpu.vector_store %arg9[%swap3A, %swap3A_46], %sub3A_45 {strides = array<i32>} : memref<1024x214xf32, #tpu.memory_space<vmem>>, vector<128x214xf32>,
    %swap3A_48 = arith.constant 0 : index
    %swap3A_49 = arith.constant 0 : index
    %swap3A_50 = vector.load %arg10[%swap3A_48, %swap3A_49] : memref<1024x214xf32, #tpu.memory_space<vmem>>, vector<128x214xf32>
    tpu.vector_store %arg10[%swap3A_48, %swap3A_49], %add3A_42 {strides = array<i32>} : memref<1024x214xf32, #tpu.memory_space<vmem>>, vector<128x214xf32>,
    %get3A_51 = arith.constant 1 : index
    %get3A_52 = arith.constant 0 : index
    %get3A_53 = vector.load %arg1[%get3A_51, %get3A_52] : memref<8x128xf32, #tpu.memory_space<vmem>>, vector<1x128xf32>
    %mul3A_54 = vector.broadcast %get3A_1 : vector<214x1xf32> to vector<214x128xf32>
    %mul3A_55 = vector.broadcast %get3A_53 : vector<1x128xf32> to vector<214x128xf32>
    %mul3A_56 = arith.mulf %mul3A_54, %mul3A_55 : vector<214x128xf32>
    %get3A_57 = arith.constant 1 : index
    %get3A_58 = arith.constant 0 : index
    %get3A_59 = vector.load %arg2[%get3A_57, %get3A_58] : memref<8x128xf32, #tpu.memory_space<vmem>>, vector<1x128xf32>
    %mul3A_60 = vector.broadcast %get3A_4 : vector<214x1xf32> to vector<214x128xf32>
    %mul3A_61 = vector.broadcast %get3A_59 : vector<1x128xf32> to vector<214x128xf32>
    %mul3A_62 = arith.mulf %mul3A_60, %mul3A_61 : vector<214x128xf32>
    %add3A_63 = arith.addf %mul3A_56, %mul3A_62 : vector<214x128xf32>
    %get3A_64 = arith.constant 0 : index
    %get3A_65 = arith.constant 0 : index
    %get3A_66 = vector.load %arg4[%get3A_64, %get3A_65] : memref<214x1xf32, #tpu.memory_space<vmem>>, vector<214x1xf32>
    %add3A_67 = vector.broadcast %get3A_66 : vector<214x1xf32> to vector<214x128xf32>
    %add3A_68 = arith.addf %add3A_63, %add3A_67 : vector<214x128xf32>
    %max3A_69 = arith.constant 0.000000e+00 : f32
    %max3A_70 = vector.broadcast %max3A_69 : f32 to vector<214x128xf32>
    %max3A_71 = arith.maximumf %add3A_68, %max3A_70 : vector<214x128xf32>
    %mul3A_72 = vector.broadcast %get3A_7 : vector<214x1xf32> to vector<214x128xf32>
    %mul3A_73 = arith.mulf %max3A_71, %mul3A_72 : vector<214x128xf32>
    %add3A_74 = vector.broadcast %get3A_10 : vector<214x1xf32> to vector<214x128xf32>
    %add3A_75 = arith.addf %mul3A_73, %add3A_74 : vector<214x128xf32>
    %convert_element_type3A_76 = arith.truncf %add3A_75 : vector<214x128xf32> to vector<214x128xbf16>
    %get3A_77 = arith.constant 0 : index
    %get3A_78 = arith.constant 0 : index
    %get3A_79 = vector.load %arg7[%get3A_77, %get3A_78] : memref<214x214xbf16, #tpu.memory_space<vmem>>, vector<214x214xbf16>
    %dot_general3A_80 = arith.constant dense<0.000000e+00> : vector<128x214xf32>
    %dot_general3A_81 = tpu.matmul %convert_element_type3A_76, %get3A_79, %dot_general3A_80 {dimension_numbers = #tpu.dot_dimension_numbers<[0], [0], [1], [1], [0, 1, 1, 1], [], []>, transpose_lhs_hint = false} : vector<214x128xbf16>, vector<214x214xbf16>, vector<128x214xf32> -> vector<128x214xf32>
    %get3A_82 = arith.constant 0 : index
    %get3A_83 = arith.constant 0 : index
    %get3A_84 = vector.load %arg8[%get3A_82, %get3A_83] : memref<1x214xf32, #tpu.memory_space<vmem>>, vector<1x214xf32>
    %add3A_85 = vector.broadcast %get3A_84 : vector<1x214xf32> to vector<128x214xf32>
    %add3A_86 = arith.addf %dot_general3A_81, %add3A_85 : vector<128x214xf32>
    %exp3A_87 = math.exp %add3A_86 : vector<128x214xf32>
    %dot_general3A_88 = arith.constant dense<0.000000e+00> : vector<128x1xf32>
    %dot_general3A_89 = tpu.matmul %exp3A_87, %broadcast_in_dim3A_11, %dot_general3A_88 {dimension_numbers = #tpu.dot_dimension_numbers<[1], [0], [0], [1], [0, 0, 1, 1], [], []>, transpose_lhs_hint = false} : vector<128x214xf32>, vector<214x1xf32>, vector<128x1xf32> -> vector<128x1xf32>
    %log3A_90 = math.log %dot_general3A_89 : vector<128x1xf32>
    %sub3A_91 = vector.broadcast %log3A_90 : vector<128x1xf32> to vector<128x214xf32>
    %sub3A_92 = arith.subf %add3A_86, %sub3A_91 : vector<128x214xf32>
    %swap3A_93 = arith.constant 128 : index
    %swap3A_94 = arith.constant 0 : index
    %swap3A_95 = vector.load %arg9[%swap3A_93, %swap3A_94] : memref<1024x214xf32, #tpu.memory_space<vmem>>, vector<128x214xf32>
    tpu.vector_store %arg9[%swap3A_93, %swap3A_94], %sub3A_92 {strides = array<i32>} : memref<1024x214xf32, #tpu.memory_space<vmem>>, vector<128x214xf32>,
    %swap3A_96 = arith.constant 128 : index
    %swap3A_97 = arith.constant 0 : index
    %swap3A_98 = vector.load %arg10[%swap3A_96, %swap3A_97] : memref<1024x214xf32, #tpu.memory_space<vmem>>, vector<128x214xf32>
    tpu.vector_store %arg10[%swap3A_96, %swap3A_97], %add3A_86 {strides = array<i32>} : memref<1024x214xf32, #tpu.memory_space<vmem>>, vector<128x214xf32>,
    %get3A_99 = arith.constant 2 : index
    %get3A_100 = arith.constant 0 : index
    %get3A_101 = vector.load %arg1[%get3A_99, %get3A_100] : memref<8x128xf32, #tpu.memory_space<vmem>>, vector<1x128xf32>
    %mul3A_102 = vector.broadcast %get3A_1 : vector<214x1xf32> to vector<214x128xf32>
    %mul3A_103 = vector.broadcast %get3A_101 : vector<1x128xf32> to vector<214x128xf32>
    %mul3A_104 = arith.mulf %mul3A_102, %mul3A_103 : vector<214x128xf32>
    %get3A_105 = arith.constant 2 : index
    %get3A_106 = arith.constant 0 : index
    %get3A_107 = vector.load %arg2[%get3A_105, %get3A_106] : memref<8x128xf32, #tpu.memory_space<vmem>>, vector<1x128xf32>
    %mul3A_108 = vector.broadcast %get3A_4 : vector<214x1xf32> to vector<214x128xf32>
    %mul3A_109 = vector.broadcast %get3A_107 : vector<1x128xf32> to vector<214x128xf32>
    %mul3A_110 = arith.mulf %mul3A_108, %mul3A_109 : vector<214x128xf32>
    %add3A_111 = arith.addf %mul3A_104, %mul3A_110 : vector<214x128xf32>
    %get3A_112 = arith.constant 0 : index
    %get3A_113 = arith.constant 0 : index
    %get3A_114 = vector.load %arg4[%get3A_112, %get3A_113] : memref<214x1xf32, #tpu.memory_space<vmem>>, vector<214x1xf32>
    %add3A_115 = vector.broadcast %get3A_114 : vector<214x1xf32> to vector<214x128xf32>
    %add3A_116 = arith.addf %add3A_111, %add3A_115 : vector<214x128xf32>
    %max3A_117 = arith.constant 0.000000e+00 : f32
    %max3A_118 = vector.broadcast %max3A_117 : f32 to vector<214x128xf32>
    %max3A_119 = arith.maximumf %add3A_116, %max3A_118 : vector<214x128xf32>
    %mul3A_120 = vector.broadcast %get3A_7 : vector<214x1xf32> to vector<214x128xf32>
    %mul3A_121 = arith.mulf %max3A_119, %mul3A_120 : vector<214x128xf32>
    %add3A_122 = vector.broadcast %get3A_10 : vector<214x1xf32> to vector<214x128xf32>
    %add3A_123 = arith.addf %mul3A_121, %add3A_122 : vector<214x128xf32>
    %convert_element_type3A_124 = arith.truncf %add3A_123 : vector<214x128xf32> to vector<214x128xbf16>
    %get3A_125 = arith.constant 0 : index
    %get3A_126 = arith.constant 0 : index
    %get3A_127 = vector.load %arg7[%get3A_125, %get3A_126] : memref<214x214xbf16, #tpu.memory_space<vmem>>, vector<214x214xbf16>
    %dot_general3A_128 = arith.constant dense<0.000000e+00> : vector<128x214xf32>
    %dot_general3A_129 = tpu.matmul %convert_element_type3A_124, %get3A_127, %dot_general3A_128 {dimension_numbers = #tpu.dot_dimension_numbers<[0], [0], [1], [1], [0, 1, 1, 1], [], []>, transpose_lhs_hint = false} : vector<214x128xbf16>, vector<214x214xbf16>, vector<128x214xf32> -> vector<128x214xf32>
    %get3A_130 = arith.constant 0 : index
    %get3A_131 = arith.constant 0 : index
    %get3A_132 = vector.load %arg8[%get3A_130, %get3A_131] : memref<1x214xf32, #tpu.memory_space<vmem>>, vector<1x214xf32>
    %add3A_133 = vector.broadcast %get3A_132 : vector<1x214xf32> to vector<128x214xf32>
    %add3A_134 = arith.addf %dot_general3A_129, %add3A_133 : vector<128x214xf32>
    %exp3A_135 = math.exp %add3A_134 : vector<128x214xf32>
    %dot_general3A_136 = arith.constant dense<0.000000e+00> : vector<128x1xf32>
    %dot_general3A_137 = tpu.matmul %exp3A_135, %broadcast_in_dim3A_11, %dot_general3A_136 {dimension_numbers = #tpu.dot_dimension_numbers<[1], [0], [0], [1], [0, 0, 1, 1], [], []>, transpose_lhs_hint = false} : vector<128x214xf32>, vector<214x1xf32>, vector<128x1xf32> -> vector<128x1xf32>
    %log3A_138 = math.log %dot_general3A_137 : vector<128x1xf32>
    %sub3A_139 = vector.broadcast %log3A_138 : vector<128x1xf32> to vector<128x214xf32>
    %sub3A_140 = arith.subf %add3A_134, %sub3A_139 : vector<128x214xf32>
    %swap3A_141 = arith.constant 256 : index
    %swap3A_142 = arith.constant 0 : index
    %swap3A_143 = vector.load %arg9[%swap3A_141, %swap3A_142] : memref<1024x214xf32, #tpu.memory_space<vmem>>, vector<128x214xf32>
    tpu.vector_store %arg9[%swap3A_141, %swap3A_142], %sub3A_140 {strides = array<i32>} : memref<1024x214xf32, #tpu.memory_space<vmem>>, vector<128x214xf32>,
    %swap3A_144 = arith.constant 256 : index
    %swap3A_145 = arith.constant 0 : index
    %swap3A_146 = vector.load %arg10[%swap3A_144, %swap3A_145] : memref<1024x214xf32, #tpu.memory_space<vmem>>, vector<128x214xf32>
    tpu.vector_store %arg10[%swap3A_144, %swap3A_145], %add3A_134 {strides = array<i32>} : memref<1024x214xf32, #tpu.memory_space<vmem>>, vector<128x214xf32>,
    %get3A_147 = arith.constant 3 : index
    %get3A_148 = arith.constant 0 : index
    %get3A_149 = vector.load %arg1[%get3A_147, %get3A_148] : memref<8x128xf32, #tpu.memory_space<vmem>>, vector<1x128xf32>
    %mul3A_150 = vector.broadcast %get3A_1 : vector<214x1xf32> to vector<214x128xf32>
    %mul3A_151 = vector.broadcast %get3A_149 : vector<1x128xf32> to vector<214x128xf32>
    %mul3A_152 = arith.mulf %mul3A_150, %mul3A_151 : vector<214x128xf32>
    %get3A_153 = arith.constant 3 : index
    %get3A_154 = arith.constant 0 : index
    %get3A_155 = vector.load %arg2[%get3A_153, %get3A_154] : memref<8x128xf32, #tpu.memory_space<vmem>>, vector<1x128xf32>
    %mul3A_156 = vector.broadcast %get3A_4 : vector<214x1xf32> to vector<214x128xf32>
    %mul3A_157 = vector.broadcast %get3A_155 : vector<1x128xf32> to vector<214x128xf32>
    %mul3A_158 = arith.mulf %mul3A_156, %mul3A_157 : vector<214x128xf32>
    %add3A_159 = arith.addf %mul3A_152, %mul3A_158 : vector<214x128xf32>
    %get3A_160 = arith.constant 0 : index
    %get3A_161 = arith.constant 0 : index
    %get3A_162 = vector.load %arg4[%get3A_160, %get3A_161] : memref<214x1xf32, #tpu.memory_space<vmem>>, vector<214x1xf32>
    %add3A_163 = vector.broadcast %get3A_162 : vector<214x1xf32> to vector<214x128xf32>
    %add3A_164 = arith.addf %add3A_159, %add3A_163 : vector<214x128xf32>
    %max3A_165 = arith.constant 0.000000e+00 : f32
    %max3A_166 = vector.broadcast %max3A_165 : f32 to vector<214x128xf32>
    %max3A_167 = arith.maximumf %add3A_164, %max3A_166 : vector<214x128xf32>
    %mul3A_168 = vector.broadcast %get3A_7 : vector<214x1xf32> to vector<214x128xf32>
    %mul3A_169 = arith.mulf %max3A_167, %mul3A_168 : vector<214x128xf32>
    %add3A_170 = vector.broadcast %get3A_10 : vector<214x1xf32> to vector<214x128xf32>
    %add3A_171 = arith.addf %mul3A_169, %add3A_170 : vector<214x128xf32>
    %convert_element_type3A_172 = arith.truncf %add3A_171 : vector<214x128xf32> to vector<214x128xbf16>
    %get3A_173 = arith.constant 0 : index
    %get3A_174 = arith.constant 0 : index
    %get3A_175 = vector.load %arg7[%get3A_173, %get3A_174] : memref<214x214xbf16, #tpu.memory_space<vmem>>, vector<214x214xbf16>
    %dot_general3A_176 = arith.constant dense<0.000000e+00> : vector<128x214xf32>
    %dot_general3A_177 = tpu.matmul %convert_element_type3A_172, %get3A_175, %dot_general3A_176 {dimension_numbers = #tpu.dot_dimension_numbers<[0], [0], [1], [1], [0, 1, 1, 1], [], []>, transpose_lhs_hint = false} : vector<214x128xbf16>, vector<214x214xbf16>, vector<128x214xf32> -> vector<128x214xf32>
    %get3A_178 = arith.constant 0 : index
    %get3A_179 = arith.constant 0 : index
    %get3A_180 = vector.load %arg8[%get3A_178, %get3A_179] : memref<1x214xf32, #tpu.memory_space<vmem>>, vector<1x214xf32>
    %add3A_181 = vector.broadcast %get3A_180 : vector<1x214xf32> to vector<128x214xf32>
    %add3A_182 = arith.addf %dot_general3A_177, %add3A_181 : vector<128x214xf32>
    %exp3A_183 = math.exp %add3A_182 : vector<128x214xf32>
    %dot_general3A_184 = arith.constant dense<0.000000e+00> : vector<128x1xf32>
    %dot_general3A_185 = tpu.matmul %exp3A_183, %broadcast_in_dim3A_11, %dot_general3A_184 {dimension_numbers = #tpu.dot_dimension_numbers<[1], [0], [0], [1], [0, 0, 1, 1], [], []>, transpose_lhs_hint = false} : vector<128x214xf32>, vector<214x1xf32>, vector<128x1xf32> -> vector<128x1xf32>
    %log3A_186 = math.log %dot_general3A_185 : vector<128x1xf32>
    %sub3A_187 = vector.broadcast %log3A_186 : vector<128x1xf32> to vector<128x214xf32>
    %sub3A_188 = arith.subf %add3A_182, %sub3A_187 : vector<128x214xf32>
    %swap3A_189 = arith.constant 384 : index
    %swap3A_190 = arith.constant 0 : index
    %swap3A_191 = vector.load %arg9[%swap3A_189, %swap3A_190] : memref<1024x214xf32, #tpu.memory_space<vmem>>, vector<128x214xf32>
    tpu.vector_store %arg9[%swap3A_189, %swap3A_190], %sub3A_188 {strides = array<i32>} : memref<1024x214xf32, #tpu.memory_space<vmem>>, vector<128x214xf32>,
    %swap3A_192 = arith.constant 384 : index
    %swap3A_193 = arith.constant 0 : index
    %swap3A_194 = vector.load %arg10[%swap3A_192, %swap3A_193] : memref<1024x214xf32, #tpu.memory_space<vmem>>, vector<128x214xf32>
    tpu.vector_store %arg10[%swap3A_192, %swap3A_193], %add3A_182 {strides = array<i32>} : memref<1024x214xf32, #tpu.memory_space<vmem>>, vector<128x214xf32>,
    %get3A_195 = arith.constant 4 : index
    %get3A_196 = arith.constant 0 : index
    %get3A_197 = vector.load %arg1[%get3A_195, %get3A_196] : memref<8x128xf32, #tpu.memory_space<vmem>>, vector<1x128xf32>
    %mul3A_198 = vector.broadcast %get3A_1 : vector<214x1xf32> to vector<214x128xf32>
    %mul3A_199 = vector.broadcast %get3A_197 : vector<1x128xf32> to vector<214x128xf32>
    %mul3A_200 = arith.mulf %mul3A_198, %mul3A_199 : vector<214x128xf32>
    %get3A_201 = arith.constant 4 : index
    %get3A_202 = arith.constant 0 : index
    %get3A_203 = vector.load %arg2[%get3A_201, %get3A_202] : memref<8x128xf32, #tpu.memory_space<vmem>>, vector<1x128xf32>
    %mul3A_204 = vector.broadcast %get3A_4 : vector<214x1xf32> to vector<214x128xf32>
    %mul3A_205 = vector.broadcast %get3A_203 : vector<1x128xf32> to vector<214x128xf32>
    %mul3A_206 = arith.mulf %mul3A_204, %mul3A_205 : vector<214x128xf32>
    %add3A_207 = arith.addf %mul3A_200, %mul3A_206 : vector<214x128xf32>
    %get3A_208 = arith.constant 0 : index
    %get3A_209 = arith.constant 0 : index
    %get3A_210 = vector.load %arg4[%get3A_208, %get3A_209] : memref<214x1xf32, #tpu.memory_space<vmem>>, vector<214x1xf32>
    %add3A_211 = vector.broadcast %get3A_210 : vector<214x1xf32> to vector<214x128xf32>
    %add3A_212 = arith.addf %add3A_207, %add3A_211 : vector<214x128xf32>
    %max3A_213 = arith.constant 0.000000e+00 : f32
    %max3A_214 = vector.broadcast %max3A_213 : f32 to vector<214x128xf32>
    %max3A_215 = arith.maximumf %add3A_212, %max3A_214 : vector<214x128xf32>
    %mul3A_216 = vector.broadcast %get3A_7 : vector<214x1xf32> to vector<214x128xf32>
    %mul3A_217 = arith.mulf %max3A_215, %mul3A_216 : vector<214x128xf32>
    %add3A_218 = vector.broadcast %get3A_10 : vector<214x1xf32> to vector<214x128xf32>
    %add3A_219 = arith.addf %mul3A_217, %add3A_218 : vector<214x128xf32>
    %convert_element_type3A_220 = arith.truncf %add3A_219 : vector<214x128xf32> to vector<214x128xbf16>
    %get3A_221 = arith.constant 0 : index
    %get3A_222 = arith.constant 0 : index
    %get3A_223 = vector.load %arg7[%get3A_221, %get3A_222] : memref<214x214xbf16, #tpu.memory_space<vmem>>, vector<214x214xbf16>
    %dot_general3A_224 = arith.constant dense<0.000000e+00> : vector<128x214xf32>
    %dot_general3A_225 = tpu.matmul %convert_element_type3A_220, %get3A_223, %dot_general3A_224 {dimension_numbers = #tpu.dot_dimension_numbers<[0], [0], [1], [1], [0, 1, 1, 1], [], []>, transpose_lhs_hint = false} : vector<214x128xbf16>, vector<214x214xbf16>, vector<128x214xf32> -> vector<128x214xf32>
    %get3A_226 = arith.constant 0 : index
    %get3A_227 = arith.constant 0 : index
    %get3A_228 = vector.load %arg8[%get3A_226, %get3A_227] : memref<1x214xf32, #tpu.memory_space<vmem>>, vector<1x214xf32>
    %add3A_229 = vector.broadcast %get3A_228 : vector<1x214xf32> to vector<128x214xf32>
    %add3A_230 = arith.addf %dot_general3A_225, %add3A_229 : vector<128x214xf32>
    %exp3A_231 = math.exp %add3A_230 : vector<128x214xf32>
    %dot_general3A_232 = arith.constant dense<0.000000e+00> : vector<128x1xf32>
    %dot_general3A_233 = tpu.matmul %exp3A_231, %broadcast_in_dim3A_11, %dot_general3A_232 {dimension_numbers = #tpu.dot_dimension_numbers<[1], [0], [0], [1], [0, 0, 1, 1], [], []>, transpose_lhs_hint = false} : vector<128x214xf32>, vector<214x1xf32>, vector<128x1xf32> -> vector<128x1xf32>
    %log3A_234 = math.log %dot_general3A_233 : vector<128x1xf32>
    %sub3A_235 = vector.broadcast %log3A_234 : vector<128x1xf32> to vector<128x214xf32>
    %sub3A_236 = arith.subf %add3A_230, %sub3A_235 : vector<128x214xf32>
    %swap3A_237 = arith.constant 512 : index
    %swap3A_238 = arith.constant 0 : index
    %swap3A_239 = vector.load %arg9[%swap3A_237, %swap3A_238] : memref<1024x214xf32, #tpu.memory_space<vmem>>, vector<128x214xf32>
    tpu.vector_store %arg9[%swap3A_237, %swap3A_238], %sub3A_236 {strides = array<i32>} : memref<1024x214xf32, #tpu.memory_space<vmem>>, vector<128x214xf32>,
    %swap3A_240 = arith.constant 512 : index
    %swap3A_241 = arith.constant 0 : index
    %swap3A_242 = vector.load %arg10[%swap3A_240, %swap3A_241] : memref<1024x214xf32, #tpu.memory_space<vmem>>, vector<128x214xf32>
    tpu.vector_store %arg10[%swap3A_240, %swap3A_241], %add3A_230 {strides = array<i32>} : memref<1024x214xf32, #tpu.memory_space<vmem>>, vector<128x214xf32>,
    %get3A_243 = arith.constant 5 : index
    %get3A_244 = arith.constant 0 : index
    %get3A_245 = vector.load %arg1[%get3A_243, %get3A_244] : memref<8x128xf32, #tpu.memory_space<vmem>>, vector<1x128xf32>
    %mul3A_246 = vector.broadcast %get3A_1 : vector<214x1xf32> to vector<214x128xf32>
    %mul3A_247 = vector.broadcast %get3A_245 : vector<1x128xf32> to vector<214x128xf32>
    %mul3A_248 = arith.mulf %mul3A_246, %mul3A_247 : vector<214x128xf32>
    %get3A_249 = arith.constant 5 : index
    %get3A_250 = arith.constant 0 : index
    %get3A_251 = vector.load %arg2[%get3A_249, %get3A_250] : memref<8x128xf32, #tpu.memory_space<vmem>>, vector<1x128xf32>
    %mul3A_252 = vector.broadcast %get3A_4 : vector<214x1xf32> to vector<214x128xf32>
    %mul3A_253 = vector.broadcast %get3A_251 : vector<1x128xf32> to vector<214x128xf32>
    %mul3A_254 = arith.mulf %mul3A_252, %mul3A_253 : vector<214x128xf32>
    %add3A_255 = arith.addf %mul3A_248, %mul3A_254 : vector<214x128xf32>
    %get3A_256 = arith.constant 0 : index
    %get3A_257 = arith.constant 0 : index
    %get3A_258 = vector.load %arg4[%get3A_256, %get3A_257] : memref<214x1xf32, #tpu.memory_space<vmem>>, vector<214x1xf32>
    %add3A_259 = vector.broadcast %get3A_258 : vector<214x1xf32> to vector<214x128xf32>
    %add3A_260 = arith.addf %add3A_255, %add3A_259 : vector<214x128xf32>
    %max3A_261 = arith.constant 0.000000e+00 : f32
    %max3A_262 = vector.broadcast %max3A_261 : f32 to vector<214x128xf32>
    %max3A_263 = arith.maximumf %add3A_260, %max3A_262 : vector<214x128xf32>
    %mul3A_264 = vector.broadcast %get3A_7 : vector<214x1xf32> to vector<214x128xf32>
    %mul3A_265 = arith.mulf %max3A_263, %mul3A_264 : vector<214x128xf32>
    %add3A_266 = vector.broadcast %get3A_10 : vector<214x1xf32> to vector<214x128xf32>
    %add3A_267 = arith.addf %mul3A_265, %add3A_266 : vector<214x128xf32>
    %convert_element_type3A_268 = arith.truncf %add3A_267 : vector<214x128xf32> to vector<214x128xbf16>
    %get3A_269 = arith.constant 0 : index
    %get3A_270 = arith.constant 0 : index
    %get3A_271 = vector.load %arg7[%get3A_269, %get3A_270] : memref<214x214xbf16, #tpu.memory_space<vmem>>, vector<214x214xbf16>
    %dot_general3A_272 = arith.constant dense<0.000000e+00> : vector<128x214xf32>
    %dot_general3A_273 = tpu.matmul %convert_element_type3A_268, %get3A_271, %dot_general3A_272 {dimension_numbers = #tpu.dot_dimension_numbers<[0], [0], [1], [1], [0, 1, 1, 1], [], []>, transpose_lhs_hint = false} : vector<214x128xbf16>, vector<214x214xbf16>, vector<128x214xf32> -> vector<128x214xf32>
    %get3A_274 = arith.constant 0 : index
    %get3A_275 = arith.constant 0 : index
    %get3A_276 = vector.load %arg8[%get3A_274, %get3A_275] : memref<1x214xf32, #tpu.memory_space<vmem>>, vector<1x214xf32>
    %add3A_277 = vector.broadcast %get3A_276 : vector<1x214xf32> to vector<128x214xf32>
    %add3A_278 = arith.addf %dot_general3A_273, %add3A_277 : vector<128x214xf32>
    %exp3A_279 = math.exp %add3A_278 : vector<128x214xf32>
    %dot_general3A_280 = arith.constant dense<0.000000e+00> : vector<128x1xf32>
    %dot_general3A_281 = tpu.matmul %exp3A_279, %broadcast_in_dim3A_11, %dot_general3A_280 {dimension_numbers = #tpu.dot_dimension_numbers<[1], [0], [0], [1], [0, 0, 1, 1], [], []>, transpose_lhs_hint = false} : vector<128x214xf32>, vector<214x1xf32>, vector<128x1xf32> -> vector<128x1xf32>
    %log3A_282 = math.log %dot_general3A_281 : vector<128x1xf32>
    %sub3A_283 = vector.broadcast %log3A_282 : vector<128x1xf32> to vector<128x214xf32>
    %sub3A_284 = arith.subf %add3A_278, %sub3A_283 : vector<128x214xf32>
    %swap3A_285 = arith.constant 640 : index
    %swap3A_286 = arith.constant 0 : index
    %swap3A_287 = vector.load %arg9[%swap3A_285, %swap3A_286] : memref<1024x214xf32, #tpu.memory_space<vmem>>, vector<128x214xf32>
    tpu.vector_store %arg9[%swap3A_285, %swap3A_286], %sub3A_284 {strides = array<i32>} : memref<1024x214xf32, #tpu.memory_space<vmem>>, vector<128x214xf32>,
    %swap3A_288 = arith.constant 640 : index
    %swap3A_289 = arith.constant 0 : index
    %swap3A_290 = vector.load %arg10[%swap3A_288, %swap3A_289] : memref<1024x214xf32, #tpu.memory_space<vmem>>, vector<128x214xf32>
    tpu.vector_store %arg10[%swap3A_288, %swap3A_289], %add3A_278 {strides = array<i32>} : memref<1024x214xf32, #tpu.memory_space<vmem>>, vector<128x214xf32>,
    %get3A_291 = arith.constant 6 : index
    %get3A_292 = arith.constant 0 : index
    %get3A_293 = vector.load %arg1[%get3A_291, %get3A_292] : memref<8x128xf32, #tpu.memory_space<vmem>>, vector<1x128xf32>
    %mul3A_294 = vector.broadcast %get3A_1 : vector<214x1xf32> to vector<214x128xf32>
    %mul3A_295 = vector.broadcast %get3A_293 : vector<1x128xf32> to vector<214x128xf32>
    %mul3A_296 = arith.mulf %mul3A_294, %mul3A_295 : vector<214x128xf32>
    %get3A_297 = arith.constant 6 : index
    %get3A_298 = arith.constant 0 : index
    %get3A_299 = vector.load %arg2[%get3A_297, %get3A_298] : memref<8x128xf32, #tpu.memory_space<vmem>>, vector<1x128xf32>
    %mul3A_300 = vector.broadcast %get3A_4 : vector<214x1xf32> to vector<214x128xf32>
    %mul3A_301 = vector.broadcast %get3A_299 : vector<1x128xf32> to vector<214x128xf32>
    %mul3A_302 = arith.mulf %mul3A_300, %mul3A_301 : vector<214x128xf32>
    %add3A_303 = arith.addf %mul3A_296, %mul3A_302 : vector<214x128xf32>
    %get3A_304 = arith.constant 0 : index
    %get3A_305 = arith.constant 0 : index
    %get3A_306 = vector.load %arg4[%get3A_304, %get3A_305] : memref<214x1xf32, #tpu.memory_space<vmem>>, vector<214x1xf32>
    %add3A_307 = vector.broadcast %get3A_306 : vector<214x1xf32> to vector<214x128xf32>
    %add3A_308 = arith.addf %add3A_303, %add3A_307 : vector<214x128xf32>
    %max3A_309 = arith.constant 0.000000e+00 : f32
    %max3A_310 = vector.broadcast %max3A_309 : f32 to vector<214x128xf32>
    %max3A_311 = arith.maximumf %add3A_308, %max3A_310 : vector<214x128xf32>
    %mul3A_312 = vector.broadcast %get3A_7 : vector<214x1xf32> to vector<214x128xf32>
    %mul3A_313 = arith.mulf %max3A_311, %mul3A_312 : vector<214x128xf32>
    %add3A_314 = vector.broadcast %get3A_10 : vector<214x1xf32> to vector<214x128xf32>
    %add3A_315 = arith.addf %mul3A_313, %add3A_314 : vector<214x128xf32>
    %convert_element_type3A_316 = arith.truncf %add3A_315 : vector<214x128xf32> to vector<214x128xbf16>
    %get3A_317 = arith.constant 0 : index
    %get3A_318 = arith.constant 0 : index
    %get3A_319 = vector.load %arg7[%get3A_317, %get3A_318] : memref<214x214xbf16, #tpu.memory_space<vmem>>, vector<214x214xbf16>
    %dot_general3A_320 = arith.constant dense<0.000000e+00> : vector<128x214xf32>
    %dot_general3A_321 = tpu.matmul %convert_element_type3A_316, %get3A_319, %dot_general3A_320 {dimension_numbers = #tpu.dot_dimension_numbers<[0], [0], [1], [1], [0, 1, 1, 1], [], []>, transpose_lhs_hint = false} : vector<214x128xbf16>, vector<214x214xbf16>, vector<128x214xf32> -> vector<128x214xf32>
    %get3A_322 = arith.constant 0 : index
    %get3A_323 = arith.constant 0 : index
    %get3A_324 = vector.load %arg8[%get3A_322, %get3A_323] : memref<1x214xf32, #tpu.memory_space<vmem>>, vector<1x214xf32>
    %add3A_325 = vector.broadcast %get3A_324 : vector<1x214xf32> to vector<128x214xf32>
    %add3A_326 = arith.addf %dot_general3A_321, %add3A_325 : vector<128x214xf32>
    %exp3A_327 = math.exp %add3A_326 : vector<128x214xf32>
    %dot_general3A_328 = arith.constant dense<0.000000e+00> : vector<128x1xf32>
    %dot_general3A_329 = tpu.matmul %exp3A_327, %broadcast_in_dim3A_11, %dot_general3A_328 {dimension_numbers = #tpu.dot_dimension_numbers<[1], [0], [0], [1], [0, 0, 1, 1], [], []>, transpose_lhs_hint = false} : vector<128x214xf32>, vector<214x1xf32>, vector<128x1xf32> -> vector<128x1xf32>
    %log3A_330 = math.log %dot_general3A_329 : vector<128x1xf32>
    %sub3A_331 = vector.broadcast %log3A_330 : vector<128x1xf32> to vector<128x214xf32>
    %sub3A_332 = arith.subf %add3A_326, %sub3A_331 : vector<128x214xf32>
    %swap3A_333 = arith.constant 768 : index
    %swap3A_334 = arith.constant 0 : index
    %swap3A_335 = vector.load %arg9[%swap3A_333, %swap3A_334] : memref<1024x214xf32, #tpu.memory_space<vmem>>, vector<128x214xf32>
    tpu.vector_store %arg9[%swap3A_333, %swap3A_334], %sub3A_332 {strides = array<i32>} : memref<1024x214xf32, #tpu.memory_space<vmem>>, vector<128x214xf32>,
    %swap3A_336 = arith.constant 768 : index
    %swap3A_337 = arith.constant 0 : index
    %swap3A_338 = vector.load %arg10[%swap3A_336, %swap3A_337] : memref<1024x214xf32, #tpu.memory_space<vmem>>, vector<128x214xf32>
    tpu.vector_store %arg10[%swap3A_336, %swap3A_337], %add3A_326 {strides = array<i32>} : memref<1024x214xf32, #tpu.memory_space<vmem>>, vector<128x214xf32>,
    %get3A_339 = arith.constant 7 : index
    %get3A_340 = arith.constant 0 : index
    %get3A_341 = vector.load %arg1[%get3A_339, %get3A_340] : memref<8x128xf32, #tpu.memory_space<vmem>>, vector<1x128xf32>
    %mul3A_342 = vector.broadcast %get3A_1 : vector<214x1xf32> to vector<214x128xf32>
    %mul3A_343 = vector.broadcast %get3A_341 : vector<1x128xf32> to vector<214x128xf32>
    %mul3A_344 = arith.mulf %mul3A_342, %mul3A_343 : vector<214x128xf32>
    %get3A_345 = arith.constant 7 : index
    %get3A_346 = arith.constant 0 : index
    %get3A_347 = vector.load %arg2[%get3A_345, %get3A_346] : memref<8x128xf32, #tpu.memory_space<vmem>>, vector<1x128xf32>
    %mul3A_348 = vector.broadcast %get3A_4 : vector<214x1xf32> to vector<214x128xf32>
    %mul3A_349 = vector.broadcast %get3A_347 : vector<1x128xf32> to vector<214x128xf32>
    %mul3A_350 = arith.mulf %mul3A_348, %mul3A_349 : vector<214x128xf32>
    %add3A_351 = arith.addf %mul3A_344, %mul3A_350 : vector<214x128xf32>
    %get3A_352 = arith.constant 0 : index
    %get3A_353 = arith.constant 0 : index
    %get3A_354 = vector.load %arg4[%get3A_352, %get3A_353] : memref<214x1xf32, #tpu.memory_space<vmem>>, vector<214x1xf32>
    %add3A_355 = vector.broadcast %get3A_354 : vector<214x1xf32> to vector<214x128xf32>
    %add3A_356 = arith.addf %add3A_351, %add3A_355 : vector<214x128xf32>
    %max3A_357 = arith.constant 0.000000e+00 : f32
    %max3A_358 = vector.broadcast %max3A_357 : f32 to vector<214x128xf32>
    %max3A_359 = arith.maximumf %add3A_356, %max3A_358 : vector<214x128xf32>
    %mul3A_360 = vector.broadcast %get3A_7 : vector<214x1xf32> to vector<214x128xf32>
    %mul3A_361 = arith.mulf %max3A_359, %mul3A_360 : vector<214x128xf32>
    %add3A_362 = vector.broadcast %get3A_10 : vector<214x1xf32> to vector<214x128xf32>
    %add3A_363 = arith.addf %mul3A_361, %add3A_362 : vector<214x128xf32>
    %convert_element_type3A_364 = arith.truncf %add3A_363 : vector<214x128xf32> to vector<214x128xbf16>
    %get3A_365 = arith.constant 0 : index
    %get3A_366 = arith.constant 0 : index
    %get3A_367 = vector.load %arg7[%get3A_365, %get3A_366] : memref<214x214xbf16, #tpu.memory_space<vmem>>, vector<214x214xbf16>
    %dot_general3A_368 = arith.constant dense<0.000000e+00> : vector<128x214xf32>
    %dot_general3A_369 = tpu.matmul %convert_element_type3A_364, %get3A_367, %dot_general3A_368 {dimension_numbers = #tpu.dot_dimension_numbers<[0], [0], [1], [1], [0, 1, 1, 1], [], []>, transpose_lhs_hint = false} : vector<214x128xbf16>, vector<214x214xbf16>, vector<128x214xf32> -> vector<128x214xf32>
    %get3A_370 = arith.constant 0 : index
    %get3A_371 = arith.constant 0 : index
    %get3A_372 = vector.load %arg8[%get3A_370, %get3A_371] : memref<1x214xf32, #tpu.memory_space<vmem>>, vector<1x214xf32>
    %add3A_373 = vector.broadcast %get3A_372 : vector<1x214xf32> to vector<128x214xf32>
    %add3A_374 = arith.addf %dot_general3A_369, %add3A_373 : vector<128x214xf32>
    %exp3A_375 = math.exp %add3A_374 : vector<128x214xf32>
    %dot_general3A_376 = arith.constant dense<0.000000e+00> : vector<128x1xf32>
    %dot_general3A_377 = tpu.matmul %exp3A_375, %broadcast_in_dim3A_11, %dot_general3A_376 {dimension_numbers = #tpu.dot_dimension_numbers<[1], [0], [0], [1], [0, 0, 1, 1], [], []>, transpose_lhs_hint = false} : vector<128x214xf32>, vector<214x1xf32>, vector<128x1xf32> -> vector<128x1xf32>
    %log3A_378 = math.log %dot_general3A_377 : vector<128x1xf32>
    %sub3A_379 = vector.broadcast %log3A_378 : vector<128x1xf32> to vector<128x214xf32>
    %sub3A_380 = arith.subf %add3A_374, %sub3A_379 : vector<128x214xf32>
    %swap3A_381 = arith.constant 896 : index
    %swap3A_382 = arith.constant 0 : index
    %swap3A_383 = vector.load %arg9[%swap3A_381, %swap3A_382] : memref<1024x214xf32, #tpu.memory_space<vmem>>, vector<128x214xf32>
    tpu.vector_store %arg9[%swap3A_381, %swap3A_382], %sub3A_380 {strides = array<i32>} : memref<1024x214xf32, #tpu.memory_space<vmem>>, vector<128x214xf32>,
    %swap3A_384 = arith.constant 896 : index
    %swap3A_385 = arith.constant 0 : index
    %swap3A_386 = vector.load %arg10[%swap3A_384, %swap3A_385] : memref<1024x214xf32, #tpu.memory_space<vmem>>, vector<128x214xf32>
    tpu.vector_store %arg10[%swap3A_384, %swap3A_385], %add3A_374 {strides = array<i32>} : memref<1024x214xf32, #tpu.memory_space<vmem>>, vector<128x214xf32>,
    return
  }
  func.func @transform_0(%arg0: i32) -> (i32, i32) {
    %c0_i32 = arith.constant 0 : i32
    %c0_i32_0 = arith.constant 0 : i32
    return %arg0, %c0_i32 : i32, i32
  }
  func.func @transform_1(%arg0: i32) -> (i32, i32) {
    %c0_i32 = arith.constant 0 : i32
    %c0_i32_0 = arith.constant 0 : i32
    return %arg0, %c0_i32 : i32, i32
  }
  func.func @transform_2(%arg0: i32) -> (i32, i32) {
    %c0_i32 = arith.constant 0 : i32
    %c0_i32_0 = arith.constant 0 : i32
    %c0_i32_1 = arith.constant 0 : i32
    return %c0_i32, %c0_i32_0 : i32, i32
  }
  func.func @transform_3(%arg0: i32) -> (i32, i32) {
    %c0_i32 = arith.constant 0 : i32
    %c0_i32_0 = arith.constant 0 : i32
    %c0_i32_1 = arith.constant 0 : i32
    return %c0_i32, %c0_i32_0 : i32, i32
  }
  func.func @transform_4(%arg0: i32) -> (i32, i32) {
    %c0_i32 = arith.constant 0 : i32
    %c0_i32_0 = arith.constant 0 : i32
    %c0_i32_1 = arith.constant 0 : i32
    return %c0_i32, %c0_i32_0 : i32, i32
  }
  func.func @transform_5(%arg0: i32) -> (i32, i32) {
    %c0_i32 = arith.constant 0 : i32
    %c0_i32_0 = arith.constant 0 : i32
    %c0_i32_1 = arith.constant 0 : i32
    return %c0_i32, %c0_i32_0 : i32, i32
  }
  func.func @transform_6(%arg0: i32) -> (i32, i32) {
    %c0_i32 = arith.constant 0 : i32
    %c0_i32_0 = arith.constant 0 : i32
    %c0_i32_1 = arith.constant 0 : i32
    return %c0_i32, %c0_i32_0 : i32, i32
  }
  func.func @transform_7(%arg0: i32) -> (i32, i32) {
    %c0_i32 = arith.constant 0 : i32
    %c0_i32_0 = arith.constant 0 : i32
    %c0_i32_1 = arith.constant 0 : i32
    return %c0_i32, %c0_i32_0 : i32, i32
  }
  func.func @transform_8(%arg0: i32) -> (i32, i32) {
    %c0_i32 = arith.constant 0 : i32
    %c0_i32_0 = arith.constant 0 : i32
    return %arg0, %c0_i32 : i32, i32
  }
  func.func @transform_9(%arg0: i32) -> (i32, i32) {
    %c0_i32 = arith.constant 0 : i32
    %c0_i32_0 = arith.constant 0 : i32
    return %arg0, %c0_i32 : i32, i32
  }
}

</mosaic_0001>

<sc_bundles>
// kernel: kernel.10.cloned.1.call-start
scs
__scs_entry_jumppad:
0x0: {  	(pc) =	sbr.rel $0x88, $3  }
0x1: {  	(tag) =	ssettag $0x0;
	lr =	simm.s32 $0x1  }
0x2: {  	[smem:$0x3F99] =	sst lr;
	_ =	strace $0xD0000000  }
0x3: {  	_ = 	snop  }
0x4: {  	_ = 	snop  }
0x5: {  	_ = 	snop  }
0x6: {  	_ = 	snop  }
0x7: {  	_ = 	snop  }
__scs_overlays_trampoline_lowered:
0x8: {  	[smem:$0x3FA8] =	sst s0  }
0x9: {  	[smem:$0x3FA9] =	sst s1  }
0xa: {  	[smem:$0x3FAA] =	sst s2  }
0xb: {  	[smem:$0x3FAB] =	sst s3  }
0xc: {  	[smem:$0x3FAC] =	sst s4  }
0xd: {  	[smem:$0x3FAD] =	sst s5  }
0xe: {  	[smem:$0x3FAE] =	sst s6  }
0xf: {  	[smem:$0x3FAF] =	sst s7  }
0x10: {  	[smem:$0x3FB0] =	sst s8  }
0x11: {  	[smem:$0x3FB1] =	sst s9;
	s0 =	simm.s32 @!p0 $0x0  }
0x12: {  	s1 =	sld [smem:$0x3F97];
	s0 =	simm.s32 @p0 $0x1  }
0x13: {  	[smem:$0x3FB2] =	sst s0;
	s0 =	simm.s32 @!p1 $0x0  }
0x14: {  	s2 =	sld [smem:$0x3F96];
	s0 =	simm.s32 @p1 $0x1  }
0x15: {  	[smem:$0x3FB3] =	sst s0;
	s0 =	simm.s32 @!p2 $0x0  }
0x16: {  	s3 =	sld [smem:$0x3FDB];
	s0 =	simm.s32 @p2 $0x1  }
0x17: {  	s4 =	simm.s32 $0x1BF5;
	[smem:$0x3FB5] =	sst s0  }
0x18: {  	s0 =	sld [smem:$0x3F98];
	_ =	swait.ge [sflag:s4], $0x0  }
0x19: {  	s7 =	sld [smem:$0x3F99]  }
0x1a: {  	s8 =	sadd.s32 $0xFFFFE003, lr  }
0x1b: {  	s9 =	sadd.s32 $0xFFFFFEF7, lr;
	s5 =	simm.s32 $0xFFFFFFFF;
	p2 =	slt.u32 s8, $0xFFFFF086  }
0x1c: {  	p1 =	slt.u32 s9, $0xF7A;
	s5 =	simm.s32 @!p2 $0x0  }
0x1d: {  	s5 =	simm.s32 @p1 $0x1;
	p0 =	seq.s32 s7, s2  }
0x1e: {  	s7 =	smul.u32 @!p0 $0xF7A, s2;
	p2 =	seq.s32 @!p0 s5, $0x0  }
0x1f: {  	s9 =	smul.u32 $0xF7A, s1;
	s8 =	simm.s32 @!p0 $0x1BF5;
	p2 =	por !p2, p0  }
0x20: {  	[sflag:s8] =	ssyncset.s32 @!p0 $0xFFFFF086;
	s6 =	sadd.s32 @!p0 s3, s7;
	s7 =	simm.s32 @!p0 $0x108  }
0x21: {  	s3 =	sadd.s32 s3, s9;
	s6 =	sadd.s32 @!p0 $0x88, s6;
	s7 =	simm.s32 @p2 $0x1082  }
0x22: {  	[simem:s7], [sflag:s8] =	dma.local @!p0 [hbm:s6], $0xF7A  }
0x23: {  	s9 =	sor.u32 $0xD0000000, s2;
	s6 =	simm.s32 $0x108;
	_ =	swait.ge @!p0 [sflag:s8], $0x0  }
0x24: {  	s3 =	sadd.s32 $0x88, s3;
	s6 =	simm.s32 @!p1 $0x1082;
	[sflag:s4] =	ssyncset.s32 $0xFFFFF086  }
0x25: {  	[simem:s6], [sflag:s4] =	dma.local [hbm:s3], $0xF7A  }
0x26: {  	[smem:$0x3F99] =	sst s1;
	(tag) =	ssettag s2;
	_ =	strace s9  }
0x27: {  	s1 =	sld [smem:$0x3FA9]  }
0x28: {  	s2 =	sld [smem:$0x3FAA]  }
0x29: {  	s4 =	sld [smem:$0x3FAC]  }
0x2a: {  	p0 =	seq.s32 s5, $0x0;
	s5 =	sld [smem:$0x3FAD]  }
0x2b: {  	s6 =	sld [smem:$0x3FAE]  }
0x2c: {  	s7 =	sld [smem:$0x3FAF]  }
0x2d: {  	s3 =	simm.s32 $0x108;
	s8 =	sld [smem:$0x3FB0]  }
0x2e: {  	s3 =	simm.s32 @!p0 $0x1082;
	s9 =	sld [smem:$0x3FB1]  }
0x2f: {  	lr =	sadd.s32 s0, s3;
	s0 =	sld [smem:$0x3FA8]  }
0x30: {  	s3 =	sld [smem:$0x3FAB]  }
0x31: {  	[smem:$0x3FB4] =	sst s10  }
0x32: {  	s10 =	sld [smem:$0x3FB2];
	_ =	sdelay $0x3  }
0x33: {  	p0 =	seq.s32 s10, $0x1;
	s10 =	sld [smem:$0x3FB4];
	_ =	sdelay $0x3  }
0x34: {  	[smem:$0x3FB4] =	sst s10  }
0x35: {  	s10 =	sld [smem:$0x3FB3];
	_ =	sdelay $0x3  }
0x36: {  	p1 =	seq.s32 s10, $0x1;
	s10 =	sld [smem:$0x3FB4];
	_ =	sdelay $0x3  }
0x37: {  	[smem:$0x3FB4] =	sst s10  }
0x38: {  	s10 =	sld [smem:$0x3FB5]  }
0x39: {  	_ = 	snop;
	(pc) =	sbr.ind lr, $3  }
0x3a: {  	_ = 	snop  }
0x3b: {  	_ = 	snop  }
0x3c: {  	p2 =	seq.s32 s10, $0x1;
	s10 =	sld [smem:$0x3FB4]  }
0x3d: {  	_ =	shalt  }
0x3e: {  	_ =	shalt  }
0x3f: {  	_ =	shalt  }
0x40: {  	_ =	shalt  }
0x41: {  	_ =	shalt  }
0x42: {  	_ =	shalt  }
0x43: {  	_ =	shalt  }
0x44: {  	_ =	shalt  }
0x45: {  	_ =	shalt  }
0x46: {  	_ =	shalt  }
0x47: {  	_ =	shalt  }
0x48: {  	_ =	shalt  }
0x49: {  	_ =	shalt  }
0x4a: {  	_ =	shalt  }
0x4b: {  	_ =	shalt  }
0x4c: {  	_ =	shalt  }
0x4d: {  	_ =	shalt  }
0x4e: {  	_ =	shalt  }
0x4f: {  	_ =	shalt  }
0x50: {  	_ =	shalt  }
0x51: {  	_ =	shalt  }
0x52: {  	_ =	shalt  }
0x53: {  	_ =	shalt  }
0x54: {  	_ =	shalt  }
0x55: {  	_ =	shalt  }
0x56: {  	_ =	shalt  }
0x57: {  	_ =	shalt  }
0x58: {  	_ =	shalt  }
0x59: {  	_ =	shalt  }
0x5a: {  	_ =	shalt  }
0x5b: {  	_ =	shalt  }
0x5c: {  	_ =	shalt  }
0x5d: {  	_ =	shalt  }
0x5e: {  	_ =	shalt  }
0x5f: {  	_ =	shalt  }
0x60: {  	_ =	shalt  }
0x61: {  	_ =	shalt  }
0x62: {  	_ =	shalt  }
0x63: {  	_ =	shalt  }
0x64: {  	_ =	shalt  }
0x65: {  	_ =	shalt  }
0x66: {  	_ =	shalt  }
0x67: {  	_ =	shalt  }
0x68: {  	_ =	shalt  }
0x69: {  	_ =	shalt  }
0x6a: {  	_ =	shalt  }
0x6b: {  	_ =	shalt  }
0x6c: {  	_ =	shalt  }
0x6d: {  	_ =	shalt  }
0x6e: {  	_ =	shalt  }
0x6f: {  	_ =	shalt  }
0x70: {  	_ =	shalt  }
0x71: {  	_ =	shalt  }
0x72: {  	_ =	shalt  }
0x73: {  	_ =	shalt  }
0x74: {  	_ =	shalt  }
0x75: {  	_ =	shalt  }
0x76: {  	_ =	shalt  }
0x77: {  	_ =	shalt  }
0x78: {  	_ =	shalt  }
0x79: {  	_ =	shalt  }
0x7a: {  	_ =	shalt  }
0x7b: {  	_ =	shalt  }
0x7c: {  	_ =	shalt  }
0x7d: {  	_ =	shalt  }
0x7e: {  	_ =	shalt  }
0x7f: {  	_ =	shalt  }
0x80: {  	_ =	shalt  }
0x81: {  	_ =	shalt  }
0x82: {  	_ =	shalt  }
0x83: {  	_ =	shalt  }
0x84: {  	_ =	shalt  }
0x85: {  	_ =	shalt  }
0x86: {  	_ =	shalt  }
0x87: {  	_ =	shalt  }
.Lfunc_end0:
.L_simem_size_0:
called_computation.1_lowered:
.L_overlay_start_0:
0x88: {  	s2 =	sld [smem:$0x3FD9]  }
0x89: {  	s3 =	sld [smem:$0x3FFE];
	_ =	sdelay $0x1  }
0x8a: {  	s1 =	srdreg.scid  }
0x8b: {  	s0 =	sand.u32 $0x1, s1  }
0x8c: {  	s14 =	sshll.u32 s0, $0xA;
	s2 =	sadd.s32 s3, s2  }
0x8d: {  	s2 =	sadd.s32 s2, s14  }
0x8e: {  	[smem:$0x3FC0] =	sst s2  }
0x8f: {  	_ = 	snop  }
0x90: {  	s2 =	sld [smem:$0x3FD0];
	_ =	sdelay $0x2  }
0x91: {  	s15 =	simm.s32 $0xA;
	s4 =	simm.s32 $0x10  }
0x92: {  	[smem:s4], [sflag:s15] =	dma.local [hbm:s2], $0x1  }
0x93: {  	_ =	swait.eq [sflag:s15], $0x1  }
0x94: {  	[sflag:s15] =	ssyncset.done $0x0  }
0x95: {  	s16 =	sld [smem:$0x10];
	[sflag:s15] =	ssyncadd.s32 $0xFFFFFFFF  }
0x96: {  	s17 =	sld [smem:$0x11];
	(tm) =	ssettm $0x1  }
0x97: {  	s18 =	sld [smem:$0x3FFB];
	_ =	sdelay $0x3  }
0x98: {  	_ =	strace s18  }
0x99: {  	s4 =	sld [smem:$0x3FFC];
	_ =	sdelay $0x3  }
0x9a: {  	_ =	strace s4  }
0x9b: {  	s4 =	sld [smem:$0x3FFD];
	_ =	sdelay $0x3  }
0x9c: {  	_ =	strace s4  }
0x9d: {  	_ =	strace $0x8FFFFFFF  }
0x9e: {  	s19 =	sld [smem:$0x3FDB];
	_ =	sdelay $0x1  }
0x9f: {  	s5 =	simm.s32 $_scs_section_size  }
0xa0: {  	s6 =	simm.s32 $_size__tile_overlayer_lowered;
	s7 =	simm.s32 $_tile_overlayer_lowered  }
0xa1: {  	s22 =	simm.s32 $0x1BFF;
	s21 =	sshll.u32 s7, $0x1;
	s4 =	sadd.s32 s5, s19  }
0xa2: {  	s8 =	simm.s32 $0x0;
	s20 =	sshll.u32 s6, $0x1;
	s6 =	sadd.s32 s21, s4  }
0xa3: {  	[timem:s8], [sflag:s22] =	dma.local [hbm:s6], s20  }
0xa4: {  	_ =	swait.ge [sflag:s22], s20  }
0xa5: {  	s5 =	ssub.s32 $0x0, s20;
	[sflag:s22] =	ssyncset.done $0x0  }
0xa6: {  	[sflag:s22] =	ssyncadd.s32 s5;
	_ =	sdelay $0x1  }
0xa7: {  	s23 =	simm.s32 $0x1B8B  }
0xa8: {  	_ =	swait.ge [sflag:s23], $0x1  }
0xa9: {  	[sflag:s23] =	ssyncset.done $0x0  }
0xaa: {  	s25 =	simm.s32 $0x1B8E;
	s24 =	sld [smem:$0x3FFE];
	[sflag:s23] =	ssyncadd.s32 $0xFFFFFFFF  }
0xab: {  	s26 =	simm.s32 $execute0_lowered;
	[smem:$0x3FD2] =	sst s25  }
0xac: {  	s6 =	sshll.u32 s26, $0x1;
	_ =	strace $0x80000049;
	[dreg:$0x1] =	wrdreg $0xFFFFFFFF  }
0xad: {  	s28 =	simm.s32 $_size_execute0_lowered;
	s4 =	sadd.s32 s4, s6;
	[dreg:$0x0] =	wrdreg $0x0  }
0xae: {  	s6 =	sshll.u32 s28, $0x1;
	[dreg:$0x2] =	wrdreg s4  }
0xaf: {  	[dreg:$0x3] =	wrdreg s6  }
0xb0: {  	[dreg:$0x4] =	wrdreg $0xC0  }
0xb1: {  	_ =	task [dreg:s8], $0x5FFFF  }
0xb2: {  	[dreg:$0x1] =	wrdreg $0xFFFFFFFF  }
0xb3: {  	[dreg:$0x0] =	wrdreg $0x60  }
0xb4: {  	[dreg:$0x2] =	wrdreg s17  }
0xb5: {  	[dreg:$0x3] =	wrdreg s16  }
0xb6: {  	[dreg:$0x4] =	wrdreg s24  }
0xb7: {  	[dreg:$0x5] =	wrdreg $0xD1000  }
0xb8: {  	[dreg:$0x6] =	wrdreg $0xE9800  }
0xb9: {  	[dreg:$0x7] =	wrdreg $0xA0000  }
0xba: {  	[dreg:$0x8] =	wrdreg $0xB8800  }
0xbb: {  	[dreg:$0x9] =	wrdreg $0x9  }
0xbc: {  	_ =	task.clear_ibuf [dreg:s8], $0xAFFFF;
	_ =	strace $0x90000049  }
0xbd: {  	s29 =	simm.s32 $0x9;
	_ =	strace $0x8000004B  }
0xbe: {  	_ =	swait.ge [sflag:s29], $0x1  }
0xbf: {  	[sflag:s29] =	ssyncadd.s32 $0xFFFFFFFF  }
0xc0: {  	_ =	strace $0x9000004B  }
0xc1: {  	_ =	sfence  }
0xc2: {  	s30 =	sld [smem:$0x0];
	_ =	sdelay $0x2  }
0xc3: {  	s31 =	sshll.u32 s1, $0xD;
	s1 =	sshrl.u32 s1, $0x2  }
0xc4: {  	s3 =	sand.u32 $0x4000, s31;
	s1 =	sadd.s32 s1, s30  }
0xc5: {  	s0 =	sor.u32 s3, s0;
	s1 =	sshll.u32 s1, $0x11  }
0xc6: {  	s0 =	sor.u32 s1, s0  }
0xc7: {  	s0 =	sadd.s32 $0x8F2B, s0  }
0xc8: {  	[sflag:s0] =	ssyncadd.remote.s32 $0x1  }
0xc9: {  	_ =	sfence.sel $0xFFFF  }
0xca: {  	[dreg:$0x0] =	wrdreg $0xFFFFFFFF;
	(pc) =	sbr.abs _section_cstart, $3  }
0xcb: {  	[dreg:$0x1] =	wrdreg $0xFFFFFFFF  }
0xcc: {  	_ =	task.clear_ibuf [dreg:s8], $0x2FFFF;
	_ =	strace $0x9FFFFFFF  }
0xcd: {  	(tm) =	ssettm $0x7FFFFFFF  }
tec
execute0_lowered:
.L_overlay_start_1:
0x0: {  	(tag) =	ssettag $0x1  }
0x1: {  	s2 =	rddreg [dreg:$0x2]  }
0x2: {  	s4 =	rddreg [dreg:$0x3]  }
0x3: {  	s6 =	rddreg [dreg:$0x4]  }
0x4: {  	s7 =	rddreg [dreg:$0x5]  }
0x5: {  	s15 =	stileid.u32;
	s5 =	srdreg.scid  }
0x6: {  	s3 =	rddreg [dreg:$0x6];
	s8 =	simm.s32 $0x0;
	s28 =	simm.s32 $0x8  }
0x7: {  	s30 =	simm.s32 $0x800;
	s9 =	smul.u32 $0x1880, s15;
	s5 =	sand.u32 $0x1, s5  }
0x8: {  	s31 =	simm.s32 $0x6;
	[smem:$0x7FF] =	sst s8;
	s10 =	smul.u32 $0x18800, s5  }
0x9: {  	_ =	strace $0x8000004A;
	s12 =	ssub.s32 $0x2, s5;
	p0 =	seq.s32 s5, $0x0  }
0xa: {  	s5 =	smul.u32 $0x118000, s5;
	s11 =	sshrl.u32 s9, $0x3;
	s21 =	sadd.s32 s9, s4  }
0xb: {  	s13 =	sadd.s32 $0x1800, s9;
	s16 =	sadd.s32 s9, s6;
	[dreg:$0x8] =	wrdreg s21  }
0xc: {  	s26 =	sshrl.u32 s12, $0x1;
	s14 =	sadd.s32 s13, s4;
	[dreg:$0xa] =	wrdreg s16  }
0xd: {  	s29 =	sadd.s32 s9, s7;
	s13 =	sadd.s32 s13, s6;
	[dreg:$0x9] =	wrdreg s14  }
0xe: {  	s10 =	sadd.s32 s9, s10;
	s22 =	sadd.s32 $0x800, s21;
	[dreg:$0xb] =	wrdreg s13  }
0xf: {  	s11 =	sadd.s32 s11, s2;
	s23 =	sadd.s32 $0x1000, s21;
	[dreg:$0x12] =	wrdreg s22  }
0x10: {  	s9 =	sadd.s32 s9, s3;
	s24 =	sadd.s32 $0x800, s16;
	[dreg:$0x13] =	wrdreg s23  }
0x11: {  	s25 =	sadd.s32 $0x1000, s16;
	s10 =	sshrl.u32 s10, $0x3;
	[dreg:$0x14] =	wrdreg s24  }
0x12: {  	s0 =	sadd.s32 $0x5200, s11;
	s11 =	sadd.s32 $0x2000, s11;
	[dreg:$0x15] =	wrdreg s25  }
0x13: {  	s23 =	simm.s32 $0x5;
	s2 =	sadd.s32 s10, s2;
	[dreg:$0xc] =	wrdreg s0  }
0x14: {  	s10 =	ssub.s32 s12, s26;
	[dreg:$0xd] =	wrdreg s11;
	s26 =	sshrl.u32 s29, $0x3  }
0x15: {  	s12 =	simm.s32 $0x23;
	s29 =	sshrl.u32 s9, $0x3;
	[dreg:$0x17] =	wrdreg s26  }
0x16: {  	s9 =	simm.s32 $0x2;
	s18 =	sadd.s32 $0x8400, s2;
	[dreg:$0x18] =	wrdreg s29  }
0x17: {  	s12 =	simm.s32 @!p0 $0xF;
	s2 =	sadd.s32 $0xE600, s2;
	[dreg:$0xf] =	wrdreg s18  }
0x18: {  	s19 =	smax.u32 s10, $0x1;
	s15 =	smul.u32 s15, s12;
	[dreg:$0x10] =	wrdreg s2  }
0x19: {  	s11 =	simm.s32 $0x3;
	s1 =	smul.u32 $0x34, s12;
	[dreg:$0x11] =	wrdreg s19  }
0x1a: {  	s12 =	simm.s32 $0x3000;
	s18 =	simm.s32 $0x0;
	s20 =	sshll.u32 s15, $0xB  }
0x1b: {  	s17 =	sshrl.u32 s1, $0x8;
	s15 =	simm.s32 $0x4;
	s2 =	sadd.s32 s5, s20  }
0x1c: {  	[dreg:$0xe] =	wrdreg s17;
	s17 =	simm.s32 $0x3800;
	s2 =	sadd.s32 $0x2000, s2  }
0x1d: {  	v0 =	vimm.f32 $0.0e+00;
	s5 =	simm.s32 $0x1;
	[dreg:$0x16] =	wrdreg s2;
	s2 =	simm.s32 $0x7  }
.LBB2_1:
0x1e: {  	[dreg:$0x19] =	wrdreg s18;
	s10 =	simm.s32 $0x40;
	s14 =	simm.s32 $0x0  }
.LBB2_2:
0x1f: {  	p0 =	sne.s32 s10, $0x1FC0;
	[tilespmem:s14+$0x5000] =	vst v0;
	s14 =	smov.u32 s10;
	s10 =	sadd.s32 $0x40, s10  }
.Ltmp0:
0x20: {  	(pc) =	sbr.rel @p0 .LBB2_2-.Ltmp0, $2  }
0x21: {  	_ =	sdelay $0x2  }
0x22: {  	s14 =	sshra.s32 s14, $0x2  }
0x23: {  	[tilespmem:s14+$0x5000] =	vst v0;
	s0 =	simm.s32 $0x5000  }
0x24: {  	[spmem:s21] =	stream.linear.scatter [tilespmem:s0], [sflag:$0x8], $0x800, $0x38;
	[tilespmem:$0x10200] =	vst v63  }
0x25: {  	_ =	swait.ge [sflag:s28], $0x800  }
0x26: {  	[sflag:s28] =	ssyncset.done $0x0  }
0x27: {  	s10 =	rddreg [dreg:$0x12];
	[sflag:s28] =	ssyncadd.s32 $0xFFFFF800  }
0x28: {  	[spmem:s10] =	stream.linear.scatter [tilespmem:s0], [sflag:$0x8], $0x800, $0x38;
	[tilespmem:$0x10200] =	vst v63  }
0x29: {  	_ =	swait.ge [sflag:s28], $0x800  }
0x2a: {  	[sflag:s28] =	ssyncset.done $0x0  }
0x2b: {  	s1 =	rddreg [dreg:$0x13];
	[sflag:s28] =	ssyncadd.s32 $0xFFFFF800  }
0x2c: {  	[spmem:s1] =	stream.linear.scatter [tilespmem:s0], [sflag:$0x8], $0x800, $0x38;
	[tilespmem:$0x10200] =	vst v63  }
0x2d: {  	_ =	swait.ge [sflag:s28], $0x800  }
0x2e: {  	[sflag:s28] =	ssyncset.done $0x0  }
0x2f: {  	s13 =	rddreg [dreg:$0x9];
	[sflag:s28] =	ssyncadd.s32 $0xFFFFF800  }
0x30: {  	[spmem:s13] =	stream.linear.scatter [tilespmem:s0], [sflag:$0x8], $0x80, $0x38;
	[tilespmem:$0x10200] =	vst v63  }
0x31: {  	_ =	swait.ge [sflag:s28], $0x80  }
0x32: {  	[sflag:s28] =	ssyncset.done $0x0  }
0x33: {  	[sflag:s28] =	ssyncadd.s32 $0xFFFFFF80  }
0x34: {  	[spmem:s16] =	stream.linear.scatter [tilespmem:s0], [sflag:$0x8], $0x800, $0x38;
	[tilespmem:$0x10200] =	vst v63  }
0x35: {  	_ =	swait.ge [sflag:s28], $0x800  }
0x36: {  	[sflag:s28] =	ssyncset.done $0x0  }
0x37: {  	s16 =	rddreg [dreg:$0x14];
	[sflag:s28] =	ssyncadd.s32 $0xFFFFF800  }
0x38: {  	[spmem:s16] =	stream.linear.scatter [tilespmem:s0], [sflag:$0x8], $0x800, $0x38;
	[tilespmem:$0x10200] =	vst v63  }
0x39: {  	_ =	swait.ge [sflag:s28], $0x800  }
0x3a: {  	[sflag:s28] =	ssyncset.done $0x0  }
0x3b: {  	s18 =	rddreg [dreg:$0x15];
	[sflag:s28] =	ssyncadd.s32 $0xFFFFF800  }
0x3c: {  	[spmem:s18] =	stream.linear.scatter [tilespmem:s0], [sflag:$0x8], $0x800, $0x38;
	[tilespmem:$0x10200] =	vst v63  }
0x3d: {  	_ =	swait.ge [sflag:s28], $0x800  }
0x3e: {  	[sflag:s28] =	ssyncset.done $0x0  }
0x3f: {  	s19 =	rddreg [dreg:$0xb];
	[sflag:s28] =	ssyncadd.s32 $0xFFFFF800  }
0x40: {  	[spmem:s19] =	stream.linear.scatter [tilespmem:s0], [sflag:$0x8], $0x80, $0x38;
	[tilespmem:$0x10200] =	vst v63  }
0x41: {  	s20 =	stileid.u32;
	_ =	swait.ge [sflag:s28], $0x80  }
0x42: {  	s10 =	sshll.u32 s20, $0x6;
	[sflag:s28] =	ssyncset.done $0x0;
	s22 =	rddreg [dreg:$0xc]  }
0x43: {  	s21 =	sor.u32 $0x1C08, s10;
	s24 =	rddreg [dreg:$0x17];
	[sflag:s28] =	ssyncadd.s32 $0xFFFFFF80  }
0x44: {  	[spmem:s24], [sflag:s21] =	dma.local [hbm:s22], $0x310  }
0x45: {  	_ =	swait.ge [sflag:s28], $0x310;
	[dreg:$0x1a] =	wrdreg s21  }
0x46: {  	[sflag:s28] =	ssyncset.done $0x0;
	s25 =	rddreg [dreg:$0xd]  }
0x47: {  	s26 =	rddreg [dreg:$0x18];
	[sflag:s28] =	ssyncadd.s32 $0xFFFFFCF0  }
0x48: {  	[spmem:s26], [sflag:s21] =	dma.local [hbm:s25], $0x310  }
0x49: {  	_ =	swait.ge [sflag:s28], $0x310  }
0x4a: {  	[sflag:s28] =	ssyncset.done $0x0  }
0x4b: {  	[sflag:s28] =	ssyncadd.s32 $0xFFFFFCF0  }
0x4c: {  	[bflag:$0x0] =	sbarrier.arrive $0xFFFF  }
0x4d: {  	s29 =	rddreg [dreg:$0xe]  }
0x4e: {  	p1 =	sne.s32 s29, $0x1  }
.Ltmp1:
0x4f: {  	_ = 	snop;
	(pc) =	sbr.rel @!p1 .LBB2_4-.Ltmp1, $4  }
0x50: {  	_ = 	snop  }
0x51: {  	p0 =	por $0x0, $0x0  }
0x52: {  	s20 =	simm.s32 $0x2800;
	s24 =	simm.s32 $0x1800;
	s14 =	rddreg [dreg:$0x16]  }
0x53: {  	s1 =	rddreg [dreg:$0x0];
	s10 =	sadd.s32 $0xFFFFFFFF, s29;
	s16 =	sadd.s32 $0xFFFFE000, s14  }
0x54: {  	s24 =	sshrl.u32 s16, $0x3  }
0x55: {  	s16 =	sadd.s32 s1, s24  }
0x56: {  	[tilespmem:s8], [sflag:$0x8] =	stream.linear.gather [hbm4b:s16+s8], $0x800, $0x38;
	[tilespmem:$0x10200] =	vst v63  }
0x57: {  	_ =	swait.ge [sflag:s28], $0x800  }
0x58: {  	[sflag:s28] =	ssyncset.done $0x0  }
0x59: {  	[sflag:s28] =	ssyncadd.s32 $0xFFFFF800  }
0x5a: {  	s5 =	smov.u32 s3;
	s3 =	rddreg [dreg:$0x1]  }
0x5b: {  	s19 =	smov.u32 s14;
	s14 =	sadd.s32 s3, s24  }
0x5c: {  	[tilespmem:s20], [sflag:$0x8] =	stream.linear.gather [hbm4b:s14+s8], $0x800, $0x38;
	[tilespmem:$0x10200] =	vst v63  }
0x5d: {  	_ =	swait.ge [sflag:s28], $0x800  }
0x5e: {  	[sflag:s28] =	ssyncset.done $0x0  }
0x5f: {  	s26 =	sadd.s32 $0xFFFFE800, s19;
	s24 =	simm.s32 $0x5000;
	[sflag:s28] =	ssyncadd.s32 $0xFFFFF800  }
0x60: {  	[tilespmem:s24], [sflag:$0x1] =	stream.indirect.gather [spmem:s7], $0x1, s8, s30, $0xb8;
	[tilespmem:$0x10200] =	vst v63  }
0x61: {  	s18 =	simm.s32 $0x7800;
	s14 =	sshrl.u32 s26, $0x3  }
0x62: {  	[tilespmem:s18], [sflag:$0x1] =	stream.indirect.gather [spmem:s5], $0x1, s8, s30, $0xb8;
	[tilespmem:$0x10200] =	vst v63  }
0x63: {  	s29 =	sadd.s32 s1, s14  }
0x64: {  	[tilespmem:s30], [sflag:$0x8] =	stream.linear.gather [hbm4b:s29+s8], $0x800, $0x38;
	[tilespmem:$0x10200] =	vst v63  }
0x65: {  	_ =	swait.ge [sflag:s28], $0x800  }
0x66: {  	[sflag:s28] =	ssyncset.done $0x0  }
0x67: {  	s14 =	sadd.s32 s3, s14;
	[sflag:s28] =	ssyncadd.s32 $0xFFFFF800  }
0x68: {  	[tilespmem:s12], [sflag:$0x8] =	stream.linear.gather [hbm4b:s14+s8], $0x800, $0x38;
	[tilespmem:$0x10200] =	vst v63  }
0x69: {  	_ =	swait.ge [sflag:s28], $0x800  }
0x6a: {  	[sflag:s28] =	ssyncset.done $0x0  }
0x6b: {  	s13 =	simm.s32 $0x5800;
	s12 =	sadd.s32 $0xFFFFF000, s19;
	[sflag:s28] =	ssyncadd.s32 $0xFFFFF800  }
0x6c: {  	[tilespmem:s13], [sflag:$0x2] =	stream.indirect.gather [spmem:s7], $0x1, s30, s30, $0xb8;
	[tilespmem:$0x10200] =	vst v63  }
0x6d: {  	s11 =	simm.s32 $0x8000;
	s14 =	sshrl.u32 s12, $0x3  }
0x6e: {  	[tilespmem:s11], [sflag:$0x2] =	stream.indirect.gather [spmem:s5], $0x1, s30, s30, $0xb8;
	[tilespmem:$0x10200] =	vst v63  }
0x6f: {  	s15 =	simm.s32 $0x1000;
	s13 =	sadd.s32 s1, s14  }
0x70: {  	[tilespmem:s15], [sflag:$0x8] =	stream.linear.gather [hbm4b:s13+s8], $0x800, $0x38;
	[tilespmem:$0x10200] =	vst v63  }
0x71: {  	_ =	swait.ge [sflag:s28], $0x800  }
0x72: {  	[sflag:s28] =	ssyncset.done $0x0  }
0x73: {  	s14 =	sadd.s32 s3, s14;
	[sflag:s28] =	ssyncadd.s32 $0xFFFFF800  }
0x74: {  	[tilespmem:s17], [sflag:$0x8] =	stream.linear.gather [hbm4b:s14+s8], $0x800, $0x38;
	[tilespmem:$0x10200] =	vst v63  }
0x75: {  	_ =	swait.ge [sflag:s28], $0x800  }
0x76: {  	s16 =	sadd.s32 $0xFFFFF800, s19;
	[sflag:s28] =	ssyncset.done $0x0  }
0x77: {  	s11 =	simm.s32 $0x1000;
	s13 =	simm.s32 $0x6000;
	[sflag:s28] =	ssyncadd.s32 $0xFFFFF800  }
0x78: {  	[tilespmem:s13], [sflag:$0x3] =	stream.indirect.gather [spmem:s7], $0x1, s11, s30, $0xb8;
	[tilespmem:$0x10200] =	vst v63  }
0x79: {  	s12 =	simm.s32 $0x8800;
	s14 =	sshrl.u32 s16, $0x3  }
0x7a: {  	[tilespmem:s12], [sflag:$0x3] =	stream.indirect.gather [spmem:s5], $0x1, s11, s30, $0xb8;
	[tilespmem:$0x10200] =	vst v63  }
0x7b: {  	s29 =	simm.s32 $0x1800;
	s11 =	sadd.s32 s1, s14  }
0x7c: {  	[tilespmem:s29], [sflag:$0x8] =	stream.linear.gather [hbm4b:s11+s8], $0x800, $0x38;
	[tilespmem:$0x10200] =	vst v63  }
0x7d: {  	_ =	swait.ge [sflag:s28], $0x800  }
0x7e: {  	[sflag:s28] =	ssyncset.done $0x0  }
0x7f: {  	s15 =	simm.s32 $0x4000;
	s14 =	sadd.s32 s3, s14;
	[sflag:s28] =	ssyncadd.s32 $0xFFFFF800  }
0x80: {  	[tilespmem:s15], [sflag:$0x8] =	stream.linear.gather [hbm4b:s14+s8], $0x800, $0x38;
	[tilespmem:$0x10200] =	vst v63  }
0x81: {  	_ =	swait.ge [sflag:s28], $0x800  }
0x82: {  	[sflag:s28] =	ssyncset.done $0x0  }
0x83: {  	s22 =	simm.s32 $0x6800;
	[sflag:s28] =	ssyncadd.s32 $0xFFFFF800  }
0x84: {  	[tilespmem:s22], [sflag:$0x4] =	stream.indirect.gather [spmem:s7], $0x1, s29, s30, $0xb8;
	[tilespmem:$0x10200] =	vst v63  }
0x85: {  	s11 =	simm.s32 $0x9000;
	s14 =	sshrl.u32 s19, $0x3  }
0x86: {  	[tilespmem:s11], [sflag:$0x4] =	stream.indirect.gather [spmem:s5], $0x1, s29, s30, $0xb8;
	[tilespmem:$0x10200] =	vst v63  }
0x87: {  	s29 =	sadd.s32 s1, s14;
	s1 =	simm.s32 $0x2000  }
0x88: {  	[tilespmem:s1], [sflag:$0x8] =	stream.linear.gather [hbm4b:s29+s8], $0x800, $0x38;
	[tilespmem:$0x10200] =	vst v63  }
0x89: {  	_ =	swait.ge [sflag:s28], $0x800  }
0x8a: {  	[sflag:s28] =	ssyncset.done $0x0  }
0x8b: {  	s16 =	simm.s32 $0x4800;
	s14 =	sadd.s32 s3, s14;
	[sflag:s28] =	ssyncadd.s32 $0xFFFFF800  }
0x8c: {  	[tilespmem:s16], [sflag:$0x8] =	stream.linear.gather [hbm4b:s14+s8], $0x800, $0x38;
	[tilespmem:$0x10200] =	vst v63  }
0x8d: {  	_ =	swait.ge [sflag:s28], $0x800  }
0x8e: {  	[sflag:s28] =	ssyncset.done $0x0  }
0x8f: {  	s14 =	simm.s32 $0x7000;
	[sflag:s28] =	ssyncadd.s32 $0xFFFFF800  }
0x90: {  	[tilespmem:s14], [sflag:$0x5] =	stream.indirect.gather [spmem:s7], $0x1, s1, s30, $0xb8;
	[tilespmem:$0x10200] =	vst v63  }
0x91: {  	s25 =	simm.s32 $0x1;
	s29 =	simm.s32 $0x9800  }
0x92: {  	[tilespmem:s29], [sflag:$0x5] =	stream.indirect.gather [spmem:s5], $0x1, s1, s30, $0xb8;
	[tilespmem:$0x10200] =	vst v63  }
0x93: {  	_ =	swait.ge [sflag:s25], $0x800  }
0x94: {  	[sflag:s25] =	ssyncset.done $0x0  }
0x95: {  	[sflag:s25] =	ssyncadd.s32 $0xFFFFF800  }
0x96: {  	_ =	swait.ge [sflag:s25], $0x800  }
0x97: {  	[sflag:s25] =	ssyncset.done $0x0  }
0x98: {  	s17 =	simm.s32 $0x2800;
	[sflag:s25] =	ssyncadd.s32 $0xFFFFF800  }
0x99: {  	[spmem:s4] =	stream.indirect.scatter.add.f32 [tilespmem:s24], [sflag:$0x6], $0x1, s17, s30, $0xb8;
	[tilespmem:$0x10200] =	vst v63  }
0x9a: {  	s0 =	simm.s32 $0x2  }
0x9b: {  	[spmem:s6] =	stream.indirect.scatter.add.f32 [tilespmem:s18], [sflag:$0x7], $0x1, s17, s30, $0xb8;
	[tilespmem:$0x10200] =	vst v63  }
0x9c: {  	_ =	swait.ge [sflag:s0], $0x800  }
0x9d: {  	[sflag:s0] =	ssyncset.done $0x0  }
0x9e: {  	[sflag:s0] =	ssyncadd.s32 $0xFFFFF800  }
0x9f: {  	_ =	swait.ge [sflag:s0], $0x800  }
0xa0: {  	[sflag:s0] =	ssyncset.done $0x0  }
0xa1: {  	s21 =	simm.s32 $0x3000;
	s24 =	simm.s32 $0x5800;
	[sflag:s0] =	ssyncadd.s32 $0xFFFFF800  }
0xa2: {  	[spmem:s4] =	stream.indirect.scatter.add.f32 [tilespmem:s24], [sflag:$0x6], $0x1, s21, s30, $0xb8;
	[tilespmem:$0x10200] =	vst v63  }
0xa3: {  	s23 =	simm.s32 $0x3;
	s25 =	simm.s32 $0x8000  }
0xa4: {  	[spmem:s6] =	stream.indirect.scatter.add.f32 [tilespmem:s25], [sflag:$0x7], $0x1, s21, s30, $0xb8;
	[tilespmem:$0x10200] =	vst v63  }
0xa5: {  	_ =	swait.ge [sflag:s23], $0x800  }
0xa6: {  	[sflag:s23] =	ssyncset.done $0x0  }
0xa7: {  	[sflag:s23] =	ssyncadd.s32 $0xFFFFF800  }
0xa8: {  	_ =	swait.ge [sflag:s23], $0x800  }
0xa9: {  	[sflag:s23] =	ssyncset.done $0x0  }
0xaa: {  	s20 =	simm.s32 $0x3800;
	[sflag:s23] =	ssyncadd.s32 $0xFFFFF800  }
0xab: {  	[spmem:s4] =	stream.indirect.scatter.add.f32 [tilespmem:s13], [sflag:$0x6], $0x1, s20, s30, $0xb8;
	[tilespmem:$0x10200] =	vst v63  }
0xac: {  	s26 =	simm.s32 $0x4  }
0xad: {  	[spmem:s6] =	stream.indirect.scatter.add.f32 [tilespmem:s12], [sflag:$0x7], $0x1, s20, s30, $0xb8;
	[tilespmem:$0x10200] =	vst v63  }
0xae: {  	_ =	swait.ge [sflag:s26], $0x800  }
0xaf: {  	[sflag:s26] =	ssyncset.done $0x0  }
0xb0: {  	[sflag:s26] =	ssyncadd.s32 $0xFFFFF800  }
0xb1: {  	_ =	swait.ge [sflag:s26], $0x800  }
0xb2: {  	[sflag:s26] =	ssyncset.done $0x0  }
0xb3: {  	[sflag:s26] =	ssyncadd.s32 $0xFFFFF800  }
0xb4: {  	[spmem:s4] =	stream.indirect.scatter.add.f32 [tilespmem:s22], [sflag:$0x6], $0x1, s15, s30, $0xb8;
	[tilespmem:$0x10200] =	vst v63  }
0xb5: {  	s9 =	simm.s32 $0x5  }
0xb6: {  	[spmem:s6] =	stream.indirect.scatter.add.f32 [tilespmem:s11], [sflag:$0x7], $0x1, s15, s30, $0xb8;
	[tilespmem:$0x10200] =	vst v63  }
0xb7: {  	_ =	swait.ge [sflag:s9], $0x800  }
0xb8: {  	[sflag:s9] =	ssyncset.done $0x0  }
0xb9: {  	[sflag:s9] =	ssyncadd.s32 $0xFFFFF800  }
0xba: {  	_ =	swait.ge [sflag:s9], $0x800  }
0xbb: {  	[sflag:s9] =	ssyncset.done $0x0  }
0xbc: {  	[sflag:s9] =	ssyncadd.s32 $0xFFFFF800  }
0xbd: {  	[spmem:s4] =	stream.indirect.scatter.add.f32 [tilespmem:s14], [sflag:$0x6], $0x1, s16, s30, $0xb8;
	[tilespmem:$0x10200] =	vst v63  }
0xbe: {  	_ = 	snop  }
0xbf: {  	[spmem:s6] =	stream.indirect.scatter.add.f32 [tilespmem:s29], [sflag:$0x7], $0x1, s16, s30, $0xb8;
	[tilespmem:$0x10200] =	vst v63  }
0xc0: {  	_ =	swait.ge [sflag:s31], $0x800  }
0xc1: {  	[sflag:s31] =	ssyncset.done $0x0  }
0xc2: {  	[sflag:s31] =	ssyncadd.s32 $0xFFFFF800  }
0xc3: {  	_ =	swait.ge [sflag:s2], $0x800  }
0xc4: {  	[sflag:s2] =	ssyncset.done $0x0  }
0xc5: {  	[sflag:s2] =	ssyncadd.s32 $0xFFFFF800  }
0xc6: {  	_ =	swait.ge [sflag:s31], $0x800  }
0xc7: {  	[sflag:s31] =	ssyncset.done $0x0  }
0xc8: {  	[sflag:s31] =	ssyncadd.s32 $0xFFFFF800  }
0xc9: {  	_ =	swait.ge [sflag:s2], $0x800  }
0xca: {  	[sflag:s2] =	ssyncset.done $0x0  }
0xcb: {  	[sflag:s2] =	ssyncadd.s32 $0xFFFFF800  }
0xcc: {  	_ =	swait.ge [sflag:s31], $0x800  }
0xcd: {  	[sflag:s31] =	ssyncset.done $0x0  }
0xce: {  	[sflag:s31] =	ssyncadd.s32 $0xFFFFF800  }
0xcf: {  	_ =	swait.ge [sflag:s2], $0x800  }
0xd0: {  	[sflag:s2] =	ssyncset.done $0x0  }
0xd1: {  	[sflag:s2] =	ssyncadd.s32 $0xFFFFF800  }
0xd2: {  	_ =	swait.ge [sflag:s31], $0x800  }
0xd3: {  	[sflag:s31] =	ssyncset.done $0x0  }
0xd4: {  	[sflag:s31] =	ssyncadd.s32 $0xFFFFF800  }
0xd5: {  	_ =	swait.ge [sflag:s2], $0x800  }
0xd6: {  	p1 =	sne.s32 s10, $0x1;
	[sflag:s2] =	ssyncset.done $0x0  }
.Ltmp2:
0xd7: {  	[sflag:s2] =	ssyncadd.s32 $0xFFFFF800;
	(pc) =	sbr.rel @!p1 .LBB2_6-.Ltmp2, $4  }
0xd8: {  	_ =	swait.ge [sflag:s31], $0x800  }
0xd9: {  	[sflag:s31] =	ssyncset.done $0x0  }
0xda: {  	s14 =	sadd.s32 $0xFFFFFFFF, s10;
	s10 =	sadd.s32 $0x2800, s19;
	[sflag:s31] =	ssyncadd.s32 $0xFFFFF800  }
0xdb: {  	p0 =	por $0x1, $0x1;
	s16 =	sadd.s32 $0xFFFFE000, s10;
	_ =	swait.ge [sflag:s2], $0x800  }
.LBB2_7:
0xdc: {  	[sflag:s2] =	ssyncset.done $0x0  }
0xdd: {  	s16 =	sshrl.u32 s16, $0x3;
	s1 =	rddreg [dreg:$0x0]  }
0xde: {  	[sflag:s2] =	ssyncadd.s32 $0xFFFFF800;
	s19 =	sadd.s32 s1, s16  }
0xdf: {  	[tilespmem:s8], [sflag:$0x8] =	stream.linear.gather [hbm4b:s19+s8], $0x800, $0x38;
	[tilespmem:$0x10200] =	vst v63  }
0xe0: {  	_ =	swait.ge [sflag:s28], $0x800  }
0xe1: {  	[sflag:s28] =	ssyncset.done $0x0  }
0xe2: {  	s17 =	simm.s32 $0x2800;
	s16 =	sadd.s32 s3, s16;
	[sflag:s28] =	ssyncadd.s32 $0xFFFFF800  }
0xe3: {  	[tilespmem:s17], [sflag:$0x8] =	stream.linear.gather [hbm4b:s16+s8], $0x800, $0x38;
	[tilespmem:$0x10200] =	vst v63  }
0xe4: {  	_ =	swait.ge [sflag:s28], $0x800  }
0xe5: {  	[sflag:s28] =	ssyncset.done $0x0  }
0xe6: {  	s24 =	simm.s32 $0x5000;
	s11 =	sadd.s32 $0xFFFFE800, s10;
	[sflag:s28] =	ssyncadd.s32 $0xFFFFF800  }
0xe7: {  	[tilespmem:s24], [sflag:$0x1] =	stream.indirect.gather [spmem:s7], $0x1, s8, s30, $0xb8;
	[tilespmem:$0x10200] =	vst v63  }
0xe8: {  	s0 =	simm.s32 $0x7800;
	s16 =	sshrl.u32 s11, $0x3  }
0xe9: {  	[tilespmem:s0], [sflag:$0x1] =	stream.indirect.gather [spmem:s5], $0x1, s8, s30, $0xb8;
	[tilespmem:$0x10200] =	vst v63  }
0xea: {  	s12 =	sadd.s32 s1, s16  }
0xeb: {  	[tilespmem:s30], [sflag:$0x8] =	stream.linear.gather [hbm4b:s12+s8], $0x800, $0x38;
	[tilespmem:$0x10200] =	vst v63  }
0xec: {  	_ =	swait.ge [sflag:s28], $0x800  }
0xed: {  	[sflag:s28] =	ssyncset.done $0x0  }
0xee: {  	s21 =	simm.s32 $0x3000;
	s16 =	sadd.s32 s3, s16;
	[sflag:s28] =	ssyncadd.s32 $0xFFFFF800  }
0xef: {  	[tilespmem:s21], [sflag:$0x8] =	stream.linear.gather [hbm4b:s16+s8], $0x800, $0x38;
	[tilespmem:$0x10200] =	vst v63  }
0xf0: {  	_ =	swait.ge [sflag:s28], $0x800  }
0xf1: {  	[sflag:s28] =	ssyncset.done $0x0  }
0xf2: {  	s13 =	sadd.s32 $0xFFFFF000, s10;
	s18 =	simm.s32 $0x5800;
	[sflag:s28] =	ssyncadd.s32 $0xFFFFF800  }
0xf3: {  	[tilespmem:s18], [sflag:$0x2] =	stream.indirect.gather [spmem:s7], $0x1, s30, s30, $0xb8;
	[tilespmem:$0x10200] =	vst v63  }
0xf4: {  	s25 =	simm.s32 $0x8000;
	s16 =	sshrl.u32 s13, $0x3  }
0xf5: {  	[tilespmem:s25], [sflag:$0x2] =	stream.indirect.gather [spmem:s5], $0x1, s30, s30, $0xb8;
	[tilespmem:$0x10200] =	vst v63  }
0xf6: {  	s22 =	simm.s32 $0x1000;
	s15 =	sadd.s32 s1, s16  }
0xf7: {  	[tilespmem:s22], [sflag:$0x8] =	stream.linear.gather [hbm4b:s15+s8], $0x800, $0x38;
	[tilespmem:$0x10200] =	vst v63  }
0xf8: {  	_ =	swait.ge [sflag:s28], $0x800  }
0xf9: {  	[sflag:s28] =	ssyncset.done $0x0  }
0xfa: {  	s20 =	simm.s32 $0x3800;
	s16 =	sadd.s32 s3, s16;
	[sflag:s28] =	ssyncadd.s32 $0xFFFFF800  }
0xfb: {  	[tilespmem:s20], [sflag:$0x8] =	stream.linear.gather [hbm4b:s16+s8], $0x800, $0x38;
	[tilespmem:$0x10200] =	vst v63  }
0xfc: {  	_ =	swait.ge [sflag:s28], $0x800  }
0xfd: {  	[sflag:s28] =	ssyncset.done $0x0  }
0xfe: {  	s19 =	sadd.s32 $0xFFFFF800, s10;
	s13 =	simm.s32 $0x6000;
	[sflag:s28] =	ssyncadd.s32 $0xFFFFF800  }
0xff: {  	[tilespmem:s13], [sflag:$0x3] =	stream.indirect.gather [spmem:s7], $0x1, s22, s30, $0xb8;
	[tilespmem:$0x10200] =	vst v63  }
0x100: {  	s12 =	simm.s32 $0x8800;
	s16 =	sshrl.u32 s19, $0x3  }
0x101: {  	[tilespmem:s12], [sflag:$0x3] =	stream.indirect.gather [spmem:s5], $0x1, s22, s30, $0xb8;
	[tilespmem:$0x10200] =	vst v63  }
0x102: {  	s29 =	simm.s32 $0x1800;
	s22 =	sadd.s32 s1, s16  }
0x103: {  	[tilespmem:s29], [sflag:$0x8] =	stream.linear.gather [hbm4b:s22+s8], $0x800, $0x38;
	[tilespmem:$0x10200] =	vst v63  }
0x104: {  	_ =	swait.ge [sflag:s28], $0x800  }
0x105: {  	[sflag:s28] =	ssyncset.done $0x0  }
0x106: {  	s15 =	simm.s32 $0x4000;
	s16 =	sadd.s32 s3, s16;
	[sflag:s28] =	ssyncadd.s32 $0xFFFFF800  }
0x107: {  	[tilespmem:s15], [sflag:$0x8] =	stream.linear.gather [hbm4b:s16+s8], $0x800, $0x38;
	[tilespmem:$0x10200] =	vst v63  }
0x108: {  	_ =	swait.ge [sflag:s28], $0x800  }
0x109: {  	[sflag:s28] =	ssyncset.done $0x0  }
0x10a: {  	s22 =	simm.s32 $0x6800;
	[sflag:s28] =	ssyncadd.s32 $0xFFFFF800  }
0x10b: {  	[tilespmem:s22], [sflag:$0x4] =	stream.indirect.gather [spmem:s7], $0x1, s29, s30, $0xb8;
	[tilespmem:$0x10200] =	vst v63  }
0x10c: {  	s11 =	simm.s32 $0x9000;
	s16 =	sshrl.u32 s10, $0x3  }
0x10d: {  	[tilespmem:s11], [sflag:$0x4] =	stream.indirect.gather [spmem:s5], $0x1, s29, s30, $0xb8;
	[tilespmem:$0x10200] =	vst v63  }
0x10e: {  	s29 =	sadd.s32 s1, s16;
	s1 =	simm.s32 $0x2000  }
0x10f: {  	[tilespmem:s1], [sflag:$0x8] =	stream.linear.gather [hbm4b:s29+s8], $0x800, $0x38;
	[tilespmem:$0x10200] =	vst v63  }
0x110: {  	_ =	swait.ge [sflag:s28], $0x800  }
0x111: {  	[sflag:s28] =	ssyncset.done $0x0  }
0x112: {  	s19 =	simm.s32 $0x4800;
	s16 =	sadd.s32 s3, s16;
	[sflag:s28] =	ssyncadd.s32 $0xFFFFF800  }
0x113: {  	[tilespmem:s19], [sflag:$0x8] =	stream.linear.gather [hbm4b:s16+s8], $0x800, $0x38;
	[tilespmem:$0x10200] =	vst v63  }
0x114: {  	_ =	swait.ge [sflag:s28], $0x800  }
0x115: {  	[sflag:s28] =	ssyncset.done $0x0  }
0x116: {  	s16 =	simm.s32 $0x7000;
	[sflag:s28] =	ssyncadd.s32 $0xFFFFF800  }
0x117: {  	[tilespmem:s16], [sflag:$0x5] =	stream.indirect.gather [spmem:s7], $0x1, s1, s30, $0xb8;
	[tilespmem:$0x10200] =	vst v63  }
0x118: {  	s29 =	simm.s32 $0x9800  }
0x119: {  	[tilespmem:s29], [sflag:$0x5] =	stream.indirect.gather [spmem:s5], $0x1, s1, s30, $0xb8;
	[tilespmem:$0x10200] =	vst v63  }
0x11a: {  	s1 =	simm.s32 $0x1  }
0x11b: {  	_ =	swait.ge [sflag:s1], $0x800  }
0x11c: {  	[sflag:s1] =	ssyncset.done $0x0  }
0x11d: {  	[sflag:s1] =	ssyncadd.s32 $0xFFFFF800  }
0x11e: {  	_ =	swait.ge [sflag:s1], $0x800  }
0x11f: {  	[sflag:s1] =	ssyncset.done $0x0  }
0x120: {  	[sflag:s1] =	ssyncadd.s32 $0xFFFFF800  }
0x121: {  	[spmem:s4] =	stream.indirect.scatter.add.f32 [tilespmem:s24], [sflag:$0x6], $0x1, s17, s30, $0xb8;
	[tilespmem:$0x10200] =	vst v63  }
0x122: {  	s24 =	simm.s32 $0x2  }
0x123: {  	[spmem:s6] =	stream.indirect.scatter.add.f32 [tilespmem:s0], [sflag:$0x7], $0x1, s17, s30, $0xb8;
	[tilespmem:$0x10200] =	vst v63  }
0x124: {  	_ =	swait.ge [sflag:s24], $0x800  }
0x125: {  	[sflag:s24] =	ssyncset.done $0x0  }
0x126: {  	[sflag:s24] =	ssyncadd.s32 $0xFFFFF800  }
0x127: {  	_ =	swait.ge [sflag:s24], $0x800  }
0x128: {  	[sflag:s24] =	ssyncset.done $0x0  }
0x129: {  	[sflag:s24] =	ssyncadd.s32 $0xFFFFF800  }
0x12a: {  	[spmem:s4] =	stream.indirect.scatter.add.f32 [tilespmem:s18], [sflag:$0x6], $0x1, s21, s30, $0xb8;
	[tilespmem:$0x10200] =	vst v63  }
0x12b: {  	_ = 	snop  }
0x12c: {  	[spmem:s6] =	stream.indirect.scatter.add.f32 [tilespmem:s25], [sflag:$0x7], $0x1, s21, s30, $0xb8;
	[tilespmem:$0x10200] =	vst v63  }
0x12d: {  	_ =	swait.ge [sflag:s23], $0x800  }
0x12e: {  	[sflag:s23] =	ssyncset.done $0x0  }
0x12f: {  	[sflag:s23] =	ssyncadd.s32 $0xFFFFF800  }
0x130: {  	_ =	swait.ge [sflag:s23], $0x800  }
0x131: {  	[sflag:s23] =	ssyncset.done $0x0  }
0x132: {  	[sflag:s23] =	ssyncadd.s32 $0xFFFFF800  }
0x133: {  	[spmem:s4] =	stream.indirect.scatter.add.f32 [tilespmem:s13], [sflag:$0x6], $0x1, s20, s30, $0xb8;
	[tilespmem:$0x10200] =	vst v63  }
0x134: {  	_ = 	snop  }
0x135: {  	[spmem:s6] =	stream.indirect.scatter.add.f32 [tilespmem:s12], [sflag:$0x7], $0x1, s20, s30, $0xb8;
	[tilespmem:$0x10200] =	vst v63  }
0x136: {  	_ =	swait.ge [sflag:s26], $0x800  }
0x137: {  	[sflag:s26] =	ssyncset.done $0x0  }
0x138: {  	[sflag:s26] =	ssyncadd.s32 $0xFFFFF800  }
0x139: {  	_ =	swait.ge [sflag:s26], $0x800  }
0x13a: {  	[sflag:s26] =	ssyncset.done $0x0  }
0x13b: {  	[sflag:s26] =	ssyncadd.s32 $0xFFFFF800  }
0x13c: {  	[spmem:s4] =	stream.indirect.scatter.add.f32 [tilespmem:s22], [sflag:$0x6], $0x1, s15, s30, $0xb8;
	[tilespmem:$0x10200] =	vst v63  }
0x13d: {  	_ = 	snop  }
0x13e: {  	[spmem:s6] =	stream.indirect.scatter.add.f32 [tilespmem:s11], [sflag:$0x7], $0x1, s15, s30, $0xb8;
	[tilespmem:$0x10200] =	vst v63  }
0x13f: {  	_ =	swait.ge [sflag:s9], $0x800  }
0x140: {  	[sflag:s9] =	ssyncset.done $0x0  }
0x141: {  	[sflag:s9] =	ssyncadd.s32 $0xFFFFF800  }
0x142: {  	_ =	swait.ge [sflag:s9], $0x800  }
0x143: {  	[sflag:s9] =	ssyncset.done $0x0  }
0x144: {  	[sflag:s9] =	ssyncadd.s32 $0xFFFFF800  }
0x145: {  	[spmem:s4] =	stream.indirect.scatter.add.f32 [tilespmem:s16], [sflag:$0x6], $0x1, s19, s30, $0xb8;
	[tilespmem:$0x10200] =	vst v63  }
0x146: {  	_ = 	snop  }
0x147: {  	[spmem:s6] =	stream.indirect.scatter.add.f32 [tilespmem:s29], [sflag:$0x7], $0x1, s19, s30, $0xb8;
	[tilespmem:$0x10200] =	vst v63  }
0x148: {  	_ =	swait.ge [sflag:s31], $0x800  }
0x149: {  	[sflag:s31] =	ssyncset.done $0x0  }
0x14a: {  	[sflag:s31] =	ssyncadd.s32 $0xFFFFF800  }
0x14b: {  	_ =	swait.ge [sflag:s2], $0x800  }
0x14c: {  	[sflag:s2] =	ssyncset.done $0x0  }
0x14d: {  	[sflag:s2] =	ssyncadd.s32 $0xFFFFF800  }
0x14e: {  	_ =	swait.ge [sflag:s31], $0x800  }
0x14f: {  	[sflag:s31] =	ssyncset.done $0x0  }
0x150: {  	[sflag:s31] =	ssyncadd.s32 $0xFFFFF800  }
0x151: {  	_ =	swait.ge [sflag:s2], $0x800  }
0x152: {  	[sflag:s2] =	ssyncset.done $0x0  }
0x153: {  	[sflag:s2] =	ssyncadd.s32 $0xFFFFF800  }
0x154: {  	_ =	swait.ge [sflag:s31], $0x800  }
0x155: {  	[sflag:s31] =	ssyncset.done $0x0  }
0x156: {  	[sflag:s31] =	ssyncadd.s32 $0xFFFFF800  }
0x157: {  	_ =	swait.ge [sflag:s2], $0x800  }
0x158: {  	[sflag:s2] =	ssyncset.done $0x0  }
0x159: {  	[sflag:s2] =	ssyncadd.s32 $0xFFFFF800  }
0x15a: {  	_ =	swait.ge [sflag:s31], $0x800  }
0x15b: {  	[sflag:s31] =	ssyncset.done $0x0  }
0x15c: {  	[sflag:s31] =	ssyncadd.s32 $0xFFFFF800  }
0x15d: {  	_ =	swait.ge [sflag:s2], $0x800  }
0x15e: {  	p1 =	sne.s32 s14, $0x1;
	[sflag:s2] =	ssyncset.done $0x0  }
.Ltmp3:
0x15f: {  	[sflag:s2] =	ssyncadd.s32 $0xFFFFF800;
	(pc) =	sbr.rel @p1 .LBB2_7-.Ltmp3, $4  }
0x160: {  	_ =	swait.ge [sflag:s31], $0x800  }
0x161: {  	[sflag:s31] =	ssyncset.done $0x0  }
0x162: {  	s10 =	sadd.s32 $0x2800, s10;
	[sflag:s31] =	ssyncadd.s32 $0xFFFFF800  }
0x163: {  	s14 =	sadd.s32 $0xFFFFFFFF, s14;
	s16 =	sadd.s32 $0xFFFFE000, s10;
	_ =	swait.ge [sflag:s2], $0x800  }
0x164: {  	s19 =	simm.s32 $0x5800;
	s26 =	simm.s32 $0x8000;
	s20 =	simm.s32 $0x2800  }
0x165: {  	s29 =	simm.s32 $0x3000;
	s25 =	simm.s32 $0x1000;
	s13 =	simm.s32 $0x3800  }
0x166: {  	s22 =	simm.s32 $0x8800;
	s24 =	simm.s32 $0x1800;
	s18 =	rddreg [dreg:$0x19]  }
0x167: {  	s17 =	simm.s32 $0x4000;
	s12 =	simm.s32 $0x6800;
	s1 =	rddreg [dreg:$0x0]  }
0x168: {  	s3 =	smov.u32 s5;
	s5 =	simm.s32 $0x1;
	s9 =	simm.s32 $0x2  }
0x169: {  	s11 =	simm.s32 $0x3;
	s15 =	simm.s32 $0x4;
	s23 =	simm.s32 $0x5  }
.LBB2_9:
0x16a: {  	s14 =	sshrl.u32 s16, $0x3;
	[sflag:s2] =	ssyncset.done @p0 $0x0  }
0x16b: {  	s16 =	sadd.s32 s1, s14;
	[sflag:s2] =	ssyncadd.s32 @p0 $0xFFFFF800  }
0x16c: {  	[tilespmem:s8], [sflag:$0x8] =	stream.linear.gather [hbm4b:s16+s8], $0x800, $0x38;
	[tilespmem:$0x10200] =	vst v63  }
0x16d: {  	_ =	swait.ge [sflag:s28], $0x800  }
0x16e: {  	[sflag:s28] =	ssyncset.done $0x0  }
0x16f: {  	[sflag:s28] =	ssyncadd.s32 $0xFFFFF800  }
0x170: {  	s0 =	rddreg [dreg:$0x1]  }
0x171: {  	s14 =	sadd.s32 s0, s14  }
0x172: {  	[tilespmem:s20], [sflag:$0x8] =	stream.linear.gather [hbm4b:s14+s8], $0x800, $0x38;
	[tilespmem:$0x10200] =	vst v63  }
0x173: {  	_ =	swait.ge [sflag:s28], $0x800  }
0x174: {  	[sflag:s28] =	ssyncset.done $0x0  }
0x175: {  	s20 =	simm.s32 $0x5000;
	s14 =	sadd.s32 $0xFFFFE800, s10;
	[sflag:s28] =	ssyncadd.s32 $0xFFFFF800  }
0x176: {  	[tilespmem:s20], [sflag:$0x1] =	stream.indirect.gather [spmem:s7], $0x1, s8, s30, $0xb8;
	[tilespmem:$0x10200] =	vst v63  }
0x177: {  	s16 =	simm.s32 $0x7800;
	s14 =	sshrl.u32 s14, $0x3  }
0x178: {  	[tilespmem:s16], [sflag:$0x1] =	stream.indirect.gather [spmem:s3], $0x1, s8, s30, $0xb8;
	[tilespmem:$0x10200] =	vst v63  }
0x179: {  	s16 =	sadd.s32 s1, s14  }
0x17a: {  	[tilespmem:s30], [sflag:$0x8] =	stream.linear.gather [hbm4b:s16+s8], $0x800, $0x38;
	[tilespmem:$0x10200] =	vst v63  }
0x17b: {  	_ =	swait.ge [sflag:s28], $0x800  }
0x17c: {  	[sflag:s28] =	ssyncset.done $0x0  }
0x17d: {  	s14 =	sadd.s32 s0, s14;
	[sflag:s28] =	ssyncadd.s32 $0xFFFFF800  }
0x17e: {  	[tilespmem:s29], [sflag:$0x8] =	stream.linear.gather [hbm4b:s14+s8], $0x800, $0x38;
	[tilespmem:$0x10200] =	vst v63  }
0x17f: {  	_ =	swait.ge [sflag:s28], $0x800  }
0x180: {  	[sflag:s28] =	ssyncset.done $0x0  }
0x181: {  	s16 =	sadd.s32 $0xFFFFF000, s10;
	[sflag:s28] =	ssyncadd.s32 $0xFFFFF800  }
0x182: {  	[tilespmem:s19], [sflag:$0x2] =	stream.indirect.gather [spmem:s7], $0x1, s30, s30, $0xb8;
	[tilespmem:$0x10200] =	vst v63  }
0x183: {  	s14 =	sshrl.u32 s16, $0x3  }
0x184: {  	[tilespmem:s26], [sflag:$0x2] =	stream.indirect.gather [spmem:s3], $0x1, s30, s30, $0xb8;
	[tilespmem:$0x10200] =	vst v63  }
0x185: {  	s16 =	sadd.s32 s1, s14  }
0x186: {  	[tilespmem:s25], [sflag:$0x8] =	stream.linear.gather [hbm4b:s16+s8], $0x800, $0x38;
	[tilespmem:$0x10200] =	vst v63  }
0x187: {  	_ =	swait.ge [sflag:s28], $0x800  }
0x188: {  	[sflag:s28] =	ssyncset.done $0x0  }
0x189: {  	s14 =	sadd.s32 s0, s14;
	[sflag:s28] =	ssyncadd.s32 $0xFFFFF800  }
0x18a: {  	[tilespmem:s13], [sflag:$0x8] =	stream.linear.gather [hbm4b:s14+s8], $0x800, $0x38;
	[tilespmem:$0x10200] =	vst v63  }
0x18b: {  	_ =	swait.ge [sflag:s28], $0x800  }
0x18c: {  	[sflag:s28] =	ssyncset.done $0x0  }
0x18d: {  	s16 =	simm.s32 $0x6000;
	s14 =	sadd.s32 $0xFFFFF800, s10;
	[sflag:s28] =	ssyncadd.s32 $0xFFFFF800  }
0x18e: {  	[tilespmem:s16], [sflag:$0x3] =	stream.indirect.gather [spmem:s7], $0x1, s25, s30, $0xb8;
	[tilespmem:$0x10200] =	vst v63  }
0x18f: {  	s14 =	sshrl.u32 s14, $0x3  }
0x190: {  	[tilespmem:s22], [sflag:$0x3] =	stream.indirect.gather [spmem:s3], $0x1, s25, s30, $0xb8;
	[tilespmem:$0x10200] =	vst v63  }
0x191: {  	s25 =	sadd.s32 s1, s14  }
0x192: {  	[tilespmem:s24], [sflag:$0x8] =	stream.linear.gather [hbm4b:s25+s8], $0x800, $0x38;
	[tilespmem:$0x10200] =	vst v63  }
0x193: {  	_ =	swait.ge [sflag:s28], $0x800  }
0x194: {  	[sflag:s28] =	ssyncset.done $0x0  }
0x195: {  	s14 =	sadd.s32 s0, s14;
	[sflag:s28] =	ssyncadd.s32 $0xFFFFF800  }
0x196: {  	[tilespmem:s17], [sflag:$0x8] =	stream.linear.gather [hbm4b:s14+s8], $0x800, $0x38;
	[tilespmem:$0x10200] =	vst v63  }
0x197: {  	_ =	swait.ge [sflag:s28], $0x800  }
0x198: {  	[sflag:s28] =	ssyncset.done $0x0  }
0x199: {  	[sflag:s28] =	ssyncadd.s32 $0xFFFFF800  }
0x19a: {  	[tilespmem:s12], [sflag:$0x4] =	stream.indirect.gather [spmem:s7], $0x1, s24, s30, $0xb8;
	[tilespmem:$0x10200] =	vst v63  }
0x19b: {  	s10 =	sshrl.u32 s10, $0x3;
	s16 =	simm.s32 $0x9000  }
0x19c: {  	[tilespmem:s16], [sflag:$0x4] =	stream.indirect.gather [spmem:s3], $0x1, s24, s30, $0xb8;
	[tilespmem:$0x10200] =	vst v63  }
0x19d: {  	s25 =	sadd.s32 s1, s10;
	s1 =	simm.s32 $0x2000  }
0x19e: {  	[tilespmem:s1], [sflag:$0x8] =	stream.linear.gather [hbm4b:s25+s8], $0x800, $0x38;
	[tilespmem:$0x10200] =	vst v63  }
0x19f: {  	_ =	swait.ge [sflag:s28], $0x800  }
0x1a0: {  	[sflag:s28] =	ssyncset.done $0x0  }
0x1a1: {  	s10 =	sadd.s32 s0, s10;
	s25 =	simm.s32 $0x4800;
	[sflag:s28] =	ssyncadd.s32 $0xFFFFF800  }
0x1a2: {  	[tilespmem:s25], [sflag:$0x8] =	stream.linear.gather [hbm4b:s10+s8], $0x800, $0x38;
	[tilespmem:$0x10200] =	vst v63  }
0x1a3: {  	_ =	swait.ge [sflag:s28], $0x800  }
0x1a4: {  	[sflag:s28] =	ssyncset.done $0x0  }
0x1a5: {  	s24 =	simm.s32 $0x7000;
	[sflag:s28] =	ssyncadd.s32 $0xFFFFF800  }
0x1a6: {  	[tilespmem:s24], [sflag:$0x5] =	stream.indirect.gather [spmem:s7], $0x1, s1, s30, $0xb8;
	[tilespmem:$0x10200] =	vst v63  }
0x1a7: {  	s25 =	simm.s32 $0x9800  }
0x1a8: {  	[tilespmem:s25], [sflag:$0x5] =	stream.indirect.gather [spmem:s3], $0x1, s1, s30, $0xb8;
	[tilespmem:$0x10200] =	vst v63  }
0x1a9: {  	_ =	swait.ge [sflag:s5], $0x800  }
0x1aa: {  	[sflag:s5] =	ssyncset.done $0x0  }
0x1ab: {  	[sflag:s5] =	ssyncadd.s32 $0xFFFFF800  }
0x1ac: {  	_ =	swait.ge [sflag:s5], $0x800  }
0x1ad: {  	[sflag:s5] =	ssyncset.done $0x0  }
0x1ae: {  	s21 =	simm.s32 $0x2800;
	[sflag:s5] =	ssyncadd.s32 $0xFFFFF800  }
0x1af: {  	[spmem:s4] =	stream.indirect.scatter.add.f32 [tilespmem:s20], [sflag:$0x6], $0x1, s21, s30, $0xb8;
	[tilespmem:$0x10200] =	vst v63  }
0x1b0: {  	s1 =	simm.s32 $0x7800  }
0x1b1: {  	[spmem:s6] =	stream.indirect.scatter.add.f32 [tilespmem:s1], [sflag:$0x7], $0x1, s21, s30, $0xb8;
	[tilespmem:$0x10200] =	vst v63  }
0x1b2: {  	_ =	swait.ge [sflag:s9], $0x800  }
0x1b3: {  	[sflag:s9] =	ssyncset.done $0x0  }
0x1b4: {  	[sflag:s9] =	ssyncadd.s32 $0xFFFFF800  }
0x1b5: {  	_ =	swait.ge [sflag:s9], $0x800  }
0x1b6: {  	[sflag:s9] =	ssyncset.done $0x0  }
0x1b7: {  	[sflag:s9] =	ssyncadd.s32 $0xFFFFF800  }
0x1b8: {  	[spmem:s4] =	stream.indirect.scatter.add.f32 [tilespmem:s19], [sflag:$0x6], $0x1, s29, s30, $0xb8;
	[tilespmem:$0x10200] =	vst v63  }
0x1b9: {  	_ = 	snop  }
0x1ba: {  	[spmem:s6] =	stream.indirect.scatter.add.f32 [tilespmem:s26], [sflag:$0x7], $0x1, s29, s30, $0xb8;
	[tilespmem:$0x10200] =	vst v63  }
0x1bb: {  	_ =	swait.ge [sflag:s11], $0x800  }
0x1bc: {  	[sflag:s11] =	ssyncset.done $0x0  }
0x1bd: {  	[sflag:s11] =	ssyncadd.s32 $0xFFFFF800  }
0x1be: {  	_ =	swait.ge [sflag:s11], $0x800  }
0x1bf: {  	[sflag:s11] =	ssyncset.done $0x0  }
0x1c0: {  	s0 =	simm.s32 $0x6000;
	[sflag:s11] =	ssyncadd.s32 $0xFFFFF800  }
0x1c1: {  	[spmem:s4] =	stream.indirect.scatter.add.f32 [tilespmem:s0], [sflag:$0x6], $0x1, s13, s30, $0xb8;
	[tilespmem:$0x10200] =	vst v63  }
0x1c2: {  	_ = 	snop  }
0x1c3: {  	[spmem:s6] =	stream.indirect.scatter.add.f32 [tilespmem:s22], [sflag:$0x7], $0x1, s13, s30, $0xb8;
	[tilespmem:$0x10200] =	vst v63  }
0x1c4: {  	_ =	swait.ge [sflag:s15], $0x800  }
0x1c5: {  	[sflag:s15] =	ssyncset.done $0x0  }
0x1c6: {  	[sflag:s15] =	ssyncadd.s32 $0xFFFFF800  }
0x1c7: {  	_ =	swait.ge [sflag:s15], $0x800  }
0x1c8: {  	[sflag:s15] =	ssyncset.done $0x0  }
0x1c9: {  	[sflag:s15] =	ssyncadd.s32 $0xFFFFF800  }
0x1ca: {  	[spmem:s4] =	stream.indirect.scatter.add.f32 [tilespmem:s12], [sflag:$0x6], $0x1, s17, s30, $0xb8;
	[tilespmem:$0x10200] =	vst v63  }
0x1cb: {  	s16 =	simm.s32 $0x9000  }
0x1cc: {  	[spmem:s6] =	stream.indirect.scatter.add.f32 [tilespmem:s16], [sflag:$0x7], $0x1, s17, s30, $0xb8;
	[tilespmem:$0x10200] =	vst v63  }
0x1cd: {  	_ =	swait.ge [sflag:s23], $0x800  }
0x1ce: {  	[sflag:s23] =	ssyncset.done $0x0  }
0x1cf: {  	[sflag:s23] =	ssyncadd.s32 $0xFFFFF800  }
0x1d0: {  	_ =	swait.ge [sflag:s23], $0x800  }
0x1d1: {  	[sflag:s23] =	ssyncset.done $0x0  }
0x1d2: {  	s20 =	simm.s32 $0x4800;
	[sflag:s23] =	ssyncadd.s32 $0xFFFFF800  }
0x1d3: {  	[spmem:s4] =	stream.indirect.scatter.add.f32 [tilespmem:s24], [sflag:$0x6], $0x1, s20, s30, $0xb8;
	[tilespmem:$0x10200] =	vst v63  }
0x1d4: {  	_ = 	snop  }
0x1d5: {  	[spmem:s6] =	stream.indirect.scatter.add.f32 [tilespmem:s25], [sflag:$0x7], $0x1, s20, s30, $0xb8;
	[tilespmem:$0x10200] =	vst v63  }
0x1d6: {  	_ =	swait.ge [sflag:s31], $0x800  }
0x1d7: {  	[sflag:s31] =	ssyncset.done $0x0  }
0x1d8: {  	[sflag:s31] =	ssyncadd.s32 $0xFFFFF800  }
0x1d9: {  	_ =	swait.ge [sflag:s2], $0x800  }
0x1da: {  	[sflag:s2] =	ssyncset.done $0x0  }
0x1db: {  	[sflag:s2] =	ssyncadd.s32 $0xFFFFF800  }
0x1dc: {  	_ =	swait.ge [sflag:s31], $0x800  }
0x1dd: {  	[sflag:s31] =	ssyncset.done $0x0  }
0x1de: {  	[sflag:s31] =	ssyncadd.s32 $0xFFFFF800  }
0x1df: {  	_ =	swait.ge [sflag:s2], $0x800  }
0x1e0: {  	[sflag:s2] =	ssyncset.done $0x0  }
0x1e1: {  	[sflag:s2] =	ssyncadd.s32 $0xFFFFF800  }
0x1e2: {  	_ =	swait.ge [sflag:s31], $0x800  }
0x1e3: {  	[sflag:s31] =	ssyncset.done $0x0  }
0x1e4: {  	[sflag:s31] =	ssyncadd.s32 $0xFFFFF800  }
0x1e5: {  	_ =	swait.ge [sflag:s2], $0x800  }
0x1e6: {  	[sflag:s2] =	ssyncset.done $0x0  }
0x1e7: {  	[sflag:s2] =	ssyncadd.s32 $0xFFFFF800  }
0x1e8: {  	_ =	swait.ge [sflag:s31], $0x800  }
0x1e9: {  	[sflag:s31] =	ssyncset.done $0x0  }
0x1ea: {  	[sflag:s31] =	ssyncadd.s32 $0xFFFFF800  }
0x1eb: {  	_ =	swait.ge [sflag:s2], $0x800  }
0x1ec: {  	[sflag:s2] =	ssyncset.done $0x0  }
0x1ed: {  	[sflag:s2] =	ssyncadd.s32 $0xFFFFF800  }
0x1ee: {  	_ =	swait.ge [sflag:s31], $0x800  }
0x1ef: {  	[sflag:s31] =	ssyncset.done $0x0  }
0x1f0: {  	[sflag:s31] =	ssyncadd.s32 $0xFFFFF800  }
0x1f1: {  	_ =	swait.ge [sflag:s2], $0x800  }
0x1f2: {  	[sflag:s2] =	ssyncset.done $0x0  }
0x1f3: {  	[sflag:s2] =	ssyncadd.s32 $0xFFFFF800  }
0x1f4: {  	[bflag:$0x0] =	sbarrier.arrive $0xFFFF  }
0x1f5: {  	s21 =	rddreg [dreg:$0x8]  }
0x1f6: {  	s22 =	rddreg [dreg:$0xf]  }
0x1f7: {  	s24 =	rddreg [dreg:$0x1a];
	s20 =	sshrl.u32 s21, $0x3  }
0x1f8: {  	[hbm:s22], [sflag:s24] =	dma.local [spmem:s20], $0x310  }
0x1f9: {  	_ =	swait.ge [sflag:s28], $0x310  }
0x1fa: {  	[sflag:s28] =	ssyncset.done $0x0;
	s16 =	rddreg [dreg:$0xa]  }
0x1fb: {  	s26 =	rddreg [dreg:$0x10];
	[sflag:s28] =	ssyncadd.s32 $0xFFFFFCF0;
	s25 =	sshrl.u32 s16, $0x3  }
0x1fc: {  	[hbm:s26], [sflag:s24] =	dma.local [spmem:s25], $0x310  }
0x1fd: {  	_ =	swait.ge [sflag:s28], $0x310  }
0x1fe: {  	s18 =	sadd.s32 $0x1, s18;
	s29 =	rddreg [dreg:$0x11]  }
0x1ff: {  	p0 =	sne.s32 s18, s29  }
.Ltmp4:
0x200: {  	_ = 	snop;
	(pc) =	sbr.rel @p0 .LBB2_1-.Ltmp4, $4  }
.Ltmp5:
0x201: {  	_ = 	snop;
	(pc) =	sbr.rel @!p0 .LBB2_10-.Ltmp5, $4  }
0x202: {  	_ = 	snop  }
0x203: {  	[sflag:s28] =	ssyncset.done $0x0  }
0x204: {  	s12 =	simm.s32 $0x3000;
	s17 =	simm.s32 $0x3800;
	[sflag:s28] =	ssyncadd.s32 $0xFFFFFCF0  }
0x205: {  	_ = 	snop  }
.LBB2_4:
.Ltmp6:
0x206: {  	(pc) =	sbr.rel .LBB2_9-.Ltmp6, $4  }
0x207: {  	s10 =	smov.u32 s14  }
0x208: {  	s18 =	rddreg [dreg:$0x19];
	s29 =	simm.s32 $0x3000;
	s26 =	simm.s32 $0x8000  }
0x209: {  	s19 =	simm.s32 $0x5800;
	s13 =	simm.s32 $0x3800;
	s22 =	simm.s32 $0x8800  }
0x20a: {  	s17 =	simm.s32 $0x4000;
	s25 =	simm.s32 $0x1000;
	s12 =	simm.s32 $0x6800  }
.LBB2_6:
0x20b: {  	s19 =	simm.s32 $0x5800  }
0x20c: {  	s26 =	simm.s32 $0x8000;
	s20 =	simm.s32 $0x2800;
	s29 =	simm.s32 $0x3000  }
.Ltmp7:
0x20d: {  	s25 =	simm.s32 $0x1000;
	s13 =	simm.s32 $0x3800;
	(pc) =	sbr.rel .LBB2_9-.Ltmp7, $4  }
0x20e: {  	s22 =	simm.s32 $0x8800;
	s24 =	simm.s32 $0x1800;
	s18 =	rddreg [dreg:$0x19]  }
0x20f: {  	s17 =	simm.s32 $0x4000;
	s12 =	simm.s32 $0x6800;
	s1 =	rddreg [dreg:$0x0]  }
0x210: {  	s3 =	smov.u32 s5;
	s5 =	simm.s32 $0x1;
	s9 =	simm.s32 $0x2  }
0x211: {  	s11 =	simm.s32 $0x3;
	s15 =	simm.s32 $0x4;
	s23 =	simm.s32 $0x5  }
.LBB2_10:
0x212: {  	_ =	sfence.sel $0x180000  }
0x213: {  	[bflag:$0x0] =	sbarrier.arrive $0xFFFF  }
0x214: {  	_ =	strace $0x9000004A  }
0x215: {  	s0 =	stileid.u32;
	[bflag:$0x2] =	sbarrier.arrive $0xFFFF  }
0x216: {  	p0 =	sne.s32 s0, $0x0;
	s0 =	rddreg [dreg:$0x7]  }
0x217: {  	s0 =	sadd.s32 @!p0 $0x100000, s0  }
0x218: {  	[sflag:s0] =	ssyncadd.tile.s32 @!p0 $0x1;
	_ =	shalt  }
.Lfunc_end2:
_tile_overlayer_lowered:
.L_overlay_start_2:
0x219: {  	(tag) =	ssettag $0x2  }
0x21a: {  	s0 =	rddreg [dreg:$0x0];
	s2 =	stileid.u32  }
0x21b: {  	s1 =	rddreg [dreg:$0x1];
	p0 =	sne.s32 s2, $0x0  }
0x21c: {  	s3 =	rddreg [dreg:$0x2];
	[bflag:$0x3] =	sbarrier.arrive $0xFFFF;
	s2 =	simm.s32 @!p0 $0x1C08  }
0x21d: {  	[timem:s3], [sflag:s2] =	dma.local @!p0 [hbm:s0], s1  }
0x21e: {  	s0 =	simm.s32 @!p0 $0x8  }
0x21f: {  	_ =	swait.ge @!p0 [sflag:s0], s1  }
0x220: {  	s1 =	ssub.s32 @!p0 $0x0, s1;
	[sflag:s0] =	ssyncset.done @!p0 $0x0  }
0x221: {  	[sflag:s0] =	ssyncadd.s32 @!p0 s1  }
0x222: {  	[bflag:$0x3] =	sbarrier.arrive $0xFFFF  }
0x223: {  	_ =	shalt  }

// kernel: kernel.7.cloned.1.call-start
scs
__scs_entry_jumppad:
0x0: {  	(pc) =	sbr.rel $0x88, $3  }
0x1: {  	(tag) =	ssettag $0x0;
	lr =	simm.s32 $0x1  }
0x2: {  	[smem:$0x3F99] =	sst lr;
	_ =	strace $0xD0000000  }
0x3: {  	_ = 	snop  }
0x4: {  	_ = 	snop  }
0x5: {  	_ = 	snop  }
0x6: {  	_ = 	snop  }
0x7: {  	_ = 	snop  }
__scs_overlays_trampoline_lowered:
0x8: {  	[smem:$0x3FA8] =	sst s0  }
0x9: {  	[smem:$0x3FA9] =	sst s1  }
0xa: {  	[smem:$0x3FAA] =	sst s2  }
0xb: {  	[smem:$0x3FAB] =	sst s3  }
0xc: {  	[smem:$0x3FAC] =	sst s4  }
0xd: {  	[smem:$0x3FAD] =	sst s5  }
0xe: {  	[smem:$0x3FAE] =	sst s6  }
0xf: {  	[smem:$0x3FAF] =	sst s7  }
0x10: {  	[smem:$0x3FB0] =	sst s8  }
0x11: {  	[smem:$0x3FB1] =	sst s9;
	s0 =	simm.s32 @!p0 $0x0  }
0x12: {  	s1 =	sld [smem:$0x3F97];
	s0 =	simm.s32 @p0 $0x1  }
0x13: {  	[smem:$0x3FB2] =	sst s0;
	s0 =	simm.s32 @!p1 $0x0  }
0x14: {  	s2 =	sld [smem:$0x3F96];
	s0 =	simm.s32 @p1 $0x1  }
0x15: {  	[smem:$0x3FB3] =	sst s0;
	s0 =	simm.s32 @!p2 $0x0  }
0x16: {  	s3 =	sld [smem:$0x3FDB];
	s0 =	simm.s32 @p2 $0x1  }
0x17: {  	s4 =	simm.s32 $0x1BF5;
	[smem:$0x3FB5] =	sst s0  }
0x18: {  	s0 =	sld [smem:$0x3F98];
	_ =	swait.ge [sflag:s4], $0x0  }
0x19: {  	s7 =	sld [smem:$0x3F99]  }
0x1a: {  	s8 =	sadd.s32 $0xFFFFE003, lr  }
0x1b: {  	s9 =	sadd.s32 $0xFFFFFEF7, lr;
	s5 =	simm.s32 $0xFFFFFFFF;
	p2 =	slt.u32 s8, $0xFFFFF086  }
0x1c: {  	p1 =	slt.u32 s9, $0xF7A;
	s5 =	simm.s32 @!p2 $0x0  }
0x1d: {  	s5 =	simm.s32 @p1 $0x1;
	p0 =	seq.s32 s7, s2  }
0x1e: {  	s7 =	smul.u32 @!p0 $0xF7A, s2;
	p2 =	seq.s32 @!p0 s5, $0x0  }
0x1f: {  	s9 =	smul.u32 $0xF7A, s1;
	s8 =	simm.s32 @!p0 $0x1BF5;
	p2 =	por !p2, p0  }
0x20: {  	[sflag:s8] =	ssyncset.s32 @!p0 $0xFFFFF086;
	s6 =	sadd.s32 @!p0 s3, s7;
	s7 =	simm.s32 @!p0 $0x108  }
0x21: {  	s3 =	sadd.s32 s3, s9;
	s6 =	sadd.s32 @!p0 $0x88, s6;
	s7 =	simm.s32 @p2 $0x1082  }
0x22: {  	[simem:s7], [sflag:s8] =	dma.local @!p0 [hbm:s6], $0xF7A  }
0x23: {  	s9 =	sor.u32 $0xD0000000, s2;
	s6 =	simm.s32 $0x108;
	_ =	swait.ge @!p0 [sflag:s8], $0x0  }
0x24: {  	s3 =	sadd.s32 $0x88, s3;
	s6 =	simm.s32 @!p1 $0x1082;
	[sflag:s4] =	ssyncset.s32 $0xFFFFF086  }
0x25: {  	[simem:s6], [sflag:s4] =	dma.local [hbm:s3], $0xF7A  }
0x26: {  	[smem:$0x3F99] =	sst s1;
	(tag) =	ssettag s2;
	_ =	strace s9  }
0x27: {  	s1 =	sld [smem:$0x3FA9]  }
0x28: {  	s2 =	sld [smem:$0x3FAA]  }
0x29: {  	s4 =	sld [smem:$0x3FAC]  }
0x2a: {  	p0 =	seq.s32 s5, $0x0;
	s5 =	sld [smem:$0x3FAD]  }
0x2b: {  	s6 =	sld [smem:$0x3FAE]  }
0x2c: {  	s7 =	sld [smem:$0x3FAF]  }
0x2d: {  	s3 =	simm.s32 $0x108;
	s8 =	sld [smem:$0x3FB0]  }
0x2e: {  	s3 =	simm.s32 @!p0 $0x1082;
	s9 =	sld [smem:$0x3FB1]  }
0x2f: {  	lr =	sadd.s32 s0, s3;
	s0 =	sld [smem:$0x3FA8]  }
0x30: {  	s3 =	sld [smem:$0x3FAB]  }
0x31: {  	[smem:$0x3FB4] =	sst s10  }
0x32: {  	s10 =	sld [smem:$0x3FB2];
	_ =	sdelay $0x3  }
0x33: {  	p0 =	seq.s32 s10, $0x1;
	s10 =	sld [smem:$0x3FB4];
	_ =	sdelay $0x3  }
0x34: {  	[smem:$0x3FB4] =	sst s10  }
0x35: {  	s10 =	sld [smem:$0x3FB3];
	_ =	sdelay $0x3  }
0x36: {  	p1 =	seq.s32 s10, $0x1;
	s10 =	sld [smem:$0x3FB4];
	_ =	sdelay $0x3  }
0x37: {  	[smem:$0x3FB4] =	sst s10  }
0x38: {  	s10 =	sld [smem:$0x3FB5]  }
0x39: {  	_ = 	snop;
	(pc) =	sbr.ind lr, $3  }
0x3a: {  	_ = 	snop  }
0x3b: {  	_ = 	snop  }
0x3c: {  	p2 =	seq.s32 s10, $0x1;
	s10 =	sld [smem:$0x3FB4]  }
0x3d: {  	_ =	shalt  }
0x3e: {  	_ =	shalt  }
0x3f: {  	_ =	shalt  }
0x40: {  	_ =	shalt  }
0x41: {  	_ =	shalt  }
0x42: {  	_ =	shalt  }
0x43: {  	_ =	shalt  }
0x44: {  	_ =	shalt  }
0x45: {  	_ =	shalt  }
0x46: {  	_ =	shalt  }
0x47: {  	_ =	shalt  }
0x48: {  	_ =	shalt  }
0x49: {  	_ =	shalt  }
0x4a: {  	_ =	shalt  }
0x4b: {  	_ =	shalt  }
0x4c: {  	_ =	shalt  }
0x4d: {  	_ =	shalt  }
0x4e: {  	_ =	shalt  }
0x4f: {  	_ =	shalt  }
0x50: {  	_ =	shalt  }
0x51: {  	_ =	shalt  }
0x52: {  	_ =	shalt  }
0x53: {  	_ =	shalt  }
0x54: {  	_ =	shalt  }
0x55: {  	_ =	shalt  }
0x56: {  	_ =	shalt  }
0x57: {  	_ =	shalt  }
0x58: {  	_ =	shalt  }
0x59: {  	_ =	shalt  }
0x5a: {  	_ =	shalt  }
0x5b: {  	_ =	shalt  }
0x5c: {  	_ =	shalt  }
0x5d: {  	_ =	shalt  }
0x5e: {  	_ =	shalt  }
0x5f: {  	_ =	shalt  }
0x60: {  	_ =	shalt  }
0x61: {  	_ =	shalt  }
0x62: {  	_ =	shalt  }
0x63: {  	_ =	shalt  }
0x64: {  	_ =	shalt  }
0x65: {  	_ =	shalt  }
0x66: {  	_ =	shalt  }
0x67: {  	_ =	shalt  }
0x68: {  	_ =	shalt  }
0x69: {  	_ =	shalt  }
0x6a: {  	_ =	shalt  }
0x6b: {  	_ =	shalt  }
0x6c: {  	_ =	shalt  }
0x6d: {  	_ =	shalt  }
0x6e: {  	_ =	shalt  }
0x6f: {  	_ =	shalt  }
0x70: {  	_ =	shalt  }
0x71: {  	_ =	shalt  }
0x72: {  	_ =	shalt  }
0x73: {  	_ =	shalt  }
0x74: {  	_ =	shalt  }
0x75: {  	_ =	shalt  }
0x76: {  	_ =	shalt  }
0x77: {  	_ =	shalt  }
0x78: {  	_ =	shalt  }
0x79: {  	_ =	shalt  }
0x7a: {  	_ =	shalt  }
0x7b: {  	_ =	shalt  }
0x7c: {  	_ =	shalt  }
0x7d: {  	_ =	shalt  }
0x7e: {  	_ =	shalt  }
0x7f: {  	_ =	shalt  }
0x80: {  	_ =	shalt  }
0x81: {  	_ =	shalt  }
0x82: {  	_ =	shalt  }
0x83: {  	_ =	shalt  }
0x84: {  	_ =	shalt  }
0x85: {  	_ =	shalt  }
0x86: {  	_ =	shalt  }
0x87: {  	_ =	shalt  }
.Lfunc_end0:
.L_simem_size_0:
called_computation_lowered:
.L_overlay_start_0:
0x88: {  	s2 =	sld [smem:$0x3FD9]  }
0x89: {  	s3 =	sld [smem:$0x3FFE];
	_ =	sdelay $0x1  }
0x8a: {  	s1 =	srdreg.scid  }
0x8b: {  	s0 =	sand.u32 $0x1, s1  }
0x8c: {  	s14 =	sshll.u32 s0, $0xA;
	s2 =	sadd.s32 s3, s2  }
0x8d: {  	s2 =	sadd.s32 s2, s14  }
0x8e: {  	[smem:$0x3FC0] =	sst s2  }
0x8f: {  	_ = 	snop  }
0x90: {  	s2 =	sld [smem:$0x3FD0];
	_ =	sdelay $0x2  }
0x91: {  	s15 =	simm.s32 $0xA;
	s4 =	simm.s32 $0x10  }
0x92: {  	[smem:s4], [sflag:s15] =	dma.local [hbm:s2], $0x1  }
0x93: {  	_ =	swait.eq [sflag:s15], $0x1  }
0x94: {  	[sflag:s15] =	ssyncset.done $0x0  }
0x95: {  	[sflag:s15] =	ssyncadd.s32 $0xFFFFFFFF  }
0x96: {  	s16 =	sld [smem:$0x10];
	(tm) =	ssettm $0x1  }
0x97: {  	s17 =	sld [smem:$0x3FFB];
	_ =	sdelay $0x3  }
0x98: {  	_ =	strace s17  }
0x99: {  	s3 =	sld [smem:$0x3FFC];
	_ =	sdelay $0x3  }
0x9a: {  	_ =	strace s3  }
0x9b: {  	s3 =	sld [smem:$0x3FFD];
	_ =	sdelay $0x3  }
0x9c: {  	_ =	strace s3  }
0x9d: {  	_ =	strace $0x8FFFFFFF  }
0x9e: {  	s18 =	sld [smem:$0x3FDB];
	_ =	sdelay $0x1  }
0x9f: {  	s19 =	simm.s32 $_scs_section_size  }
0xa0: {  	s5 =	simm.s32 $_size__tile_overlayer_lowered;
	s6 =	simm.s32 $_tile_overlayer_lowered  }
0xa1: {  	s22 =	simm.s32 $0x1BFF;
	s21 =	sshll.u32 s6, $0x1;
	s3 =	sadd.s32 s19, s18  }
0xa2: {  	s7 =	simm.s32 $0x0;
	s20 =	sshll.u32 s5, $0x1;
	s5 =	sadd.s32 s21, s3  }
0xa3: {  	[timem:s7], [sflag:s22] =	dma.local [hbm:s5], s20  }
0xa4: {  	_ =	swait.ge [sflag:s22], s20  }
0xa5: {  	s4 =	ssub.s32 $0x0, s20;
	[sflag:s22] =	ssyncset.done $0x0  }
0xa6: {  	[sflag:s22] =	ssyncadd.s32 s4;
	_ =	sdelay $0x1  }
0xa7: {  	s23 =	simm.s32 $0x1B8B  }
0xa8: {  	_ =	swait.ge [sflag:s23], $0x1  }
0xa9: {  	[sflag:s23] =	ssyncset.done $0x0  }
0xaa: {  	s25 =	simm.s32 $0x1B8E;
	s24 =	sld [smem:$0x3FFE];
	[sflag:s23] =	ssyncadd.s32 $0xFFFFFFFF  }
0xab: {  	s26 =	simm.s32 $execute0_lowered;
	[smem:$0x3FD2] =	sst s25  }
0xac: {  	s5 =	sshll.u32 s26, $0x1;
	_ =	strace $0x80000046;
	[dreg:$0x1] =	wrdreg $0xFFFFFFFF  }
0xad: {  	s28 =	simm.s32 $_size_execute0_lowered;
	s3 =	sadd.s32 s3, s5;
	[dreg:$0x0] =	wrdreg $0x0  }
0xae: {  	s5 =	sshll.u32 s28, $0x1;
	[dreg:$0x2] =	wrdreg s3  }
0xaf: {  	[dreg:$0x3] =	wrdreg s5  }
0xb0: {  	[dreg:$0x4] =	wrdreg $0xC0  }
0xb1: {  	_ =	task [dreg:s7], $0x5FFFF  }
0xb2: {  	[dreg:$0x1] =	wrdreg $0xFFFFFFFF  }
0xb3: {  	[dreg:$0x0] =	wrdreg $0x60  }
0xb4: {  	[dreg:$0x2] =	wrdreg s16  }
0xb5: {  	[dreg:$0x3] =	wrdreg s24  }
0xb6: {  	[dreg:$0x4] =	wrdreg $0x30000  }
0xb7: {  	[dreg:$0x5] =	wrdreg $0x9  }
0xb8: {  	_ =	task.clear_ibuf [dreg:s7], $0x6FFFF;
	_ =	strace $0x90000046  }
0xb9: {  	s29 =	simm.s32 $0x9;
	_ =	strace $0x80000048  }
0xba: {  	_ =	swait.ge [sflag:s29], $0x1  }
0xbb: {  	[sflag:s29] =	ssyncadd.s32 $0xFFFFFFFF  }
0xbc: {  	_ =	strace $0x90000048  }
0xbd: {  	_ =	sfence  }
0xbe: {  	s30 =	sld [smem:$0x0];
	_ =	sdelay $0x2  }
0xbf: {  	s31 =	sshll.u32 s1, $0xD;
	s1 =	sshrl.u32 s1, $0x2  }
0xc0: {  	s3 =	sand.u32 $0x4000, s31;
	s1 =	sadd.s32 s1, s30  }
0xc1: {  	s0 =	sor.u32 s3, s0;
	s1 =	sshll.u32 s1, $0x11  }
0xc2: {  	s0 =	sor.u32 s1, s0  }
0xc3: {  	s0 =	sadd.s32 $0x8F2B, s0  }
0xc4: {  	[sflag:s0] =	ssyncadd.remote.s32 $0x1  }
0xc5: {  	_ =	sfence.sel $0xFFFF  }
0xc6: {  	[dreg:$0x0] =	wrdreg $0xFFFFFFFF;
	(pc) =	sbr.abs _section_cstart, $3  }
0xc7: {  	[dreg:$0x1] =	wrdreg $0xFFFFFFFF  }
0xc8: {  	_ =	task.clear_ibuf [dreg:s7], $0x2FFFF;
	_ =	strace $0x9FFFFFFF  }
0xc9: {  	(tm) =	ssettm $0x7FFFFFFF  }
tec
execute0_lowered:
.L_overlay_start_1:
0x0: {  	(tag) =	ssettag $0x1  }
0x1: {  	s1 =	rddreg [dreg:$0x0]  }
0x2: {  	s6 =	rddreg [dreg:$0x1]  }
0x3: {  	s2 =	rddreg [dreg:$0x2]  }
0x4: {  	s0 =	rddreg [dreg:$0x3]  }
0x5: {  	s3 =	simm.s32 $0x0;
	s4 =	srdreg.scid;
	s10 =	simm.s32 $0x23  }
0x6: {  	s14 =	simm.s32 $0x1000;
	s15 =	simm.s32 $0x1800;
	s16 =	simm.s32 $0x2000  }
0x7: {  	s17 =	simm.s32 $0x1;
	[smem:$0x7FF] =	sst s3;
	s7 =	sand.u32 $0x1, s4  }
0x8: {  	s19 =	simm.s32 $0x0;
	s4 =	stileid.u32;
	s8 =	smul.u32 $0x18800, s7  }
0x9: {  	s5 =	sadd.s32 $0x2000, s6;
	s9 =	smul.u32 $0x1880, s4;
	p0 =	seq.s32 s7, $0x0  }
0xa: {  	s11 =	ssub.s32 $0x2, s7;
	s29 =	smul.u32 $0x118000, s7;
	s10 =	simm.s32 @!p0 $0xF  }
0xb: {  	_ =	strace $0x80000047;
	s13 =	sshrl.u32 s11, $0x1;
	s12 =	smul.u32 $0x34, s10  }
0xc: {  	p0 =	sne.s32 s4, $0x0;
	s8 =	sadd.s32 s9, s8;
	s10 =	smul.u32 s4, s10  }
0xd: {  	s11 =	ssub.s32 s11, s13;
	s18 =	sadd.s32 s9, s2;
	s8 =	sshrl.u32 s8, $0x3  }
0xe: {  	s13 =	simm.s32 $0x2800;
	s18 =	sshrl.u32 s18, $0x3;
	s8 =	sadd.s32 s8, s6  }
0xf: {  	s6 =	sshrl.u32 s12, $0x8;
	s30 =	sshll.u32 s10, $0xB;
	s10 =	sshrl.u32 @!p0 s2, $0x3  }
0x10: {  	s12 =	simm.s32 $0x800;
	s7 =	sadd.s32 $0x5200, s8;
	s31 =	sadd.s32 s29, s30  }
0x11: {  	v0 =	vimm.f32 $1.000000000e+00;
	s8 =	smax.u32 s11, $0x1;
	s11 =	simm.s32 $0x2;
	s9 =	sadd.s32 $0x2000, s31  }
.LBB2_1:
0x12: {  	s20 =	simm.s32 $0x40;
	s21 =	simm.s32 $0x0  }
.LBB2_2:
0x13: {  	p1 =	sne.s32 s20, $0x1FC0;
	[tilespmem:s21+$0x2800] =	vst v0;
	s21 =	smov.u32 s20;
	s20 =	sadd.s32 $0x40, s20  }
.Ltmp0:
0x14: {  	(pc) =	sbr.rel @p1 .LBB2_2-.Ltmp0, $2  }
0x15: {  	_ =	sdelay $0x2  }
0x16: {  	s21 =	sshra.s32 s21, $0x2  }
0x17: {  	[tilespmem:s21+$0x2800] =	vst v0;
	s20 =	simm.s32 @!p0 $0x1C02  }
0x18: {  	[spmem:s10], [sflag:s20] =	dma.local @!p0 [hbm:s5], $0x3100  }
0x19: {  	p2 =	sne.s32 s6, $0x1;
	s20 =	simm.s32 @!p0 $0x2  }
.Ltmp1:
0x1a: {  	_ =	swait.ge @!p0 [sflag:s20], $0x3100;
	(pc) =	sbr.rel @!p2 .LBB2_4-.Ltmp1, $4  }
0x1b: {  	[sflag:s20] =	ssyncset.done @!p0 $0x0  }
0x1c: {  	[sflag:s20] =	ssyncadd.s32 @!p0 $0xFFFFCF00  }
0x1d: {  	s31 =	sadd.s32 $0xFFFFE000, s9;
	[bflag:$0x0] =	sbarrier.arrive $0xFFFF  }
0x1e: {  	s21 =	sadd.s32 $0xFFFFFFFF, s6;
	p1 =	por $0x0, $0x0;
	s22 =	sshrl.u32 s31, $0x3  }
0x1f: {  	s20 =	sadd.s32 s1, s22  }
0x20: {  	[tilespmem:s3], [sflag:$0x2] =	stream.linear.gather [hbm4b:s20+s3], $0x800, $0x38;
	[tilespmem:$0x4880] =	vst v63  }
0x21: {  	_ =	swait.ge [sflag:s11], $0x800  }
0x22: {  	s26 =	sadd.s32 $0xFFFFE800, s9;
	[sflag:s11] =	ssyncset.done $0x0  }
0x23: {  	s20 =	sshrl.u32 s26, $0x3;
	[sflag:s11] =	ssyncadd.s32 $0xFFFFF800  }
0x24: {  	[spmem:s2] =	stream.indirect.scatter.add.f32 [tilespmem:s13], [sflag:$0x1], $0x1, s3, s12, $0xb8;
	[tilespmem:$0x4880] =	vst v63  }
0x25: {  	s20 =	sadd.s32 s1, s20  }
0x26: {  	[tilespmem:s12], [sflag:$0x2] =	stream.linear.gather [hbm4b:s20+s3], $0x800, $0x38;
	[tilespmem:$0x4880] =	vst v63  }
0x27: {  	_ =	swait.ge [sflag:s11], $0x800  }
0x28: {  	s28 =	sadd.s32 $0xFFFFF000, s9;
	[sflag:s11] =	ssyncset.done $0x0  }
0x29: {  	s20 =	sshrl.u32 s28, $0x3;
	[sflag:s11] =	ssyncadd.s32 $0xFFFFF800  }
0x2a: {  	[spmem:s2] =	stream.indirect.scatter.add.f32 [tilespmem:s13], [sflag:$0x1], $0x1, s12, s12, $0xb8;
	[tilespmem:$0x4880] =	vst v63  }
0x2b: {  	s20 =	sadd.s32 s1, s20  }
0x2c: {  	[tilespmem:s14], [sflag:$0x2] =	stream.linear.gather [hbm4b:s20+s3], $0x800, $0x38;
	[tilespmem:$0x4880] =	vst v63  }
0x2d: {  	_ =	swait.ge [sflag:s11], $0x800  }
0x2e: {  	s29 =	sadd.s32 $0xFFFFF800, s9;
	[sflag:s11] =	ssyncset.done $0x0  }
0x2f: {  	s20 =	sshrl.u32 s29, $0x3;
	[sflag:s11] =	ssyncadd.s32 $0xFFFFF800  }
0x30: {  	[spmem:s2] =	stream.indirect.scatter.add.f32 [tilespmem:s13], [sflag:$0x1], $0x1, s14, s12, $0xb8;
	[tilespmem:$0x4880] =	vst v63  }
0x31: {  	s20 =	sadd.s32 s1, s20  }
0x32: {  	[tilespmem:s15], [sflag:$0x2] =	stream.linear.gather [hbm4b:s20+s3], $0x800, $0x38;
	[tilespmem:$0x4880] =	vst v63  }
0x33: {  	_ =	swait.ge [sflag:s11], $0x800  }
0x34: {  	[sflag:s11] =	ssyncset.done $0x0  }
0x35: {  	s30 =	sshrl.u32 s9, $0x3;
	[sflag:s11] =	ssyncadd.s32 $0xFFFFF800  }
0x36: {  	[spmem:s2] =	stream.indirect.scatter.add.f32 [tilespmem:s13], [sflag:$0x1], $0x1, s15, s12, $0xb8;
	[tilespmem:$0x4880] =	vst v63  }
0x37: {  	s20 =	sadd.s32 s1, s30  }
0x38: {  	[tilespmem:s16], [sflag:$0x2] =	stream.linear.gather [hbm4b:s20+s3], $0x800, $0x38;
	[tilespmem:$0x4880] =	vst v63  }
0x39: {  	_ =	swait.ge [sflag:s11], $0x800  }
0x3a: {  	[sflag:s11] =	ssyncset.done $0x0  }
0x3b: {  	[sflag:s11] =	ssyncadd.s32 $0xFFFFF800  }
0x3c: {  	[spmem:s2] =	stream.indirect.scatter.add.f32 [tilespmem:s13], [sflag:$0x1], $0x1, s16, s12, $0xb8;
	[tilespmem:$0x4880] =	vst v63  }
0x3d: {  	_ =	swait.ge [sflag:s17], $0x800  }
0x3e: {  	[sflag:s17] =	ssyncset.done $0x0  }
0x3f: {  	[sflag:s17] =	ssyncadd.s32 $0xFFFFF800  }
0x40: {  	_ =	swait.ge [sflag:s17], $0x800  }
0x41: {  	[sflag:s17] =	ssyncset.done $0x0  }
0x42: {  	[sflag:s17] =	ssyncadd.s32 $0xFFFFF800  }
0x43: {  	_ =	swait.ge [sflag:s17], $0x800  }
0x44: {  	p2 =	sne.s32 s21, $0x1;
	[sflag:s17] =	ssyncset.done $0x0  }
.Ltmp2:
0x45: {  	[sflag:s17] =	ssyncadd.s32 $0xFFFFF800;
	(pc) =	sbr.rel @!p2 .LBB2_7-.Ltmp2, $4  }
0x46: {  	_ =	swait.ge [sflag:s17], $0x800  }
0x47: {  	s20 =	sadd.s32 $0x2800, s9;
	[sflag:s17] =	ssyncset.done $0x0  }
0x48: {  	s21 =	sadd.s32 $0xFFFFFFFF, s21;
	s31 =	sadd.s32 $0xFFFFE000, s20;
	[sflag:s17] =	ssyncadd.s32 $0xFFFFF800  }
0x49: {  	p1 =	por $0x1, $0x1;
	s22 =	sshrl.u32 s31, $0x3;
	_ =	swait.ge [sflag:s17], $0x800  }
.LBB2_6:
0x4a: {  	p2 =	sne.s32 s21, $0x1;
	s22 =	sadd.s32 s1, s22;
	[sflag:s17] =	ssyncset.done $0x0  }
0x4b: {  	s21 =	sadd.s32 $0xFFFFFFFF, s21;
	[sflag:s17] =	ssyncadd.s32 $0xFFFFF800  }
0x4c: {  	[tilespmem:s3], [sflag:$0x2] =	stream.linear.gather [hbm4b:s22+s3], $0x800, $0x38;
	[tilespmem:$0x4880] =	vst v63  }
0x4d: {  	_ =	swait.ge [sflag:s11], $0x800  }
0x4e: {  	s22 =	sadd.s32 $0xFFFFE800, s20;
	[sflag:s11] =	ssyncset.done $0x0  }
0x4f: {  	s22 =	sshrl.u32 s22, $0x3;
	[sflag:s11] =	ssyncadd.s32 $0xFFFFF800  }
0x50: {  	[spmem:s2] =	stream.indirect.scatter.add.f32 [tilespmem:s13], [sflag:$0x1], $0x1, s3, s12, $0xb8;
	[tilespmem:$0x4880] =	vst v63  }
0x51: {  	s22 =	sadd.s32 s1, s22  }
0x52: {  	[tilespmem:s12], [sflag:$0x2] =	stream.linear.gather [hbm4b:s22+s3], $0x800, $0x38;
	[tilespmem:$0x4880] =	vst v63  }
0x53: {  	_ =	swait.ge [sflag:s11], $0x800  }
0x54: {  	s22 =	sadd.s32 $0xFFFFF000, s20;
	[sflag:s11] =	ssyncset.done $0x0  }
0x55: {  	s22 =	sshrl.u32 s22, $0x3;
	[sflag:s11] =	ssyncadd.s32 $0xFFFFF800  }
0x56: {  	[spmem:s2] =	stream.indirect.scatter.add.f32 [tilespmem:s13], [sflag:$0x1], $0x1, s12, s12, $0xb8;
	[tilespmem:$0x4880] =	vst v63  }
0x57: {  	s22 =	sadd.s32 s1, s22  }
0x58: {  	[tilespmem:s14], [sflag:$0x2] =	stream.linear.gather [hbm4b:s22+s3], $0x800, $0x38;
	[tilespmem:$0x4880] =	vst v63  }
0x59: {  	_ =	swait.ge [sflag:s11], $0x800  }
0x5a: {  	s22 =	sadd.s32 $0xFFFFF800, s20;
	[sflag:s11] =	ssyncset.done $0x0  }
0x5b: {  	s22 =	sshrl.u32 s22, $0x3;
	[sflag:s11] =	ssyncadd.s32 $0xFFFFF800  }
0x5c: {  	[spmem:s2] =	stream.indirect.scatter.add.f32 [tilespmem:s13], [sflag:$0x1], $0x1, s14, s12, $0xb8;
	[tilespmem:$0x4880] =	vst v63  }
0x5d: {  	s22 =	sadd.s32 s1, s22  }
0x5e: {  	[tilespmem:s15], [sflag:$0x2] =	stream.linear.gather [hbm4b:s22+s3], $0x800, $0x38;
	[tilespmem:$0x4880] =	vst v63  }
0x5f: {  	_ =	swait.ge [sflag:s11], $0x800  }
0x60: {  	[sflag:s11] =	ssyncset.done $0x0  }
0x61: {  	s22 =	sshrl.u32 s20, $0x3;
	[sflag:s11] =	ssyncadd.s32 $0xFFFFF800  }
0x62: {  	[spmem:s2] =	stream.indirect.scatter.add.f32 [tilespmem:s13], [sflag:$0x1], $0x1, s15, s12, $0xb8;
	[tilespmem:$0x4880] =	vst v63  }
0x63: {  	s22 =	sadd.s32 s1, s22  }
0x64: {  	[tilespmem:s16], [sflag:$0x2] =	stream.linear.gather [hbm4b:s22+s3], $0x800, $0x38;
	[tilespmem:$0x4880] =	vst v63  }
0x65: {  	_ =	swait.ge [sflag:s11], $0x800  }
0x66: {  	[sflag:s11] =	ssyncset.done $0x0  }
0x67: {  	[sflag:s11] =	ssyncadd.s32 $0xFFFFF800  }
0x68: {  	[spmem:s2] =	stream.indirect.scatter.add.f32 [tilespmem:s13], [sflag:$0x1], $0x1, s16, s12, $0xb8;
	[tilespmem:$0x4880] =	vst v63  }
0x69: {  	_ =	swait.ge [sflag:s17], $0x800  }
0x6a: {  	[sflag:s17] =	ssyncset.done $0x0  }
0x6b: {  	[sflag:s17] =	ssyncadd.s32 $0xFFFFF800  }
0x6c: {  	_ =	swait.ge [sflag:s17], $0x800  }
0x6d: {  	[sflag:s17] =	ssyncset.done $0x0  }
0x6e: {  	[sflag:s17] =	ssyncadd.s32 $0xFFFFF800  }
0x6f: {  	_ =	swait.ge [sflag:s17], $0x800  }
0x70: {  	[sflag:s17] =	ssyncset.done $0x0  }
.Ltmp3:
0x71: {  	[sflag:s17] =	ssyncadd.s32 $0xFFFFF800;
	(pc) =	sbr.rel @p2 .LBB2_6-.Ltmp3, $4  }
0x72: {  	_ =	swait.ge [sflag:s17], $0x800  }
0x73: {  	s20 =	sadd.s32 $0x2800, s20;
	[sflag:s17] =	ssyncset.done $0x0  }
0x74: {  	s22 =	sadd.s32 $0xFFFFE000, s20;
	[sflag:s17] =	ssyncadd.s32 $0xFFFFF800  }
0x75: {  	s22 =	sshrl.u32 s22, $0x3;
	_ =	swait.ge [sflag:s17], $0x800  }
.LBB2_7:
0x76: {  	[sflag:s17] =	ssyncset.done @p1 $0x0  }
0x77: {  	s21 =	sadd.s32 s1, s22;
	[sflag:s17] =	ssyncadd.s32 @p1 $0xFFFFF800  }
0x78: {  	[tilespmem:s3], [sflag:$0x2] =	stream.linear.gather [hbm4b:s21+s3], $0x800, $0x38;
	[tilespmem:$0x4880] =	vst v63  }
0x79: {  	_ =	swait.ge [sflag:s11], $0x800  }
0x7a: {  	s26 =	sadd.s32 $0xFFFFE800, s20;
	[sflag:s11] =	ssyncset.done $0x0  }
0x7b: {  	s21 =	sshrl.u32 s26, $0x3;
	[sflag:s11] =	ssyncadd.s32 $0xFFFFF800  }
0x7c: {  	[spmem:s2] =	stream.indirect.scatter.add.f32 [tilespmem:s13], [sflag:$0x1], $0x1, s3, s12, $0xb8;
	[tilespmem:$0x4880] =	vst v63  }
0x7d: {  	s21 =	sadd.s32 s1, s21  }
0x7e: {  	[tilespmem:s12], [sflag:$0x2] =	stream.linear.gather [hbm4b:s21+s3], $0x800, $0x38;
	[tilespmem:$0x4880] =	vst v63  }
0x7f: {  	_ =	swait.ge [sflag:s11], $0x800  }
0x80: {  	s28 =	sadd.s32 $0xFFFFF000, s20;
	[sflag:s11] =	ssyncset.done $0x0  }
0x81: {  	s21 =	sshrl.u32 s28, $0x3;
	[sflag:s11] =	ssyncadd.s32 $0xFFFFF800  }
0x82: {  	[spmem:s2] =	stream.indirect.scatter.add.f32 [tilespmem:s13], [sflag:$0x1], $0x1, s12, s12, $0xb8;
	[tilespmem:$0x4880] =	vst v63  }
0x83: {  	s21 =	sadd.s32 s1, s21  }
0x84: {  	[tilespmem:s14], [sflag:$0x2] =	stream.linear.gather [hbm4b:s21+s3], $0x800, $0x38;
	[tilespmem:$0x4880] =	vst v63  }
0x85: {  	_ =	swait.ge [sflag:s11], $0x800  }
0x86: {  	s29 =	sadd.s32 $0xFFFFF800, s20;
	[sflag:s11] =	ssyncset.done $0x0  }
0x87: {  	s21 =	sshrl.u32 s29, $0x3;
	[sflag:s11] =	ssyncadd.s32 $0xFFFFF800  }
0x88: {  	[spmem:s2] =	stream.indirect.scatter.add.f32 [tilespmem:s13], [sflag:$0x1], $0x1, s14, s12, $0xb8;
	[tilespmem:$0x4880] =	vst v63  }
0x89: {  	s21 =	sadd.s32 s1, s21  }
0x8a: {  	[tilespmem:s15], [sflag:$0x2] =	stream.linear.gather [hbm4b:s21+s3], $0x800, $0x38;
	[tilespmem:$0x4880] =	vst v63  }
0x8b: {  	_ =	swait.ge [sflag:s11], $0x800  }
0x8c: {  	[sflag:s11] =	ssyncset.done $0x0  }
0x8d: {  	s30 =	sshrl.u32 s20, $0x3;
	[sflag:s11] =	ssyncadd.s32 $0xFFFFF800  }
0x8e: {  	[spmem:s2] =	stream.indirect.scatter.add.f32 [tilespmem:s13], [sflag:$0x1], $0x1, s15, s12, $0xb8;
	[tilespmem:$0x4880] =	vst v63  }
0x8f: {  	s20 =	sadd.s32 s1, s30  }
0x90: {  	[tilespmem:s16], [sflag:$0x2] =	stream.linear.gather [hbm4b:s20+s3], $0x800, $0x38;
	[tilespmem:$0x4880] =	vst v63  }
0x91: {  	_ =	swait.ge [sflag:s11], $0x800  }
0x92: {  	[sflag:s11] =	ssyncset.done $0x0  }
0x93: {  	[sflag:s11] =	ssyncadd.s32 $0xFFFFF800  }
0x94: {  	[spmem:s2] =	stream.indirect.scatter.add.f32 [tilespmem:s13], [sflag:$0x1], $0x1, s16, s12, $0xb8;
	[tilespmem:$0x4880] =	vst v63  }
0x95: {  	_ =	swait.ge [sflag:s17], $0x800  }
0x96: {  	[sflag:s17] =	ssyncset.done $0x0  }
0x97: {  	[sflag:s17] =	ssyncadd.s32 $0xFFFFF800  }
0x98: {  	_ =	swait.ge [sflag:s17], $0x800  }
0x99: {  	[sflag:s17] =	ssyncset.done $0x0  }
0x9a: {  	[sflag:s17] =	ssyncadd.s32 $0xFFFFF800  }
0x9b: {  	_ =	swait.ge [sflag:s17], $0x800  }
0x9c: {  	[sflag:s17] =	ssyncset.done $0x0  }
0x9d: {  	[sflag:s17] =	ssyncadd.s32 $0xFFFFF800  }
0x9e: {  	_ =	swait.ge [sflag:s17], $0x800  }
0x9f: {  	[sflag:s17] =	ssyncset.done $0x0  }
0xa0: {  	[sflag:s17] =	ssyncadd.s32 $0xFFFFF800  }
0xa1: {  	_ =	swait.ge [sflag:s17], $0x800  }
0xa2: {  	[sflag:s17] =	ssyncset.done $0x0  }
0xa3: {  	s31 =	sshll.u32 s4, $0x6;
	s19 =	sadd.s32 $0x1, s19;
	[sflag:s17] =	ssyncadd.s32 $0xFFFFF800  }
0xa4: {  	p1 =	sne.s32 s19, s8;
	s20 =	sor.u32 $0x1C02, s31;
	[bflag:$0x0] =	sbarrier.arrive $0xFFFF  }
0xa5: {  	[hbm:s7], [sflag:s20] =	dma.local [spmem:s18], $0x310  }
.Ltmp4:
0xa6: {  	_ = 	snop;
	(pc) =	sbr.rel @p1 .LBB2_1-.Ltmp4, $4  }
.Ltmp5:
0xa7: {  	_ = 	snop;
	(pc) =	sbr.rel @!p1 .LBB2_8-.Ltmp5, $4  }
0xa8: {  	_ =	swait.ge [sflag:s11], $0x310  }
0xa9: {  	[sflag:s11] =	ssyncset.done $0x0  }
0xaa: {  	[sflag:s11] =	ssyncadd.s32 $0xFFFFFCF0  }
0xab: {  	_ = 	snop  }
.LBB2_4:
.Ltmp6:
0xac: {  	(pc) =	sbr.rel .LBB2_7-.Ltmp6, $2  }
0xad: {  	_ =	sdelay $0x2  }
0xae: {  	s20 =	smov.u32 s9  }
.LBB2_8:
0xaf: {  	_ =	sfence.sel $0x180000  }
0xb0: {  	[bflag:$0x0] =	sbarrier.arrive $0xFFFF  }
0xb1: {  	_ =	strace $0x90000047  }
0xb2: {  	s0 =	sadd.s32 @!p0 $0x100000, s0;
	[bflag:$0x2] =	sbarrier.arrive $0xFFFF  }
0xb3: {  	[sflag:s0] =	ssyncadd.tile.s32 @!p0 $0x1;
	_ =	shalt  }
.Lfunc_end2:
_tile_overlayer_lowered:
.L_overlay_start_2:
0xb4: {  	(tag) =	ssettag $0x2  }
0xb5: {  	s0 =	rddreg [dreg:$0x0];
	s2 =	stileid.u32  }
0xb6: {  	s1 =	rddreg [dreg:$0x1];
	p0 =	sne.s32 s2, $0x0  }
0xb7: {  	s3 =	rddreg [dreg:$0x2];
	[bflag:$0x3] =	sbarrier.arrive $0xFFFF;
	s2 =	simm.s32 @!p0 $0x1C02  }
0xb8: {  	[timem:s3], [sflag:s2] =	dma.local @!p0 [hbm:s0], s1  }
0xb9: {  	s0 =	simm.s32 @!p0 $0x2  }
0xba: {  	_ =	swait.ge @!p0 [sflag:s0], s1  }
0xbb: {  	s1 =	ssub.s32 @!p0 $0x0, s1;
	[sflag:s0] =	ssyncset.done @!p0 $0x0  }
0xbc: {  	[sflag:s0] =	ssyncadd.s32 @!p0 s1  }
0xbd: {  	[bflag:$0x3] =	sbarrier.arrive $0xFFFF  }
0xbe: {  	_ =	shalt  }

</sc_bundles>
